<compile_context>
chip_gen: v7x
topology: tpu7x:2x2x1
jax: 0.10.2.dev20260603
libtpu: 0.0.44.dev20260713+nightly
codegen_flags: <defaults>
</compile_context>

<pallas_src>
import functools

import jax
import jax.numpy as jnp
from jax import lax
from jax.experimental import pallas as pl
from jax.experimental.pallas import tpu as pltpu
from jax.experimental.pallas import tpu_sc as plsc

_BE = 1280
_RPAD = 512


def _tc_body(t_ref, rel_ref, xi_ref, xj_ref, out_ref):
    t = t_ref[0, 0, :].astype(jnp.int32)
    iota = jax.lax.broadcasted_iota(jnp.int32, (t.shape[0], _RPAD), 1)
    onehot = (t[:, None] == iota).astype(jnp.bfloat16)
    r = jnp.dot(onehot, rel_ref[...],
                preferred_element_type=jnp.float32)
    p = xi_ref[...] * xj_ref[...]
    out_ref[...] = jnp.sum(p * r, axis=1, keepdims=True)



_SC_NC = 2
_SC_NS = 16
_SC_L = 16
_SCB = 64


def _sc_make(E_out, D, NR, c0=0):
    NW = _SC_NC * _SC_NS
    n_chunks = E_out // _SCB
    mesh = plsc.VectorSubcoreMesh(core_axis_name="c", subcore_axis_name="s")

    @functools.partial(
        pl.kernel, mesh=mesh,
        out_type=jax.ShapeDtypeStruct((E_out,), jnp.float32),
        scratch_types=[
            pltpu.VMEM((2, _SCB), jnp.int32),
            pltpu.VMEM((2, _SCB, 128), jnp.int32),
            pltpu.VMEM((2, _SCB, D), jnp.float32),
            pltpu.VMEM((2, _SCB, D), jnp.float32),
            pltpu.VMEM((2, _SCB), jnp.float32),
            pltpu.SemaphoreType.DMA,
            pltpu.SemaphoreType.DMA,
            pltpu.SemaphoreType.DMA,
            pltpu.SemaphoreType.DMA,
        ],
        compiler_params=pltpu.CompilerParams(use_tc_tiling_on_sc=True,
                                             needs_layout_passes=False),
    )
    def k(xi_hbm, xj_hbm, t_hbm, rel_hbm, out_hbm,
          idx_v, r_v, xi_v, xj_v, out_v, sem0, sem1, osem0, osem1):
        wid = lax.axis_index("s") * _SC_NC + lax.axis_index("c")
        lanes = lax.iota(jnp.int32, _SC_L)
        my_n = (n_chunks - wid + NW - 1) // NW
        isems = (sem0, sem1)
        osems = (osem0, osem1)

        def in_copies(c, b):
            base = (c0 + wid + c * NW) * _SCB
            sem = isems[b]
            return (
                pltpu.make_async_copy(rel_hbm.at[idx_v.at[b]], r_v.at[b], sem),
                pltpu.make_async_copy(xi_hbm.at[pl.ds(base, _SCB)],
                                      xi_v.at[b], sem),
                pltpu.make_async_copy(xj_hbm.at[pl.ds(base, _SCB)],
                                      xj_v.at[b], sem),
            )

        def start_inputs(c, b):
            base = (c0 + wid + c * NW) * _SCB
            pltpu.sync_copy(t_hbm.at[pl.ds(base, _SCB)], idx_v.at[b])
            for cp in in_copies(c, b):
                cp.start()

        def out_copy(c, b):
            base = (wid + c * NW) * _SCB
            return pltpu.make_async_copy(out_v.at[b],
                                         out_hbm.at[pl.ds(base, _SCB)],
                                         osems[b])

        start_inputs(0, 0)

        def chunk_pair(p, _):
            for b in range(2):
                c = p * 2 + b

                @pl.when(c < my_n)
                def _do():
                    @pl.when(c + 1 < my_n)
                    def _pref():
                        start_inputs(c + 1, 1 - b)

                    for cp in in_copies(c, b):
                        cp.wait()

                    @pl.when(c >= 2)
                    def _drain():
                        out_copy(c - 2, b).wait()

                    @plsc.parallel_loop(0, _SCB, 1, unroll=2)
                    def _edge(e):
                        acc = jnp.zeros((_SC_L,), jnp.float32)
                        for kk in range(8):
                            rv = r_v[b, e, pl.ds(16 * kk, 16)]
                            rbf = plsc.bitcast(rv, jnp.bfloat16)
                            ra, rb = plsc.unpack(
                                rbf, format=plsc.PackFormat.INTERLEAVED)
                            s0 = pl.ds(32 * kk, _SC_L)
                            s1 = pl.ds(32 * kk + _SC_L, _SC_L)
                            acc = acc + xi_v[b, e, s0] * ra * xj_v[b, e, s0]
                            acc = acc + xi_v[b, e, s1] * rb * xj_v[b, e, s1]
                        s = jnp.full((_SC_L,), jnp.sum(acc))
                        plsc.store_scatter(
                            out_v.at[b], [jnp.full((_SC_L,), e, jnp.int32)],
                            s, mask=lanes == 0)

                    out_copy(c, b).start()

            return _

        lax.fori_loop(0, (my_n + 1) // 2, chunk_pair, 0)

        @pl.when(my_n % 2 == 0)
        def _drain_even():
            out_copy(my_n - 2, 0).wait()
            out_copy(my_n - 1, 1).wait()

        @pl.when(my_n % 2 == 1)
        def _drain_odd():
            out_copy(my_n - 2, 1).wait()
            out_copy(my_n - 1, 0).wait()

    return k


def _tc_call(x_i, x_j, edge_type, rel_emb, e_tc):
    E, D = x_i.shape
    nb = e_tc // _BE
    t3 = edge_type[:e_tc].astype(jnp.int32).reshape(nb, 1, _BE)
    relp = jnp.zeros((_RPAD, D), jnp.bfloat16).at[: rel_emb.shape[0]].set(
        rel_emb.astype(jnp.bfloat16))
    out = pl.pallas_call(
        _tc_body,
        grid=(nb,),
        in_specs=[
            pl.BlockSpec((1, 1, _BE), lambda i: (i, 0, 0)),
            pl.BlockSpec((_RPAD, D), lambda i: (0, 0)),
            pl.BlockSpec((_BE, D), lambda i: (i, 0)),
            pl.BlockSpec((_BE, D), lambda i: (i, 0)),
        ],
        out_specs=pl.BlockSpec((_BE, 1), lambda i: (i, 0)),
        out_shape=jax.ShapeDtypeStruct((e_tc, 1), jnp.float32),
        compiler_params=pltpu.CompilerParams(
            dimension_semantics=("arbitrary",)),
    )(t3, relp, x_i, x_j)
    return out.reshape(e_tc)


def _rel_pack(rel_emb):
    NR, D = rel_emb.shape
    u = jax.lax.bitcast_convert_type(rel_emb.astype(jnp.bfloat16),
                                     jnp.uint16).astype(jnp.uint32)
    u = u.reshape(NR, D // 32, 2, 16)
    w = u[:, :, 0, :] | (u[:, :, 1, :] << 16)
    return jax.lax.bitcast_convert_type(w, jnp.int32).reshape(NR, D // 2)


def kernel_sc(x_i, x_j, edge_type, rel_emb):
    E, D = x_i.shape
    return _sc_make(E, D, rel_emb.shape[0])(
        x_i, x_j, edge_type.astype(jnp.int32), _rel_pack(rel_emb))


def kernel_tc(x_i, x_j, edge_type, rel_emb):
    E, D = x_i.shape
    return _tc_call(x_i, x_j, edge_type, rel_emb, E)


_E_TC = 76800


def kernel(x_i, x_j, edge_type, rel_emb):
    E, D = x_i.shape
    out_sc = _sc_make(E - _E_TC, D, rel_emb.shape[0], _E_TC // _SCB)(
        x_i, x_j, edge_type.astype(jnp.int32), _rel_pack(rel_emb))
    out_tc = _tc_call(x_i, x_j, edge_type, rel_emb, _E_TC)
    return jnp.concatenate([out_tc, out_sc])

# --- scband reference (transcript-rebuilt; emitter-appended) ---
"""Pipeline reference for scband-dist-mult-55473797595461 (READ-ONLY COPY).

The authoritative reference and input builder live on the scoring server;
editing this copy changes nothing except your own understanding.
"""

import jax, jax.numpy as jnp
import numpy as np

E = 160000
D = 256
NUM_REL = 500

def setup_inputs(seed: int = 0) -> dict:
    key = jax.random.key(seed)
    k1, k2, k3, k4 = jax.random.split(key, 4)
    x_i = jax.random.normal(k1, (E, D), dtype=jnp.float32)
    x_j = jax.random.normal(k2, (E, D), dtype=jnp.float32)
    edge_type = jax.random.randint(k3, (E,), 0, NUM_REL, dtype=jnp.int64 if jax.config.jax_enable_x64 else jnp.int32)
    rel_emb = jax.random.normal(k4, (NUM_REL, D), dtype=jnp.float32)
    return {"x_i": x_i, "x_j": x_j, "edge_type": edge_type, "rel_emb": rel_emb}

def reference(x_i, x_j, edge_type, rel_emb):
    # DistMult score: sum(x_i * r * x_j) over feature dim
    r = jnp.take(rel_emb, edge_type, axis=0)
    score = jnp.sum(x_i * r * x_j, axis=-1)
    return score

if __name__ == "__main__":
    import jax
    _d = setup_inputs()
    print(jax.jit(kernel)(*tuple(_d.values())))

</pallas_src>

<mosaic_0001>
#map = affine_map<(d0, d1) -> (0, 0)>
#map1 = affine_map<(d0, d1) -> (0)>
module attributes {stable_mosaic.version = 14 : i64} {
  func.func @k(%arg0: i32, %arg1: i32, %arg2: memref<160000x256xf32, #tpu.memory_space<hbm>>, %arg3: memref<160000x256xf32, #tpu.memory_space<hbm>>, %arg4: memref<160000xi32, #tpu.memory_space<hbm>>, %arg5: memref<500x128xi32, #tpu.memory_space<hbm>>, %arg6: memref<83200xf32, #tpu.memory_space<hbm>>, %arg7: memref<2x64xi32, #tpu.memory_space<vmem>>, %arg8: memref<2x64x128xi32, #tpu.memory_space<vmem>>, %arg9: memref<2x64x256xf32, #tpu.memory_space<vmem>>, %arg10: memref<2x64x256xf32, #tpu.memory_space<vmem>>, %arg11: memref<2x64xf32, #tpu.memory_space<vmem>>, %arg12: memref<!tpu.dma_semaphore, #tpu.memory_space<semaphore_mem>>, %arg13: memref<!tpu.dma_semaphore, #tpu.memory_space<semaphore_mem>>, %arg14: memref<!tpu.dma_semaphore, #tpu.memory_space<semaphore_mem>>, %arg15: memref<!tpu.dma_semaphore, #tpu.memory_space<semaphore_mem>>) attributes {dimension_semantics = [#tpu.dimension_semantics<core_parallel>, #tpu.dimension_semantics<subcore_parallel>], iteration_bounds = array<i64: 2, 16>, scalar_prefetch = 0 : i64, scratch_operands = 9 : i64, tpu.core_type = #tpu.core_type<sc_vector_subcore>, window_params = [{transform_indices = #map}, {transform_indices = #map}, {transform_indices = #map1}, {transform_indices = #map}, {transform_indices = #map1}]} {
    %mul3A = arith.constant 2 : i32
    %mul3A_0 = arith.muli %arg1, %mul3A : i32
    %add3A = arith.addi %mul3A_0, %arg0 : i32
    %iota3A = tpu.iota {dimensions = array<i32: 0>} : vector<16xi32>
    %sub3A = arith.constant 1300 : i32
    %sub3A_1 = arith.subi %sub3A, %add3A : i32
    %add3A_2 = arith.constant 32 : i32
    %add3A_3 = arith.addi %sub3A_1, %add3A_2 : i32
    %sub3A_4 = arith.constant 1 : i32
    %sub3A_5 = arith.subi %add3A_3, %sub3A_4 : i32
    %jit3A = arith.constant 32 : i32
    %div3A = arith.divsi %sub3A_5, %jit3A : i32
    %sign3A = arith.constant 0 : i32
    %sign3A_6 = arith.cmpi sgt, %sub3A_5, %sign3A : i32
    %sign3A_7 = arith.extui %sign3A_6 : i1 to i32
    %sign3A_8 = arith.constant 0 : i32
    %sign3A_9 = arith.cmpi slt, %sub3A_5, %sign3A_8 : i32
    %sign3A_10 = arith.extui %sign3A_9 : i1 to i32
    %sign3A_11 = arith.subi %sign3A_7, %sign3A_10 : i32
    %sign3A_12 = arith.constant 0 : i32
    %sign3A_13 = arith.cmpi sgt, %jit3A, %sign3A_12 : i32
    %sign3A_14 = arith.extui %sign3A_13 : i1 to i32
    %sign3A_15 = arith.constant 0 : i32
    %sign3A_16 = arith.cmpi slt, %jit3A, %sign3A_15 : i32
    %sign3A_17 = arith.extui %sign3A_16 : i1 to i32
    %sign3A_18 = arith.subi %sign3A_14, %sign3A_17 : i32
    %ne3A = arith.cmpi ne, %sign3A_11, %sign3A_18 : i32
    %rem3A = arith.remsi %sub3A_5, %jit3A : i32
    %ne3A_19 = arith.constant 0 : i32
    %ne3A_20 = arith.cmpi ne, %rem3A, %ne3A_19 : i32
    %and3A = arith.andi %ne3A, %ne3A_20 : i1
    %sub3A_21 = arith.constant 1 : i32
    %sub3A_22 = arith.subi %div3A, %sub3A_21 : i32
    %select_n3A = arith.select %and3A, %sub3A_22, %div3A : i32
    %add3A_23 = arith.constant 1200 : i32
    %add3A_24 = arith.addi %add3A_23, %add3A : i32
    %add3A_25 = arith.constant 0 : i32
    %add3A_26 = arith.addi %add3A_24, %add3A_25 : i32
    %mul3A_27 = arith.constant 64 : i32
    %mul3A_28 = arith.muli %add3A_26, %mul3A_27 : i32
    %run_scoped3A = arith.constant 0 : i32
    "tpu.region"() ({
      %run_scoped3A_145 = tpu.sem_alloc : memref<!tpu.dma_semaphore, #tpu.memory_space<semaphore_mem>>
      %dma_start3A_146 = arith.constant 0 : i32
      %dma_start3A_147 = tpu.memref_slice %arg7[%run_scoped3A, %dma_start3A_146] : memref<2x64xi32, #tpu.memory_space<vmem>> -> memref<1x64xi32, #tpu.memory_space<vmem>>
      %dma_start3A_148 = tpu.memref_squeeze %dma_start3A_147 : memref<1x64xi32, #tpu.memory_space<vmem>> -> memref<64xi32, #tpu.memory_space<vmem>>
      %dma_start3A_149 = tpu.memref_slice %arg4[%mul3A_28] : memref<160000xi32, #tpu.memory_space<hbm>> -> memref<64xi32, #tpu.memory_space<hbm>>
      %dma_start3A_150 = arith.constant 0 : i32
      %dma_start3A_151 = tpu.memref_slice %arg7[%run_scoped3A, %dma_start3A_150] : memref<2x64xi32, #tpu.memory_space<vmem>> -> memref<1x64xi32, #tpu.memory_space<vmem>>
      %dma_start3A_152 = tpu.memref_squeeze %dma_start3A_151 : memref<1x64xi32, #tpu.memory_space<vmem>> -> memref<64xi32, #tpu.memory_space<vmem>>
      %dma_start3A_153 = tpu.memref_slice %arg4[%mul3A_28] : memref<160000xi32, #tpu.memory_space<hbm>> -> memref<64xi32, #tpu.memory_space<hbm>>
      tpu.enqueue_dma source(%dma_start3A_153 : memref<64xi32, #tpu.memory_space<hbm>>) target(%dma_start3A_152 : memref<64xi32, #tpu.memory_space<vmem>>) target_semaphore(%run_scoped3A_145 : memref<!tpu.dma_semaphore, #tpu.memory_space<semaphore_mem>>)
      %dma_wait3A = arith.constant 0 : i32
      %dma_wait3A_154 = tpu.memref_slice %arg7[%run_scoped3A, %dma_wait3A] : memref<2x64xi32, #tpu.memory_space<vmem>> -> memref<1x64xi32, #tpu.memory_space<vmem>>
      %dma_wait3A_155 = tpu.memref_squeeze %dma_wait3A_154 : memref<1x64xi32, #tpu.memory_space<vmem>> -> memref<64xi32, #tpu.memory_space<vmem>>
      %dma_wait3A_156 = tpu.memref_slice %arg4[%mul3A_28] : memref<160000xi32, #tpu.memory_space<hbm>> -> memref<64xi32, #tpu.memory_space<hbm>>
      %dma_wait3A_157 = arith.constant 0 : i32
      %dma_wait3A_158 = tpu.memref_slice %arg7[%run_scoped3A, %dma_wait3A_157] : memref<2x64xi32, #tpu.memory_space<vmem>> -> memref<1x64xi32, #tpu.memory_space<vmem>>
      %dma_wait3A_159 = tpu.memref_squeeze %dma_wait3A_158 : memref<1x64xi32, #tpu.memory_space<vmem>> -> memref<64xi32, #tpu.memory_space<vmem>>
      %dma_wait3A_160 = tpu.memref_slice %arg4[%mul3A_28] : memref<160000xi32, #tpu.memory_space<hbm>> -> memref<64xi32, #tpu.memory_space<hbm>>
      tpu.wait_dma2 semaphore(%run_scoped3A_145 : memref<!tpu.dma_semaphore, #tpu.memory_space<semaphore_mem>>) src(%dma_wait3A_160 : memref<64xi32, #tpu.memory_space<hbm>>) dst(%dma_wait3A_159 : memref<64xi32, #tpu.memory_space<vmem>>)
      tpu.yield
    }) : () -> ()
    %add3A_29 = arith.constant 1200 : i32
    %add3A_30 = arith.addi %add3A_29, %add3A : i32
    %add3A_31 = arith.constant 0 : i32
    %add3A_32 = arith.addi %add3A_30, %add3A_31 : i32
    %mul3A_33 = arith.constant 64 : i32
    %mul3A_34 = arith.muli %add3A_32, %mul3A_33 : i32
    %dma_start3A = arith.constant 0 : i32
    %dma_start3A_35 = arith.constant 0 : i32
    %dma_start3A_36 = arith.constant 0 : i32
    %dma_start3A_37 = arith.constant 0 : i32
    %dma_start3A_38 = tpu.memref_slice %arg8[%dma_start3A_35, %dma_start3A_36, %dma_start3A_37] : memref<2x64x128xi32, #tpu.memory_space<vmem>> -> memref<1x64x128xi32, #tpu.memory_space<vmem>>
    %dma_start3A_39 = tpu.memref_squeeze %dma_start3A_38 : memref<1x64x128xi32, #tpu.memory_space<vmem>> -> memref<64x128xi32, #tpu.memory_space<vmem>>
    %dma_start3A_40 = arith.constant 0 : i32
    %dma_start3A_41 = tpu.memref_slice %arg7[%dma_start3A, %dma_start3A_40] : memref<2x64xi32, #tpu.memory_space<vmem>> -> memref<1x64xi32, #tpu.memory_space<vmem>>
    %dma_start3A_42 = tpu.memref_squeeze %dma_start3A_41 : memref<1x64xi32, #tpu.memory_space<vmem>> -> memref<64xi32, #tpu.memory_space<vmem>>
    %dma_start3A_43 = arith.constant 0 : i32
    %dma_start3A_44 = arith.constant 0 : i32
    %dma_start3A_45 = tpu.memref_slice %arg5[%dma_start3A_43, %dma_start3A_44] : memref<500x128xi32, #tpu.memory_space<hbm>> -> memref<500x128xi32, #tpu.memory_space<hbm>>
    tpu.enqueue_indirect_dma source(%dma_start3A_45 : memref<500x128xi32, #tpu.memory_space<hbm>>) target(%dma_start3A_39 : memref<64x128xi32, #tpu.memory_space<vmem>>) offsets(%dma_start3A_42 : memref<64xi32, #tpu.memory_space<vmem>>) semaphore(%arg12 : memref<!tpu.dma_semaphore, #tpu.memory_space<semaphore_mem>>)
    %dma_start3A_46 = arith.constant 0 : i32
    %dma_start3A_47 = arith.constant 0 : i32
    %dma_start3A_48 = arith.constant 0 : i32
    %dma_start3A_49 = tpu.memref_slice %arg9[%dma_start3A_46, %dma_start3A_47, %dma_start3A_48] : memref<2x64x256xf32, #tpu.memory_space<vmem>> -> memref<1x64x256xf32, #tpu.memory_space<vmem>>
    %dma_start3A_50 = tpu.memref_squeeze %dma_start3A_49 : memref<1x64x256xf32, #tpu.memory_space<vmem>> -> memref<64x256xf32, #tpu.memory_space<vmem>>
    %dma_start3A_51 = arith.constant 0 : i32
    %dma_start3A_52 = tpu.memref_slice %arg2[%mul3A_34, %dma_start3A_51] : memref<160000x256xf32, #tpu.memory_space<hbm>> -> memref<64x256xf32, #tpu.memory_space<hbm>>
    %dma_start3A_53 = arith.constant 0 : i32
    %dma_start3A_54 = arith.constant 0 : i32
    %dma_start3A_55 = tpu.memref_slice %arg9[%dma_start3A_46, %dma_start3A_53, %dma_start3A_54] : memref<2x64x256xf32, #tpu.memory_space<vmem>> -> memref<1x64x256xf32, #tpu.memory_space<vmem>>
    %dma_start3A_56 = tpu.memref_squeeze %dma_start3A_55 : memref<1x64x256xf32, #tpu.memory_space<vmem>> -> memref<64x256xf32, #tpu.memory_space<vmem>>
    %dma_start3A_57 = arith.constant 0 : i32
    %dma_start3A_58 = tpu.memref_slice %arg2[%mul3A_34, %dma_start3A_57] : memref<160000x256xf32, #tpu.memory_space<hbm>> -> memref<64x256xf32, #tpu.memory_space<hbm>>
    tpu.enqueue_dma source(%dma_start3A_58 : memref<64x256xf32, #tpu.memory_space<hbm>>) target(%dma_start3A_56 : memref<64x256xf32, #tpu.memory_space<vmem>>) target_semaphore(%arg12 : memref<!tpu.dma_semaphore, #tpu.memory_space<semaphore_mem>>)
    %dma_start3A_59 = arith.constant 0 : i32
    %dma_start3A_60 = arith.constant 0 : i32
    %dma_start3A_61 = arith.constant 0 : i32
    %dma_start3A_62 = tpu.memref_slice %arg10[%dma_start3A_59, %dma_start3A_60, %dma_start3A_61] : memref<2x64x256xf32, #tpu.memory_space<vmem>> -> memref<1x64x256xf32, #tpu.memory_space<vmem>>
    %dma_start3A_63 = tpu.memref_squeeze %dma_start3A_62 : memref<1x64x256xf32, #tpu.memory_space<vmem>> -> memref<64x256xf32, #tpu.memory_space<vmem>>
    %dma_start3A_64 = arith.constant 0 : i32
    %dma_start3A_65 = tpu.memref_slice %arg3[%mul3A_34, %dma_start3A_64] : memref<160000x256xf32, #tpu.memory_space<hbm>> -> memref<64x256xf32, #tpu.memory_space<hbm>>
    %dma_start3A_66 = arith.constant 0 : i32
    %dma_start3A_67 = arith.constant 0 : i32
    %dma_start3A_68 = tpu.memref_slice %arg10[%dma_start3A_59, %dma_start3A_66, %dma_start3A_67] : memref<2x64x256xf32, #tpu.memory_space<vmem>> -> memref<1x64x256xf32, #tpu.memory_space<vmem>>
    %dma_start3A_69 = tpu.memref_squeeze %dma_start3A_68 : memref<1x64x256xf32, #tpu.memory_space<vmem>> -> memref<64x256xf32, #tpu.memory_space<vmem>>
    %dma_start3A_70 = arith.constant 0 : i32
    %dma_start3A_71 = tpu.memref_slice %arg3[%mul3A_34, %dma_start3A_70] : memref<160000x256xf32, #tpu.memory_space<hbm>> -> memref<64x256xf32, #tpu.memory_space<hbm>>
    tpu.enqueue_dma source(%dma_start3A_71 : memref<64x256xf32, #tpu.memory_space<hbm>>) target(%dma_start3A_69 : memref<64x256xf32, #tpu.memory_space<vmem>>) target_semaphore(%arg12 : memref<!tpu.dma_semaphore, #tpu.memory_space<semaphore_mem>>)
    %add3A_72 = arith.constant 1 : i32
    %add3A_73 = arith.addi %select_n3A, %add3A_72 : i32
    %jit3A_74 = arith.constant 2 : i32
    %div3A_75 = arith.divsi %add3A_73, %jit3A_74 : i32
    %sign3A_76 = arith.constant 0 : i32
    %sign3A_77 = arith.cmpi sgt, %add3A_73, %sign3A_76 : i32
    %sign3A_78 = arith.extui %sign3A_77 : i1 to i32
    %sign3A_79 = arith.constant 0 : i32
    %sign3A_80 = arith.cmpi slt, %add3A_73, %sign3A_79 : i32
    %sign3A_81 = arith.extui %sign3A_80 : i1 to i32
    %sign3A_82 = arith.subi %sign3A_78, %sign3A_81 : i32
    %sign3A_83 = arith.constant 0 : i32
    %sign3A_84 = arith.cmpi sgt, %jit3A_74, %sign3A_83 : i32
    %sign3A_85 = arith.extui %sign3A_84 : i1 to i32
    %sign3A_86 = arith.constant 0 : i32
    %sign3A_87 = arith.cmpi slt, %jit3A_74, %sign3A_86 : i32
    %sign3A_88 = arith.extui %sign3A_87 : i1 to i32
    %sign3A_89 = arith.subi %sign3A_85, %sign3A_88 : i32
    %ne3A_90 = arith.cmpi ne, %sign3A_82, %sign3A_89 : i32
    %rem3A_91 = arith.remsi %add3A_73, %jit3A_74 : i32
    %ne3A_92 = arith.constant 0 : i32
    %ne3A_93 = arith.cmpi ne, %rem3A_91, %ne3A_92 : i32
    %and3A_94 = arith.andi %ne3A_90, %ne3A_93 : i1
    %sub3A_95 = arith.constant 1 : i32
    %sub3A_96 = arith.subi %div3A_75, %sub3A_95 : i32
    %select_n3A_97 = arith.select %and3A_94, %sub3A_96, %div3A_75 : i32
    %while3A = arith.constant 0 : i32
    %while3A_98 = arith.constant 0 : i32
    %while3A_99 = arith.subi %select_n3A_97, %while3A_98 : i32
    %while3A_100 = arith.addi %while3A_98, %while3A_99 : i32
    %while3A_101 = arith.constant 1 : i32
    %while3A_102 = arith.divsi %while3A_99, %while3A_101 : i32
    %while3A_103 = arith.muli %while3A_102, %while3A_101 : i32
    %while3A_104 = arith.addi %while3A_98, %while3A_103 : i32
    %while3A_105 = arith.constant 1 : i32
    scf.for %while3A_145 = %while3A_98 to %while3A_104 step %while3A_105  : i32 {
      %mul3A_146 = arith.constant 2 : i32
      %mul3A_147 = arith.muli %while3A_145, %mul3A_146 : i32
      %add3A_148 = arith.constant 0 : i32
      %add3A_149 = arith.addi %mul3A_147, %add3A_148 : i32
      %lt3A_150 = arith.cmpi slt, %add3A_149, %select_n3A : i32
      %convert_element_type3A_151 = arith.extui %lt3A_150 : i1 to i32
      %cond3A_152 = arith.constant 0 : i32
      %cond3A_153 = arith.cmpi ne, %convert_element_type3A_151, %cond3A_152 : i32
      scf.if %cond3A_153 {
        %add3A_162 = arith.constant 1 : i32
        %add3A_163 = arith.addi %add3A_149, %add3A_162 : i32
        %lt3A_164 = arith.cmpi slt, %add3A_163, %select_n3A : i32
        %convert_element_type3A_165 = arith.extui %lt3A_164 : i1 to i32
        %cond3A_166 = arith.constant 0 : i32
        %cond3A_167 = arith.cmpi ne, %convert_element_type3A_165, %cond3A_166 : i32
        scf.if %cond3A_167 {
          %add3A_232 = arith.constant 1 : i32
          %add3A_233 = arith.addi %add3A_149, %add3A_232 : i32
          %add3A_234 = arith.constant 1200 : i32
          %add3A_235 = arith.addi %add3A_234, %add3A : i32
          %mul3A_236 = arith.constant 32 : i32
          %mul3A_237 = arith.muli %add3A_233, %mul3A_236 : i32
          %add3A_238 = arith.addi %add3A_235, %mul3A_237 : i32
          %mul3A_239 = arith.constant 64 : i32
          %mul3A_240 = arith.muli %add3A_238, %mul3A_239 : i32
          %run_scoped3A_241 = arith.constant 1 : i32
          "tpu.region"() ({
            %run_scoped3A_287 = tpu.sem_alloc : memref<!tpu.dma_semaphore, #tpu.memory_space<semaphore_mem>>
            %dma_start3A_288 = arith.constant 0 : i32
            %dma_start3A_289 = tpu.memref_slice %arg7[%run_scoped3A_241, %dma_start3A_288] : memref<2x64xi32, #tpu.memory_space<vmem>> -> memref<1x64xi32, #tpu.memory_space<vmem>>
            %dma_start3A_290 = tpu.memref_squeeze %dma_start3A_289 : memref<1x64xi32, #tpu.memory_space<vmem>> -> memref<64xi32, #tpu.memory_space<vmem>>
            %dma_start3A_291 = tpu.memref_slice %arg4[%mul3A_240] : memref<160000xi32, #tpu.memory_space<hbm>> -> memref<64xi32, #tpu.memory_space<hbm>>
            %dma_start3A_292 = arith.constant 0 : i32
            %dma_start3A_293 = tpu.memref_slice %arg7[%run_scoped3A_241, %dma_start3A_292] : memref<2x64xi32, #tpu.memory_space<vmem>> -> memref<1x64xi32, #tpu.memory_space<vmem>>
            %dma_start3A_294 = tpu.memref_squeeze %dma_start3A_293 : memref<1x64xi32, #tpu.memory_space<vmem>> -> memref<64xi32, #tpu.memory_space<vmem>>
            %dma_start3A_295 = tpu.memref_slice %arg4[%mul3A_240] : memref<160000xi32, #tpu.memory_space<hbm>> -> memref<64xi32, #tpu.memory_space<hbm>>
            tpu.enqueue_dma source(%dma_start3A_295 : memref<64xi32, #tpu.memory_space<hbm>>) target(%dma_start3A_294 : memref<64xi32, #tpu.memory_space<vmem>>) target_semaphore(%run_scoped3A_287 : memref<!tpu.dma_semaphore, #tpu.memory_space<semaphore_mem>>)
            %dma_wait3A_296 = arith.constant 0 : i32
            %dma_wait3A_297 = tpu.memref_slice %arg7[%run_scoped3A_241, %dma_wait3A_296] : memref<2x64xi32, #tpu.memory_space<vmem>> -> memref<1x64xi32, #tpu.memory_space<vmem>>
            %dma_wait3A_298 = tpu.memref_squeeze %dma_wait3A_297 : memref<1x64xi32, #tpu.memory_space<vmem>> -> memref<64xi32, #tpu.memory_space<vmem>>
            %dma_wait3A_299 = tpu.memref_slice %arg4[%mul3A_240] : memref<160000xi32, #tpu.memory_space<hbm>> -> memref<64xi32, #tpu.memory_space<hbm>>
            %dma_wait3A_300 = arith.constant 0 : i32
            %dma_wait3A_301 = tpu.memref_slice %arg7[%run_scoped3A_241, %dma_wait3A_300] : memref<2x64xi32, #tpu.memory_space<vmem>> -> memref<1x64xi32, #tpu.memory_space<vmem>>
            %dma_wait3A_302 = tpu.memref_squeeze %dma_wait3A_301 : memref<1x64xi32, #tpu.memory_space<vmem>> -> memref<64xi32, #tpu.memory_space<vmem>>
            %dma_wait3A_303 = tpu.memref_slice %arg4[%mul3A_240] : memref<160000xi32, #tpu.memory_space<hbm>> -> memref<64xi32, #tpu.memory_space<hbm>>
            tpu.wait_dma2 semaphore(%run_scoped3A_287 : memref<!tpu.dma_semaphore, #tpu.memory_space<semaphore_mem>>) src(%dma_wait3A_303 : memref<64xi32, #tpu.memory_space<hbm>>) dst(%dma_wait3A_302 : memref<64xi32, #tpu.memory_space<vmem>>)
            tpu.yield
          }) : () -> ()
          %add3A_242 = arith.constant 1200 : i32
          %add3A_243 = arith.addi %add3A_242, %add3A : i32
          %mul3A_244 = arith.constant 32 : i32
          %mul3A_245 = arith.muli %add3A_233, %mul3A_244 : i32
          %add3A_246 = arith.addi %add3A_243, %mul3A_245 : i32
          %mul3A_247 = arith.constant 64 : i32
          %mul3A_248 = arith.muli %add3A_246, %mul3A_247 : i32
          %dma_start3A_249 = arith.constant 1 : i32
          %dma_start3A_250 = arith.constant 1 : i32
          %dma_start3A_251 = arith.constant 0 : i32
          %dma_start3A_252 = arith.constant 0 : i32
          %dma_start3A_253 = tpu.memref_slice %arg8[%dma_start3A_250, %dma_start3A_251, %dma_start3A_252] : memref<2x64x128xi32, #tpu.memory_space<vmem>> -> memref<1x64x128xi32, #tpu.memory_space<vmem>>
          %dma_start3A_254 = tpu.memref_squeeze %dma_start3A_253 : memref<1x64x128xi32, #tpu.memory_space<vmem>> -> memref<64x128xi32, #tpu.memory_space<vmem>>
          %dma_start3A_255 = arith.constant 0 : i32
          %dma_start3A_256 = tpu.memref_slice %arg7[%dma_start3A_249, %dma_start3A_255] : memref<2x64xi32, #tpu.memory_space<vmem>> -> memref<1x64xi32, #tpu.memory_space<vmem>>
          %dma_start3A_257 = tpu.memref_squeeze %dma_start3A_256 : memref<1x64xi32, #tpu.memory_space<vmem>> -> memref<64xi32, #tpu.memory_space<vmem>>
          %dma_start3A_258 = arith.constant 0 : i32
          %dma_start3A_259 = arith.constant 0 : i32
          %dma_start3A_260 = tpu.memref_slice %arg5[%dma_start3A_258, %dma_start3A_259] : memref<500x128xi32, #tpu.memory_space<hbm>> -> memref<500x128xi32, #tpu.memory_space<hbm>>
          tpu.enqueue_indirect_dma source(%dma_start3A_260 : memref<500x128xi32, #tpu.memory_space<hbm>>) target(%dma_start3A_254 : memref<64x128xi32, #tpu.memory_space<vmem>>) offsets(%dma_start3A_257 : memref<64xi32, #tpu.memory_space<vmem>>) semaphore(%arg13 : memref<!tpu.dma_semaphore, #tpu.memory_space<semaphore_mem>>)
          %dma_start3A_261 = arith.constant 1 : i32
          %dma_start3A_262 = arith.constant 0 : i32
          %dma_start3A_263 = arith.constant 0 : i32
          %dma_start3A_264 = tpu.memref_slice %arg9[%dma_start3A_261, %dma_start3A_262, %dma_start3A_263] : memref<2x64x256xf32, #tpu.memory_space<vmem>> -> memref<1x64x256xf32, #tpu.memory_space<vmem>>
          %dma_start3A_265 = tpu.memref_squeeze %dma_start3A_264 : memref<1x64x256xf32, #tpu.memory_space<vmem>> -> memref<64x256xf32, #tpu.memory_space<vmem>>
          %dma_start3A_266 = arith.constant 0 : i32
          %dma_start3A_267 = tpu.memref_slice %arg2[%mul3A_248, %dma_start3A_266] : memref<160000x256xf32, #tpu.memory_space<hbm>> -> memref<64x256xf32, #tpu.memory_space<hbm>>
          %dma_start3A_268 = arith.constant 0 : i32
          %dma_start3A_269 = arith.constant 0 : i32
          %dma_start3A_270 = tpu.memref_slice %arg9[%dma_start3A_261, %dma_start3A_268, %dma_start3A_269] : memref<2x64x256xf32, #tpu.memory_space<vmem>> -> memref<1x64x256xf32, #tpu.memory_space<vmem>>
          %dma_start3A_271 = tpu.memref_squeeze %dma_start3A_270 : memref<1x64x256xf32, #tpu.memory_space<vmem>> -> memref<64x256xf32, #tpu.memory_space<vmem>>
          %dma_start3A_272 = arith.constant 0 : i32
          %dma_start3A_273 = tpu.memref_slice %arg2[%mul3A_248, %dma_start3A_272] : memref<160000x256xf32, #tpu.memory_space<hbm>> -> memref<64x256xf32, #tpu.memory_space<hbm>>
          tpu.enqueue_dma source(%dma_start3A_273 : memref<64x256xf32, #tpu.memory_space<hbm>>) target(%dma_start3A_271 : memref<64x256xf32, #tpu.memory_space<vmem>>) target_semaphore(%arg13 : memref<!tpu.dma_semaphore, #tpu.memory_space<semaphore_mem>>)
          %dma_start3A_274 = arith.constant 1 : i32
          %dma_start3A_275 = arith.constant 0 : i32
          %dma_start3A_276 = arith.constant 0 : i32
          %dma_start3A_277 = tpu.memref_slice %arg10[%dma_start3A_274, %dma_start3A_275, %dma_start3A_276] : memref<2x64x256xf32, #tpu.memory_space<vmem>> -> memref<1x64x256xf32, #tpu.memory_space<vmem>>
          %dma_start3A_278 = tpu.memref_squeeze %dma_start3A_277 : memref<1x64x256xf32, #tpu.memory_space<vmem>> -> memref<64x256xf32, #tpu.memory_space<vmem>>
          %dma_start3A_279 = arith.constant 0 : i32
          %dma_start3A_280 = tpu.memref_slice %arg3[%mul3A_248, %dma_start3A_279] : memref<160000x256xf32, #tpu.memory_space<hbm>> -> memref<64x256xf32, #tpu.memory_space<hbm>>
          %dma_start3A_281 = arith.constant 0 : i32
          %dma_start3A_282 = arith.constant 0 : i32
          %dma_start3A_283 = tpu.memref_slice %arg10[%dma_start3A_274, %dma_start3A_281, %dma_start3A_282] : memref<2x64x256xf32, #tpu.memory_space<vmem>> -> memref<1x64x256xf32, #tpu.memory_space<vmem>>
          %dma_start3A_284 = tpu.memref_squeeze %dma_start3A_283 : memref<1x64x256xf32, #tpu.memory_space<vmem>> -> memref<64x256xf32, #tpu.memory_space<vmem>>
          %dma_start3A_285 = arith.constant 0 : i32
          %dma_start3A_286 = tpu.memref_slice %arg3[%mul3A_248, %dma_start3A_285] : memref<160000x256xf32, #tpu.memory_space<hbm>> -> memref<64x256xf32, #tpu.memory_space<hbm>>
          tpu.enqueue_dma source(%dma_start3A_286 : memref<64x256xf32, #tpu.memory_space<hbm>>) target(%dma_start3A_284 : memref<64x256xf32, #tpu.memory_space<vmem>>) target_semaphore(%arg13 : memref<!tpu.dma_semaphore, #tpu.memory_space<semaphore_mem>>)
        } else {
        }
        %add3A_168 = arith.constant 1200 : i32
        %add3A_169 = arith.addi %add3A_168, %add3A : i32
        %mul3A_170 = arith.constant 32 : i32
        %mul3A_171 = arith.muli %add3A_149, %mul3A_170 : i32
        %add3A_172 = arith.addi %add3A_169, %mul3A_171 : i32
        %mul3A_173 = arith.constant 64 : i32
        %mul3A_174 = arith.muli %add3A_172, %mul3A_173 : i32
        %dma_wait3A = arith.constant 0 : i32
        %dma_wait3A_175 = arith.constant 0 : i32
        %dma_wait3A_176 = arith.constant 0 : i32
        %dma_wait3A_177 = arith.constant 0 : i32
        %dma_wait3A_178 = tpu.memref_slice %arg8[%dma_wait3A_175, %dma_wait3A_176, %dma_wait3A_177] : memref<2x64x128xi32, #tpu.memory_space<vmem>> -> memref<1x64x128xi32, #tpu.memory_space<vmem>>
        %dma_wait3A_179 = tpu.memref_squeeze %dma_wait3A_178 : memref<1x64x128xi32, #tpu.memory_space<vmem>> -> memref<64x128xi32, #tpu.memory_space<vmem>>
        %dma_wait3A_180 = arith.constant 0 : i32
        %dma_wait3A_181 = tpu.memref_slice %arg7[%dma_wait3A, %dma_wait3A_180] : memref<2x64xi32, #tpu.memory_space<vmem>> -> memref<1x64xi32, #tpu.memory_space<vmem>>
        %dma_wait3A_182 = tpu.memref_squeeze %dma_wait3A_181 : memref<1x64xi32, #tpu.memory_space<vmem>> -> memref<64xi32, #tpu.memory_space<vmem>>
        %dma_wait3A_183 = arith.constant 0 : i32
        %dma_wait3A_184 = arith.constant 0 : i32
        %dma_wait3A_185 = tpu.memref_slice %arg5[%dma_wait3A_183, %dma_wait3A_184] : memref<500x128xi32, #tpu.memory_space<hbm>> -> memref<500x128xi32, #tpu.memory_space<hbm>>
        tpu.wait_indirect_dma semaphore(%arg12 : memref<!tpu.dma_semaphore, #tpu.memory_space<semaphore_mem>>) src(%dma_wait3A_185 : memref<500x128xi32, #tpu.memory_space<hbm>>) dst(%dma_wait3A_179 : memref<64x128xi32, #tpu.memory_space<vmem>>)
        %dma_wait3A_186 = arith.constant 0 : i32
        %dma_wait3A_187 = arith.constant 0 : i32
        %dma_wait3A_188 = arith.constant 0 : i32
        %dma_wait3A_189 = tpu.memref_slice %arg9[%dma_wait3A_186, %dma_wait3A_187, %dma_wait3A_188] : memref<2x64x256xf32, #tpu.memory_space<vmem>> -> memref<1x64x256xf32, #tpu.memory_space<vmem>>
        %dma_wait3A_190 = tpu.memref_squeeze %dma_wait3A_189 : memref<1x64x256xf32, #tpu.memory_space<vmem>> -> memref<64x256xf32, #tpu.memory_space<vmem>>
        %dma_wait3A_191 = arith.constant 0 : i32
        %dma_wait3A_192 = tpu.memref_slice %arg2[%mul3A_174, %dma_wait3A_191] : memref<160000x256xf32, #tpu.memory_space<hbm>> -> memref<64x256xf32, #tpu.memory_space<hbm>>
        %dma_wait3A_193 = arith.constant 0 : i32
        %dma_wait3A_194 = arith.constant 0 : i32
        %dma_wait3A_195 = tpu.memref_slice %arg9[%dma_wait3A_186, %dma_wait3A_193, %dma_wait3A_194] : memref<2x64x256xf32, #tpu.memory_space<vmem>> -> memref<1x64x256xf32, #tpu.memory_space<vmem>>
        %dma_wait3A_196 = tpu.memref_squeeze %dma_wait3A_195 : memref<1x64x256xf32, #tpu.memory_space<vmem>> -> memref<64x256xf32, #tpu.memory_space<vmem>>
        %dma_wait3A_197 = arith.constant 0 : i32
        %dma_wait3A_198 = tpu.memref_slice %arg2[%mul3A_174, %dma_wait3A_197] : memref<160000x256xf32, #tpu.memory_space<hbm>> -> memref<64x256xf32, #tpu.memory_space<hbm>>
        tpu.wait_dma2 semaphore(%arg12 : memref<!tpu.dma_semaphore, #tpu.memory_space<semaphore_mem>>) src(%dma_wait3A_198 : memref<64x256xf32, #tpu.memory_space<hbm>>) dst(%dma_wait3A_196 : memref<64x256xf32, #tpu.memory_space<vmem>>)
        %dma_wait3A_199 = arith.constant 0 : i32
        %dma_wait3A_200 = arith.constant 0 : i32
        %dma_wait3A_201 = arith.constant 0 : i32
        %dma_wait3A_202 = tpu.memref_slice %arg10[%dma_wait3A_199, %dma_wait3A_200, %dma_wait3A_201] : memref<2x64x256xf32, #tpu.memory_space<vmem>> -> memref<1x64x256xf32, #tpu.memory_space<vmem>>
        %dma_wait3A_203 = tpu.memref_squeeze %dma_wait3A_202 : memref<1x64x256xf32, #tpu.memory_space<vmem>> -> memref<64x256xf32, #tpu.memory_space<vmem>>
        %dma_wait3A_204 = arith.constant 0 : i32
        %dma_wait3A_205 = tpu.memref_slice %arg3[%mul3A_174, %dma_wait3A_204] : memref<160000x256xf32, #tpu.memory_space<hbm>> -> memref<64x256xf32, #tpu.memory_space<hbm>>
        %dma_wait3A_206 = arith.constant 0 : i32
        %dma_wait3A_207 = arith.constant 0 : i32
        %dma_wait3A_208 = tpu.memref_slice %arg10[%dma_wait3A_199, %dma_wait3A_206, %dma_wait3A_207] : memref<2x64x256xf32, #tpu.memory_space<vmem>> -> memref<1x64x256xf32, #tpu.memory_space<vmem>>
        %dma_wait3A_209 = tpu.memref_squeeze %dma_wait3A_208 : memref<1x64x256xf32, #tpu.memory_space<vmem>> -> memref<64x256xf32, #tpu.memory_space<vmem>>
        %dma_wait3A_210 = arith.constant 0 : i32
        %dma_wait3A_211 = tpu.memref_slice %arg3[%mul3A_174, %dma_wait3A_210] : memref<160000x256xf32, #tpu.memory_space<hbm>> -> memref<64x256xf32, #tpu.memory_space<hbm>>
        tpu.wait_dma2 semaphore(%arg12 : memref<!tpu.dma_semaphore, #tpu.memory_space<semaphore_mem>>) src(%dma_wait3A_211 : memref<64x256xf32, #tpu.memory_space<hbm>>) dst(%dma_wait3A_209 : memref<64x256xf32, #tpu.memory_space<vmem>>)
        %ge3A = arith.constant 2 : i32
        %ge3A_212 = arith.cmpi sge, %add3A_149, %ge3A : i32
        %convert_element_type3A_213 = arith.extui %ge3A_212 : i1 to i32
        %cond3A_214 = arith.constant 0 : i32
        %cond3A_215 = arith.cmpi ne, %convert_element_type3A_213, %cond3A_214 : i32
        scf.if %cond3A_215 {
          %sub3A_232 = arith.constant 2 : i32
          %sub3A_233 = arith.subi %add3A_149, %sub3A_232 : i32
          %mul3A_234 = arith.constant 32 : i32
          %mul3A_235 = arith.muli %sub3A_233, %mul3A_234 : i32
          %add3A_236 = arith.addi %add3A, %mul3A_235 : i32
          %mul3A_237 = arith.constant 64 : i32
          %mul3A_238 = arith.muli %add3A_236, %mul3A_237 : i32
          %dma_wait3A_239 = arith.constant 0 : i32
          %dma_wait3A_240 = arith.constant 0 : i32
          %dma_wait3A_241 = tpu.memref_slice %arg11[%dma_wait3A_239, %dma_wait3A_240] : memref<2x64xf32, #tpu.memory_space<vmem>> -> memref<1x64xf32, #tpu.memory_space<vmem>>
          %dma_wait3A_242 = tpu.memref_squeeze %dma_wait3A_241 : memref<1x64xf32, #tpu.memory_space<vmem>> -> memref<64xf32, #tpu.memory_space<vmem>>
          %dma_wait3A_243 = tpu.memref_slice %arg6[%mul3A_238] : memref<83200xf32, #tpu.memory_space<hbm>> -> memref<64xf32, #tpu.memory_space<hbm>>
          %dma_wait3A_244 = tpu.memref_slice %arg6[%mul3A_238] : memref<83200xf32, #tpu.memory_space<hbm>> -> memref<64xf32, #tpu.memory_space<hbm>>
          %dma_wait3A_245 = arith.constant 0 : i32
          %dma_wait3A_246 = tpu.memref_slice %arg11[%dma_wait3A_239, %dma_wait3A_245] : memref<2x64xf32, #tpu.memory_space<vmem>> -> memref<1x64xf32, #tpu.memory_space<vmem>>
          %dma_wait3A_247 = tpu.memref_squeeze %dma_wait3A_246 : memref<1x64xf32, #tpu.memory_space<vmem>> -> memref<64xf32, #tpu.memory_space<vmem>>
          tpu.wait_dma2 semaphore(%arg14 : memref<!tpu.dma_semaphore, #tpu.memory_space<semaphore_mem>>) src(%dma_wait3A_247 : memref<64xf32, #tpu.memory_space<vmem>>) dst(%dma_wait3A_244 : memref<64xf32, #tpu.memory_space<hbm>>)
        } else {
        }
        %parallel_loop3A = arith.constant 0 : i32
        %parallel_loop3A_216 = arith.constant 64 : i32
        %parallel_loop3A_217 = arith.constant 1 : i32
        scf.for %parallel_loop3A_232 = %parallel_loop3A to %parallel_loop3A_216 step %parallel_loop3A_217  : i32 {
          %parallel_loop3A_233 = arith.constant 0.000000e+00 : f32
          %parallel_loop3A_234 = vector.broadcast %parallel_loop3A_233 : f32 to vector<16xf32>
          %parallel_loop3A_235 = arith.constant 0 : i32
          %parallel_loop3A_236 = arith.index_cast %parallel_loop3A_235 : i32 to index
          %parallel_loop3A_237 = arith.index_cast %parallel_loop3A_232 : i32 to index
          %parallel_loop3A_238 = arith.constant 0 : index
          %parallel_loop3A_239 = tpu.vector_load %arg8[%parallel_loop3A_236, %parallel_loop3A_237, %parallel_loop3A_238] {strides = array<i32>} : memref<2x64x128xi32, #tpu.memory_space<vmem>>, vector<16xi32>,
          %parallel_loop3A_240 = vector.bitcast %parallel_loop3A_239 : vector<16xi32> to vector<32xbf16>
          %parallel_loop3A_241 = tpu.unpack_subelements %parallel_loop3A_240, 0 {pack_format = #tpu.pack_format<interleaved>} : vector<32xbf16> -> vector<16xf32>
          %parallel_loop3A_242 = tpu.unpack_subelements %parallel_loop3A_240, 1 {pack_format = #tpu.pack_format<interleaved>} : vector<32xbf16> -> vector<16xf32>
          %parallel_loop3A_243 = arith.constant 0 : i32
          %parallel_loop3A_244 = arith.index_cast %parallel_loop3A_243 : i32 to index
          %parallel_loop3A_245 = arith.index_cast %parallel_loop3A_232 : i32 to index
          %parallel_loop3A_246 = arith.constant 0 : index
          %parallel_loop3A_247 = tpu.vector_load %arg9[%parallel_loop3A_244, %parallel_loop3A_245, %parallel_loop3A_246] {strides = array<i32>} : memref<2x64x256xf32, #tpu.memory_space<vmem>>, vector<16xf32>,
          %parallel_loop3A_248 = arith.mulf %parallel_loop3A_247, %parallel_loop3A_241 : vector<16xf32>
          %parallel_loop3A_249 = arith.constant 0 : i32
          %parallel_loop3A_250 = arith.index_cast %parallel_loop3A_249 : i32 to index
          %parallel_loop3A_251 = arith.index_cast %parallel_loop3A_232 : i32 to index
          %parallel_loop3A_252 = arith.constant 0 : index
          %parallel_loop3A_253 = tpu.vector_load %arg10[%parallel_loop3A_250, %parallel_loop3A_251, %parallel_loop3A_252] {strides = array<i32>} : memref<2x64x256xf32, #tpu.memory_space<vmem>>, vector<16xf32>,
          %parallel_loop3A_254 = arith.mulf %parallel_loop3A_248, %parallel_loop3A_253 : vector<16xf32>
          %parallel_loop3A_255 = arith.addf %parallel_loop3A_234, %parallel_loop3A_254 : vector<16xf32>
          %parallel_loop3A_256 = arith.constant 0 : i32
          %parallel_loop3A_257 = arith.index_cast %parallel_loop3A_256 : i32 to index
          %parallel_loop3A_258 = arith.index_cast %parallel_loop3A_232 : i32 to index
          %parallel_loop3A_259 = arith.constant 16 : index
          %parallel_loop3A_260 = tpu.vector_load %arg9[%parallel_loop3A_257, %parallel_loop3A_258, %parallel_loop3A_259] {strides = array<i32>} : memref<2x64x256xf32, #tpu.memory_space<vmem>>, vector<16xf32>,
          %parallel_loop3A_261 = arith.mulf %parallel_loop3A_260, %parallel_loop3A_242 : vector<16xf32>
          %parallel_loop3A_262 = arith.constant 0 : i32
          %parallel_loop3A_263 = arith.index_cast %parallel_loop3A_262 : i32 to index
          %parallel_loop3A_264 = arith.index_cast %parallel_loop3A_232 : i32 to index
          %parallel_loop3A_265 = arith.constant 16 : index
          %parallel_loop3A_266 = tpu.vector_load %arg10[%parallel_loop3A_263, %parallel_loop3A_264, %parallel_loop3A_265] {strides = array<i32>} : memref<2x64x256xf32, #tpu.memory_space<vmem>>, vector<16xf32>,
          %parallel_loop3A_267 = arith.mulf %parallel_loop3A_261, %parallel_loop3A_266 : vector<16xf32>
          %parallel_loop3A_268 = arith.addf %parallel_loop3A_255, %parallel_loop3A_267 : vector<16xf32>
          %parallel_loop3A_269 = arith.constant 0 : i32
          %parallel_loop3A_270 = arith.index_cast %parallel_loop3A_269 : i32 to index
          %parallel_loop3A_271 = arith.index_cast %parallel_loop3A_232 : i32 to index
          %parallel_loop3A_272 = arith.constant 16 : index
          %parallel_loop3A_273 = tpu.vector_load %arg8[%parallel_loop3A_270, %parallel_loop3A_271, %parallel_loop3A_272] {strides = array<i32>} : memref<2x64x128xi32, #tpu.memory_space<vmem>>, vector<16xi32>,
          %parallel_loop3A_274 = vector.bitcast %parallel_loop3A_273 : vector<16xi32> to vector<32xbf16>
          %parallel_loop3A_275 = tpu.unpack_subelements %parallel_loop3A_274, 0 {pack_format = #tpu.pack_format<interleaved>} : vector<32xbf16> -> vector<16xf32>
          %parallel_loop3A_276 = tpu.unpack_subelements %parallel_loop3A_274, 1 {pack_format = #tpu.pack_format<interleaved>} : vector<32xbf16> -> vector<16xf32>
          %parallel_loop3A_277 = arith.constant 0 : i32
          %parallel_loop3A_278 = arith.index_cast %parallel_loop3A_277 : i32 to index
          %parallel_loop3A_279 = arith.index_cast %parallel_loop3A_232 : i32 to index
          %parallel_loop3A_280 = arith.constant 32 : index
          %parallel_loop3A_281 = tpu.vector_load %arg9[%parallel_loop3A_278, %parallel_loop3A_279, %parallel_loop3A_280] {strides = array<i32>} : memref<2x64x256xf32, #tpu.memory_space<vmem>>, vector<16xf32>,
          %parallel_loop3A_282 = arith.mulf %parallel_loop3A_281, %parallel_loop3A_275 : vector<16xf32>
          %parallel_loop3A_283 = arith.constant 0 : i32
          %parallel_loop3A_284 = arith.index_cast %parallel_loop3A_283 : i32 to index
          %parallel_loop3A_285 = arith.index_cast %parallel_loop3A_232 : i32 to index
          %parallel_loop3A_286 = arith.constant 32 : index
          %parallel_loop3A_287 = tpu.vector_load %arg10[%parallel_loop3A_284, %parallel_loop3A_285, %parallel_loop3A_286] {strides = array<i32>} : memref<2x64x256xf32, #tpu.memory_space<vmem>>, vector<16xf32>,
          %parallel_loop3A_288 = arith.mulf %parallel_loop3A_282, %parallel_loop3A_287 : vector<16xf32>
          %parallel_loop3A_289 = arith.addf %parallel_loop3A_268, %parallel_loop3A_288 : vector<16xf32>
          %parallel_loop3A_290 = arith.constant 0 : i32
          %parallel_loop3A_291 = arith.index_cast %parallel_loop3A_290 : i32 to index
          %parallel_loop3A_292 = arith.index_cast %parallel_loop3A_232 : i32 to index
          %parallel_loop3A_293 = arith.constant 48 : index
          %parallel_loop3A_294 = tpu.vector_load %arg9[%parallel_loop3A_291, %parallel_loop3A_292, %parallel_loop3A_293] {strides = array<i32>} : memref<2x64x256xf32, #tpu.memory_space<vmem>>, vector<16xf32>,
          %parallel_loop3A_295 = arith.mulf %parallel_loop3A_294, %parallel_loop3A_276 : vector<16xf32>
          %parallel_loop3A_296 = arith.constant 0 : i32
          %parallel_loop3A_297 = arith.index_cast %parallel_loop3A_296 : i32 to index
          %parallel_loop3A_298 = arith.index_cast %parallel_loop3A_232 : i32 to index
          %parallel_loop3A_299 = arith.constant 48 : index
          %parallel_loop3A_300 = tpu.vector_load %arg10[%parallel_loop3A_297, %parallel_loop3A_298, %parallel_loop3A_299] {strides = array<i32>} : memref<2x64x256xf32, #tpu.memory_space<vmem>>, vector<16xf32>,
          %parallel_loop3A_301 = arith.mulf %parallel_loop3A_295, %parallel_loop3A_300 : vector<16xf32>
          %parallel_loop3A_302 = arith.addf %parallel_loop3A_289, %parallel_loop3A_301 : vector<16xf32>
          %parallel_loop3A_303 = arith.constant 0 : i32
          %parallel_loop3A_304 = arith.index_cast %parallel_loop3A_303 : i32 to index
          %parallel_loop3A_305 = arith.index_cast %parallel_loop3A_232 : i32 to index
          %parallel_loop3A_306 = arith.constant 32 : index
          %parallel_loop3A_307 = tpu.vector_load %arg8[%parallel_loop3A_304, %parallel_loop3A_305, %parallel_loop3A_306] {strides = array<i32>} : memref<2x64x128xi32, #tpu.memory_space<vmem>>, vector<16xi32>,
          %parallel_loop3A_308 = vector.bitcast %parallel_loop3A_307 : vector<16xi32> to vector<32xbf16>
          %parallel_loop3A_309 = tpu.unpack_subelements %parallel_loop3A_308, 0 {pack_format = #tpu.pack_format<interleaved>} : vector<32xbf16> -> vector<16xf32>
          %parallel_loop3A_310 = tpu.unpack_subelements %parallel_loop3A_308, 1 {pack_format = #tpu.pack_format<interleaved>} : vector<32xbf16> -> vector<16xf32>
          %parallel_loop3A_311 = arith.constant 0 : i32
          %parallel_loop3A_312 = arith.index_cast %parallel_loop3A_311 : i32 to index
          %parallel_loop3A_313 = arith.index_cast %parallel_loop3A_232 : i32 to index
          %parallel_loop3A_314 = arith.constant 64 : index
          %parallel_loop3A_315 = tpu.vector_load %arg9[%parallel_loop3A_312, %parallel_loop3A_313, %parallel_loop3A_314] {strides = array<i32>} : memref<2x64x256xf32, #tpu.memory_space<vmem>>, vector<16xf32>,
          %parallel_loop3A_316 = arith.mulf %parallel_loop3A_315, %parallel_loop3A_309 : vector<16xf32>
          %parallel_loop3A_317 = arith.constant 0 : i32
          %parallel_loop3A_318 = arith.index_cast %parallel_loop3A_317 : i32 to index
          %parallel_loop3A_319 = arith.index_cast %parallel_loop3A_232 : i32 to index
          %parallel_loop3A_320 = arith.constant 64 : index
          %parallel_loop3A_321 = tpu.vector_load %arg10[%parallel_loop3A_318, %parallel_loop3A_319, %parallel_loop3A_320] {strides = array<i32>} : memref<2x64x256xf32, #tpu.memory_space<vmem>>, vector<16xf32>,
          %parallel_loop3A_322 = arith.mulf %parallel_loop3A_316, %parallel_loop3A_321 : vector<16xf32>
          %parallel_loop3A_323 = arith.addf %parallel_loop3A_302, %parallel_loop3A_322 : vector<16xf32>
          %parallel_loop3A_324 = arith.constant 0 : i32
          %parallel_loop3A_325 = arith.index_cast %parallel_loop3A_324 : i32 to index
          %parallel_loop3A_326 = arith.index_cast %parallel_loop3A_232 : i32 to index
          %parallel_loop3A_327 = arith.constant 80 : index
          %parallel_loop3A_328 = tpu.vector_load %arg9[%parallel_loop3A_325, %parallel_loop3A_326, %parallel_loop3A_327] {strides = array<i32>} : memref<2x64x256xf32, #tpu.memory_space<vmem>>, vector<16xf32>,
          %parallel_loop3A_329 = arith.mulf %parallel_loop3A_328, %parallel_loop3A_310 : vector<16xf32>
          %parallel_loop3A_330 = arith.constant 0 : i32
          %parallel_loop3A_331 = arith.index_cast %parallel_loop3A_330 : i32 to index
          %parallel_loop3A_332 = arith.index_cast %parallel_loop3A_232 : i32 to index
          %parallel_loop3A_333 = arith.constant 80 : index
          %parallel_loop3A_334 = tpu.vector_load %arg10[%parallel_loop3A_331, %parallel_loop3A_332, %parallel_loop3A_333] {strides = array<i32>} : memref<2x64x256xf32, #tpu.memory_space<vmem>>, vector<16xf32>,
          %parallel_loop3A_335 = arith.mulf %parallel_loop3A_329, %parallel_loop3A_334 : vector<16xf32>
          %parallel_loop3A_336 = arith.addf %parallel_loop3A_323, %parallel_loop3A_335 : vector<16xf32>
          %parallel_loop3A_337 = arith.constant 0 : i32
          %parallel_loop3A_338 = arith.index_cast %parallel_loop3A_337 : i32 to index
          %parallel_loop3A_339 = arith.index_cast %parallel_loop3A_232 : i32 to index
          %parallel_loop3A_340 = arith.constant 48 : index
          %parallel_loop3A_341 = tpu.vector_load %arg8[%parallel_loop3A_338, %parallel_loop3A_339, %parallel_loop3A_340] {strides = array<i32>} : memref<2x64x128xi32, #tpu.memory_space<vmem>>, vector<16xi32>,
          %parallel_loop3A_342 = vector.bitcast %parallel_loop3A_341 : vector<16xi32> to vector<32xbf16>
          %parallel_loop3A_343 = tpu.unpack_subelements %parallel_loop3A_342, 0 {pack_format = #tpu.pack_format<interleaved>} : vector<32xbf16> -> vector<16xf32>
          %parallel_loop3A_344 = tpu.unpack_subelements %parallel_loop3A_342, 1 {pack_format = #tpu.pack_format<interleaved>} : vector<32xbf16> -> vector<16xf32>
          %parallel_loop3A_345 = arith.constant 0 : i32
          %parallel_loop3A_346 = arith.index_cast %parallel_loop3A_345 : i32 to index
          %parallel_loop3A_347 = arith.index_cast %parallel_loop3A_232 : i32 to index
          %parallel_loop3A_348 = arith.constant 96 : index
          %parallel_loop3A_349 = tpu.vector_load %arg9[%parallel_loop3A_346, %parallel_loop3A_347, %parallel_loop3A_348] {strides = array<i32>} : memref<2x64x256xf32, #tpu.memory_space<vmem>>, vector<16xf32>,
          %parallel_loop3A_350 = arith.mulf %parallel_loop3A_349, %parallel_loop3A_343 : vector<16xf32>
          %parallel_loop3A_351 = arith.constant 0 : i32
          %parallel_loop3A_352 = arith.index_cast %parallel_loop3A_351 : i32 to index
          %parallel_loop3A_353 = arith.index_cast %parallel_loop3A_232 : i32 to index
          %parallel_loop3A_354 = arith.constant 96 : index
          %parallel_loop3A_355 = tpu.vector_load %arg10[%parallel_loop3A_352, %parallel_loop3A_353, %parallel_loop3A_354] {strides = array<i32>} : memref<2x64x256xf32, #tpu.memory_space<vmem>>, vector<16xf32>,
          %parallel_loop3A_356 = arith.mulf %parallel_loop3A_350, %parallel_loop3A_355 : vector<16xf32>
          %parallel_loop3A_357 = arith.addf %parallel_loop3A_336, %parallel_loop3A_356 : vector<16xf32>
          %parallel_loop3A_358 = arith.constant 0 : i32
          %parallel_loop3A_359 = arith.index_cast %parallel_loop3A_358 : i32 to index
          %parallel_loop3A_360 = arith.index_cast %parallel_loop3A_232 : i32 to index
          %parallel_loop3A_361 = arith.constant 112 : index
          %parallel_loop3A_362 = tpu.vector_load %arg9[%parallel_loop3A_359, %parallel_loop3A_360, %parallel_loop3A_361] {strides = array<i32>} : memref<2x64x256xf32, #tpu.memory_space<vmem>>, vector<16xf32>,
          %parallel_loop3A_363 = arith.mulf %parallel_loop3A_362, %parallel_loop3A_344 : vector<16xf32>
          %parallel_loop3A_364 = arith.constant 0 : i32
          %parallel_loop3A_365 = arith.index_cast %parallel_loop3A_364 : i32 to index
          %parallel_loop3A_366 = arith.index_cast %parallel_loop3A_232 : i32 to index
          %parallel_loop3A_367 = arith.constant 112 : index
          %parallel_loop3A_368 = tpu.vector_load %arg10[%parallel_loop3A_365, %parallel_loop3A_366, %parallel_loop3A_367] {strides = array<i32>} : memref<2x64x256xf32, #tpu.memory_space<vmem>>, vector<16xf32>,
          %parallel_loop3A_369 = arith.mulf %parallel_loop3A_363, %parallel_loop3A_368 : vector<16xf32>
          %parallel_loop3A_370 = arith.addf %parallel_loop3A_357, %parallel_loop3A_369 : vector<16xf32>
          %parallel_loop3A_371 = arith.constant 0 : i32
          %parallel_loop3A_372 = arith.index_cast %parallel_loop3A_371 : i32 to index
          %parallel_loop3A_373 = arith.index_cast %parallel_loop3A_232 : i32 to index
          %parallel_loop3A_374 = arith.constant 64 : index
          %parallel_loop3A_375 = tpu.vector_load %arg8[%parallel_loop3A_372, %parallel_loop3A_373, %parallel_loop3A_374] {strides = array<i32>} : memref<2x64x128xi32, #tpu.memory_space<vmem>>, vector<16xi32>,
          %parallel_loop3A_376 = vector.bitcast %parallel_loop3A_375 : vector<16xi32> to vector<32xbf16>
          %parallel_loop3A_377 = tpu.unpack_subelements %parallel_loop3A_376, 0 {pack_format = #tpu.pack_format<interleaved>} : vector<32xbf16> -> vector<16xf32>
          %parallel_loop3A_378 = tpu.unpack_subelements %parallel_loop3A_376, 1 {pack_format = #tpu.pack_format<interleaved>} : vector<32xbf16> -> vector<16xf32>
          %parallel_loop3A_379 = arith.constant 0 : i32
          %parallel_loop3A_380 = arith.index_cast %parallel_loop3A_379 : i32 to index
          %parallel_loop3A_381 = arith.index_cast %parallel_loop3A_232 : i32 to index
          %parallel_loop3A_382 = arith.constant 128 : index
          %parallel_loop3A_383 = tpu.vector_load %arg9[%parallel_loop3A_380, %parallel_loop3A_381, %parallel_loop3A_382] {strides = array<i32>} : memref<2x64x256xf32, #tpu.memory_space<vmem>>, vector<16xf32>,
          %parallel_loop3A_384 = arith.mulf %parallel_loop3A_383, %parallel_loop3A_377 : vector<16xf32>
          %parallel_loop3A_385 = arith.constant 0 : i32
          %parallel_loop3A_386 = arith.index_cast %parallel_loop3A_385 : i32 to index
          %parallel_loop3A_387 = arith.index_cast %parallel_loop3A_232 : i32 to index
          %parallel_loop3A_388 = arith.constant 128 : index
          %parallel_loop3A_389 = tpu.vector_load %arg10[%parallel_loop3A_386, %parallel_loop3A_387, %parallel_loop3A_388] {strides = array<i32>} : memref<2x64x256xf32, #tpu.memory_space<vmem>>, vector<16xf32>,
          %parallel_loop3A_390 = arith.mulf %parallel_loop3A_384, %parallel_loop3A_389 : vector<16xf32>
          %parallel_loop3A_391 = arith.addf %parallel_loop3A_370, %parallel_loop3A_390 : vector<16xf32>
          %parallel_loop3A_392 = arith.constant 0 : i32
          %parallel_loop3A_393 = arith.index_cast %parallel_loop3A_392 : i32 to index
          %parallel_loop3A_394 = arith.index_cast %parallel_loop3A_232 : i32 to index
          %parallel_loop3A_395 = arith.constant 144 : index
          %parallel_loop3A_396 = tpu.vector_load %arg9[%parallel_loop3A_393, %parallel_loop3A_394, %parallel_loop3A_395] {strides = array<i32>} : memref<2x64x256xf32, #tpu.memory_space<vmem>>, vector<16xf32>,
          %parallel_loop3A_397 = arith.mulf %parallel_loop3A_396, %parallel_loop3A_378 : vector<16xf32>
          %parallel_loop3A_398 = arith.constant 0 : i32
          %parallel_loop3A_399 = arith.index_cast %parallel_loop3A_398 : i32 to index
          %parallel_loop3A_400 = arith.index_cast %parallel_loop3A_232 : i32 to index
          %parallel_loop3A_401 = arith.constant 144 : index
          %parallel_loop3A_402 = tpu.vector_load %arg10[%parallel_loop3A_399, %parallel_loop3A_400, %parallel_loop3A_401] {strides = array<i32>} : memref<2x64x256xf32, #tpu.memory_space<vmem>>, vector<16xf32>,
          %parallel_loop3A_403 = arith.mulf %parallel_loop3A_397, %parallel_loop3A_402 : vector<16xf32>
          %parallel_loop3A_404 = arith.addf %parallel_loop3A_391, %parallel_loop3A_403 : vector<16xf32>
          %parallel_loop3A_405 = arith.constant 0 : i32
          %parallel_loop3A_406 = arith.index_cast %parallel_loop3A_405 : i32 to index
          %parallel_loop3A_407 = arith.index_cast %parallel_loop3A_232 : i32 to index
          %parallel_loop3A_408 = arith.constant 80 : index
          %parallel_loop3A_409 = tpu.vector_load %arg8[%parallel_loop3A_406, %parallel_loop3A_407, %parallel_loop3A_408] {strides = array<i32>} : memref<2x64x128xi32, #tpu.memory_space<vmem>>, vector<16xi32>,
          %parallel_loop3A_410 = vector.bitcast %parallel_loop3A_409 : vector<16xi32> to vector<32xbf16>
          %parallel_loop3A_411 = tpu.unpack_subelements %parallel_loop3A_410, 0 {pack_format = #tpu.pack_format<interleaved>} : vector<32xbf16> -> vector<16xf32>
          %parallel_loop3A_412 = tpu.unpack_subelements %parallel_loop3A_410, 1 {pack_format = #tpu.pack_format<interleaved>} : vector<32xbf16> -> vector<16xf32>
          %parallel_loop3A_413 = arith.constant 0 : i32
          %parallel_loop3A_414 = arith.index_cast %parallel_loop3A_413 : i32 to index
          %parallel_loop3A_415 = arith.index_cast %parallel_loop3A_232 : i32 to index
          %parallel_loop3A_416 = arith.constant 160 : index
          %parallel_loop3A_417 = tpu.vector_load %arg9[%parallel_loop3A_414, %parallel_loop3A_415, %parallel_loop3A_416] {strides = array<i32>} : memref<2x64x256xf32, #tpu.memory_space<vmem>>, vector<16xf32>,
          %parallel_loop3A_418 = arith.mulf %parallel_loop3A_417, %parallel_loop3A_411 : vector<16xf32>
          %parallel_loop3A_419 = arith.constant 0 : i32
          %parallel_loop3A_420 = arith.index_cast %parallel_loop3A_419 : i32 to index
          %parallel_loop3A_421 = arith.index_cast %parallel_loop3A_232 : i32 to index
          %parallel_loop3A_422 = arith.constant 160 : index
          %parallel_loop3A_423 = tpu.vector_load %arg10[%parallel_loop3A_420, %parallel_loop3A_421, %parallel_loop3A_422] {strides = array<i32>} : memref<2x64x256xf32, #tpu.memory_space<vmem>>, vector<16xf32>,
          %parallel_loop3A_424 = arith.mulf %parallel_loop3A_418, %parallel_loop3A_423 : vector<16xf32>
          %parallel_loop3A_425 = arith.addf %parallel_loop3A_404, %parallel_loop3A_424 : vector<16xf32>
          %parallel_loop3A_426 = arith.constant 0 : i32
          %parallel_loop3A_427 = arith.index_cast %parallel_loop3A_426 : i32 to index
          %parallel_loop3A_428 = arith.index_cast %parallel_loop3A_232 : i32 to index
          %parallel_loop3A_429 = arith.constant 176 : index
          %parallel_loop3A_430 = tpu.vector_load %arg9[%parallel_loop3A_427, %parallel_loop3A_428, %parallel_loop3A_429] {strides = array<i32>} : memref<2x64x256xf32, #tpu.memory_space<vmem>>, vector<16xf32>,
          %parallel_loop3A_431 = arith.mulf %parallel_loop3A_430, %parallel_loop3A_412 : vector<16xf32>
          %parallel_loop3A_432 = arith.constant 0 : i32
          %parallel_loop3A_433 = arith.index_cast %parallel_loop3A_432 : i32 to index
          %parallel_loop3A_434 = arith.index_cast %parallel_loop3A_232 : i32 to index
          %parallel_loop3A_435 = arith.constant 176 : index
          %parallel_loop3A_436 = tpu.vector_load %arg10[%parallel_loop3A_433, %parallel_loop3A_434, %parallel_loop3A_435] {strides = array<i32>} : memref<2x64x256xf32, #tpu.memory_space<vmem>>, vector<16xf32>,
          %parallel_loop3A_437 = arith.mulf %parallel_loop3A_431, %parallel_loop3A_436 : vector<16xf32>
          %parallel_loop3A_438 = arith.addf %parallel_loop3A_425, %parallel_loop3A_437 : vector<16xf32>
          %parallel_loop3A_439 = arith.constant 0 : i32
          %parallel_loop3A_440 = arith.index_cast %parallel_loop3A_439 : i32 to index
          %parallel_loop3A_441 = arith.index_cast %parallel_loop3A_232 : i32 to index
          %parallel_loop3A_442 = arith.constant 96 : index
          %parallel_loop3A_443 = tpu.vector_load %arg8[%parallel_loop3A_440, %parallel_loop3A_441, %parallel_loop3A_442] {strides = array<i32>} : memref<2x64x128xi32, #tpu.memory_space<vmem>>, vector<16xi32>,
          %parallel_loop3A_444 = vector.bitcast %parallel_loop3A_443 : vector<16xi32> to vector<32xbf16>
          %parallel_loop3A_445 = tpu.unpack_subelements %parallel_loop3A_444, 0 {pack_format = #tpu.pack_format<interleaved>} : vector<32xbf16> -> vector<16xf32>
          %parallel_loop3A_446 = tpu.unpack_subelements %parallel_loop3A_444, 1 {pack_format = #tpu.pack_format<interleaved>} : vector<32xbf16> -> vector<16xf32>
          %parallel_loop3A_447 = arith.constant 0 : i32
          %parallel_loop3A_448 = arith.index_cast %parallel_loop3A_447 : i32 to index
          %parallel_loop3A_449 = arith.index_cast %parallel_loop3A_232 : i32 to index
          %parallel_loop3A_450 = arith.constant 192 : index
          %parallel_loop3A_451 = tpu.vector_load %arg9[%parallel_loop3A_448, %parallel_loop3A_449, %parallel_loop3A_450] {strides = array<i32>} : memref<2x64x256xf32, #tpu.memory_space<vmem>>, vector<16xf32>,
          %parallel_loop3A_452 = arith.mulf %parallel_loop3A_451, %parallel_loop3A_445 : vector<16xf32>
          %parallel_loop3A_453 = arith.constant 0 : i32
          %parallel_loop3A_454 = arith.index_cast %parallel_loop3A_453 : i32 to index
          %parallel_loop3A_455 = arith.index_cast %parallel_loop3A_232 : i32 to index
          %parallel_loop3A_456 = arith.constant 192 : index
          %parallel_loop3A_457 = tpu.vector_load %arg10[%parallel_loop3A_454, %parallel_loop3A_455, %parallel_loop3A_456] {strides = array<i32>} : memref<2x64x256xf32, #tpu.memory_space<vmem>>, vector<16xf32>,
          %parallel_loop3A_458 = arith.mulf %parallel_loop3A_452, %parallel_loop3A_457 : vector<16xf32>
          %parallel_loop3A_459 = arith.addf %parallel_loop3A_438, %parallel_loop3A_458 : vector<16xf32>
          %parallel_loop3A_460 = arith.constant 0 : i32
          %parallel_loop3A_461 = arith.index_cast %parallel_loop3A_460 : i32 to index
          %parallel_loop3A_462 = arith.index_cast %parallel_loop3A_232 : i32 to index
          %parallel_loop3A_463 = arith.constant 208 : index
          %parallel_loop3A_464 = tpu.vector_load %arg9[%parallel_loop3A_461, %parallel_loop3A_462, %parallel_loop3A_463] {strides = array<i32>} : memref<2x64x256xf32, #tpu.memory_space<vmem>>, vector<16xf32>,
          %parallel_loop3A_465 = arith.mulf %parallel_loop3A_464, %parallel_loop3A_446 : vector<16xf32>
          %parallel_loop3A_466 = arith.constant 0 : i32
          %parallel_loop3A_467 = arith.index_cast %parallel_loop3A_466 : i32 to index
          %parallel_loop3A_468 = arith.index_cast %parallel_loop3A_232 : i32 to index
          %parallel_loop3A_469 = arith.constant 208 : index
          %parallel_loop3A_470 = tpu.vector_load %arg10[%parallel_loop3A_467, %parallel_loop3A_468, %parallel_loop3A_469] {strides = array<i32>} : memref<2x64x256xf32, #tpu.memory_space<vmem>>, vector<16xf32>,
          %parallel_loop3A_471 = arith.mulf %parallel_loop3A_465, %parallel_loop3A_470 : vector<16xf32>
          %parallel_loop3A_472 = arith.addf %parallel_loop3A_459, %parallel_loop3A_471 : vector<16xf32>
          %parallel_loop3A_473 = arith.constant 0 : i32
          %parallel_loop3A_474 = arith.index_cast %parallel_loop3A_473 : i32 to index
          %parallel_loop3A_475 = arith.index_cast %parallel_loop3A_232 : i32 to index
          %parallel_loop3A_476 = arith.constant 112 : index
          %parallel_loop3A_477 = tpu.vector_load %arg8[%parallel_loop3A_474, %parallel_loop3A_475, %parallel_loop3A_476] {strides = array<i32>} : memref<2x64x128xi32, #tpu.memory_space<vmem>>, vector<16xi32>,
          %parallel_loop3A_478 = vector.bitcast %parallel_loop3A_477 : vector<16xi32> to vector<32xbf16>
          %parallel_loop3A_479 = tpu.unpack_subelements %parallel_loop3A_478, 0 {pack_format = #tpu.pack_format<interleaved>} : vector<32xbf16> -> vector<16xf32>
          %parallel_loop3A_480 = tpu.unpack_subelements %parallel_loop3A_478, 1 {pack_format = #tpu.pack_format<interleaved>} : vector<32xbf16> -> vector<16xf32>
          %parallel_loop3A_481 = arith.constant 0 : i32
          %parallel_loop3A_482 = arith.index_cast %parallel_loop3A_481 : i32 to index
          %parallel_loop3A_483 = arith.index_cast %parallel_loop3A_232 : i32 to index
          %parallel_loop3A_484 = arith.constant 224 : index
          %parallel_loop3A_485 = tpu.vector_load %arg9[%parallel_loop3A_482, %parallel_loop3A_483, %parallel_loop3A_484] {strides = array<i32>} : memref<2x64x256xf32, #tpu.memory_space<vmem>>, vector<16xf32>,
          %parallel_loop3A_486 = arith.mulf %parallel_loop3A_485, %parallel_loop3A_479 : vector<16xf32>
          %parallel_loop3A_487 = arith.constant 0 : i32
          %parallel_loop3A_488 = arith.index_cast %parallel_loop3A_487 : i32 to index
          %parallel_loop3A_489 = arith.index_cast %parallel_loop3A_232 : i32 to index
          %parallel_loop3A_490 = arith.constant 224 : index
          %parallel_loop3A_491 = tpu.vector_load %arg10[%parallel_loop3A_488, %parallel_loop3A_489, %parallel_loop3A_490] {strides = array<i32>} : memref<2x64x256xf32, #tpu.memory_space<vmem>>, vector<16xf32>,
          %parallel_loop3A_492 = arith.mulf %parallel_loop3A_486, %parallel_loop3A_491 : vector<16xf32>
          %parallel_loop3A_493 = arith.addf %parallel_loop3A_472, %parallel_loop3A_492 : vector<16xf32>
          %parallel_loop3A_494 = arith.constant 0 : i32
          %parallel_loop3A_495 = arith.index_cast %parallel_loop3A_494 : i32 to index
          %parallel_loop3A_496 = arith.index_cast %parallel_loop3A_232 : i32 to index
          %parallel_loop3A_497 = arith.constant 240 : index
          %parallel_loop3A_498 = tpu.vector_load %arg9[%parallel_loop3A_495, %parallel_loop3A_496, %parallel_loop3A_497] {strides = array<i32>} : memref<2x64x256xf32, #tpu.memory_space<vmem>>, vector<16xf32>,
          %parallel_loop3A_499 = arith.mulf %parallel_loop3A_498, %parallel_loop3A_480 : vector<16xf32>
          %parallel_loop3A_500 = arith.constant 0 : i32
          %parallel_loop3A_501 = arith.index_cast %parallel_loop3A_500 : i32 to index
          %parallel_loop3A_502 = arith.index_cast %parallel_loop3A_232 : i32 to index
          %parallel_loop3A_503 = arith.constant 240 : index
          %parallel_loop3A_504 = tpu.vector_load %arg10[%parallel_loop3A_501, %parallel_loop3A_502, %parallel_loop3A_503] {strides = array<i32>} : memref<2x64x256xf32, #tpu.memory_space<vmem>>, vector<16xf32>,
          %parallel_loop3A_505 = arith.mulf %parallel_loop3A_499, %parallel_loop3A_504 : vector<16xf32>
          %parallel_loop3A_506 = arith.addf %parallel_loop3A_493, %parallel_loop3A_505 : vector<16xf32>
          %parallel_loop3A_507 = arith.constant true
          %parallel_loop3A_508 = vector.broadcast %parallel_loop3A_507 : i1 to vector<16xi1>
          %parallel_loop3A_509 = tpu.scan <sum>, %parallel_loop3A_506 masked %parallel_loop3A_508 : vector<16xf32>, vector<16xi1> -> vector<16xf32>
          %parallel_loop3A_510 = vector.extract %parallel_loop3A_509[15] : f32 from vector<16xf32>
          %parallel_loop3A_511 = vector.broadcast %parallel_loop3A_510 : f32 to vector<16xf32>
          %parallel_loop3A_512 = vector.broadcast %parallel_loop3A_232 : i32 to vector<16xi32>
          %parallel_loop3A_513 = arith.constant 0 : i32
          %parallel_loop3A_514 = vector.broadcast %parallel_loop3A_513 : i32 to vector<16xi32>
          %parallel_loop3A_515 = arith.cmpi eq, %iota3A, %parallel_loop3A_514 : vector<16xi32>
          %parallel_loop3A_516 = arith.constant 0 : i32
          %parallel_loop3A_517 = arith.constant 0 : i32
          %parallel_loop3A_518 = tpu.memref_slice %arg11[%parallel_loop3A_516, %parallel_loop3A_517] : memref<2x64xf32, #tpu.memory_space<vmem>> -> memref<1x64xf32, #tpu.memory_space<vmem>>
          %parallel_loop3A_519 = tpu.memref_squeeze %parallel_loop3A_518 : memref<1x64xf32, #tpu.memory_space<vmem>> -> memref<64xf32, #tpu.memory_space<vmem>>
          tpu.vector_store_idx %parallel_loop3A_519[%parallel_loop3A_512], %parallel_loop3A_511 masked %parallel_loop3A_515 : memref<64xf32, #tpu.memory_space<vmem>>[vector<16xi32>], vector<16xf32>, vector<16xi1>
        } {sc.loop_unroll_factor = 2 : i64, sc.parallel_access}
        %mul3A_218 = arith.constant 32 : i32
        %mul3A_219 = arith.muli %add3A_149, %mul3A_218 : i32
        %add3A_220 = arith.addi %add3A, %mul3A_219 : i32
        %mul3A_221 = arith.constant 64 : i32
        %mul3A_222 = arith.muli %add3A_220, %mul3A_221 : i32
        %dma_start3A_223 = arith.constant 0 : i32
        %dma_start3A_224 = arith.constant 0 : i32
        %dma_start3A_225 = tpu.memref_slice %arg11[%dma_start3A_223, %dma_start3A_224] : memref<2x64xf32, #tpu.memory_space<vmem>> -> memref<1x64xf32, #tpu.memory_space<vmem>>
        %dma_start3A_226 = tpu.memref_squeeze %dma_start3A_225 : memref<1x64xf32, #tpu.memory_space<vmem>> -> memref<64xf32, #tpu.memory_space<vmem>>
        %dma_start3A_227 = tpu.memref_slice %arg6[%mul3A_222] : memref<83200xf32, #tpu.memory_space<hbm>> -> memref<64xf32, #tpu.memory_space<hbm>>
        %dma_start3A_228 = tpu.memref_slice %arg6[%mul3A_222] : memref<83200xf32, #tpu.memory_space<hbm>> -> memref<64xf32, #tpu.memory_space<hbm>>
        %dma_start3A_229 = arith.constant 0 : i32
        %dma_start3A_230 = tpu.memref_slice %arg11[%dma_start3A_223, %dma_start3A_229] : memref<2x64xf32, #tpu.memory_space<vmem>> -> memref<1x64xf32, #tpu.memory_space<vmem>>
        %dma_start3A_231 = tpu.memref_squeeze %dma_start3A_230 : memref<1x64xf32, #tpu.memory_space<vmem>> -> memref<64xf32, #tpu.memory_space<vmem>>
        tpu.enqueue_dma source(%dma_start3A_231 : memref<64xf32, #tpu.memory_space<vmem>>) target(%dma_start3A_228 : memref<64xf32, #tpu.memory_space<hbm>>) target_semaphore(%arg14 : memref<!tpu.dma_semaphore, #tpu.memory_space<semaphore_mem>>)
      } else {
      }
      %mul3A_154 = arith.constant 2 : i32
      %mul3A_155 = arith.muli %while3A_145, %mul3A_154 : i32
      %add3A_156 = arith.constant 1 : i32
      %add3A_157 = arith.addi %mul3A_155, %add3A_156 : i32
      %lt3A_158 = arith.cmpi slt, %add3A_157, %select_n3A : i32
      %convert_element_type3A_159 = arith.extui %lt3A_158 : i1 to i32
      %cond3A_160 = arith.constant 0 : i32
      %cond3A_161 = arith.cmpi ne, %convert_element_type3A_159, %cond3A_160 : i32
      scf.if %cond3A_161 {
        %add3A_162 = arith.constant 1 : i32
        %add3A_163 = arith.addi %add3A_157, %add3A_162 : i32
        %lt3A_164 = arith.cmpi slt, %add3A_163, %select_n3A : i32
        %convert_element_type3A_165 = arith.extui %lt3A_164 : i1 to i32
        %cond3A_166 = arith.constant 0 : i32
        %cond3A_167 = arith.cmpi ne, %convert_element_type3A_165, %cond3A_166 : i32
        scf.if %cond3A_167 {
          %add3A_232 = arith.constant 1 : i32
          %add3A_233 = arith.addi %add3A_157, %add3A_232 : i32
          %add3A_234 = arith.constant 1200 : i32
          %add3A_235 = arith.addi %add3A_234, %add3A : i32
          %mul3A_236 = arith.constant 32 : i32
          %mul3A_237 = arith.muli %add3A_233, %mul3A_236 : i32
          %add3A_238 = arith.addi %add3A_235, %mul3A_237 : i32
          %mul3A_239 = arith.constant 64 : i32
          %mul3A_240 = arith.muli %add3A_238, %mul3A_239 : i32
          %run_scoped3A_241 = arith.constant 0 : i32
          "tpu.region"() ({
            %run_scoped3A_287 = tpu.sem_alloc : memref<!tpu.dma_semaphore, #tpu.memory_space<semaphore_mem>>
            %dma_start3A_288 = arith.constant 0 : i32
            %dma_start3A_289 = tpu.memref_slice %arg7[%run_scoped3A_241, %dma_start3A_288] : memref<2x64xi32, #tpu.memory_space<vmem>> -> memref<1x64xi32, #tpu.memory_space<vmem>>
            %dma_start3A_290 = tpu.memref_squeeze %dma_start3A_289 : memref<1x64xi32, #tpu.memory_space<vmem>> -> memref<64xi32, #tpu.memory_space<vmem>>
            %dma_start3A_291 = tpu.memref_slice %arg4[%mul3A_240] : memref<160000xi32, #tpu.memory_space<hbm>> -> memref<64xi32, #tpu.memory_space<hbm>>
            %dma_start3A_292 = arith.constant 0 : i32
            %dma_start3A_293 = tpu.memref_slice %arg7[%run_scoped3A_241, %dma_start3A_292] : memref<2x64xi32, #tpu.memory_space<vmem>> -> memref<1x64xi32, #tpu.memory_space<vmem>>
            %dma_start3A_294 = tpu.memref_squeeze %dma_start3A_293 : memref<1x64xi32, #tpu.memory_space<vmem>> -> memref<64xi32, #tpu.memory_space<vmem>>
            %dma_start3A_295 = tpu.memref_slice %arg4[%mul3A_240] : memref<160000xi32, #tpu.memory_space<hbm>> -> memref<64xi32, #tpu.memory_space<hbm>>
            tpu.enqueue_dma source(%dma_start3A_295 : memref<64xi32, #tpu.memory_space<hbm>>) target(%dma_start3A_294 : memref<64xi32, #tpu.memory_space<vmem>>) target_semaphore(%run_scoped3A_287 : memref<!tpu.dma_semaphore, #tpu.memory_space<semaphore_mem>>)
            %dma_wait3A_296 = arith.constant 0 : i32
            %dma_wait3A_297 = tpu.memref_slice %arg7[%run_scoped3A_241, %dma_wait3A_296] : memref<2x64xi32, #tpu.memory_space<vmem>> -> memref<1x64xi32, #tpu.memory_space<vmem>>
            %dma_wait3A_298 = tpu.memref_squeeze %dma_wait3A_297 : memref<1x64xi32, #tpu.memory_space<vmem>> -> memref<64xi32, #tpu.memory_space<vmem>>
            %dma_wait3A_299 = tpu.memref_slice %arg4[%mul3A_240] : memref<160000xi32, #tpu.memory_space<hbm>> -> memref<64xi32, #tpu.memory_space<hbm>>
            %dma_wait3A_300 = arith.constant 0 : i32
            %dma_wait3A_301 = tpu.memref_slice %arg7[%run_scoped3A_241, %dma_wait3A_300] : memref<2x64xi32, #tpu.memory_space<vmem>> -> memref<1x64xi32, #tpu.memory_space<vmem>>
            %dma_wait3A_302 = tpu.memref_squeeze %dma_wait3A_301 : memref<1x64xi32, #tpu.memory_space<vmem>> -> memref<64xi32, #tpu.memory_space<vmem>>
            %dma_wait3A_303 = tpu.memref_slice %arg4[%mul3A_240] : memref<160000xi32, #tpu.memory_space<hbm>> -> memref<64xi32, #tpu.memory_space<hbm>>
            tpu.wait_dma2 semaphore(%run_scoped3A_287 : memref<!tpu.dma_semaphore, #tpu.memory_space<semaphore_mem>>) src(%dma_wait3A_303 : memref<64xi32, #tpu.memory_space<hbm>>) dst(%dma_wait3A_302 : memref<64xi32, #tpu.memory_space<vmem>>)
            tpu.yield
          }) : () -> ()
          %add3A_242 = arith.constant 1200 : i32
          %add3A_243 = arith.addi %add3A_242, %add3A : i32
          %mul3A_244 = arith.constant 32 : i32
          %mul3A_245 = arith.muli %add3A_233, %mul3A_244 : i32
          %add3A_246 = arith.addi %add3A_243, %mul3A_245 : i32
          %mul3A_247 = arith.constant 64 : i32
          %mul3A_248 = arith.muli %add3A_246, %mul3A_247 : i32
          %dma_start3A_249 = arith.constant 0 : i32
          %dma_start3A_250 = arith.constant 0 : i32
          %dma_start3A_251 = arith.constant 0 : i32
          %dma_start3A_252 = arith.constant 0 : i32
          %dma_start3A_253 = tpu.memref_slice %arg8[%dma_start3A_250, %dma_start3A_251, %dma_start3A_252] : memref<2x64x128xi32, #tpu.memory_space<vmem>> -> memref<1x64x128xi32, #tpu.memory_space<vmem>>
          %dma_start3A_254 = tpu.memref_squeeze %dma_start3A_253 : memref<1x64x128xi32, #tpu.memory_space<vmem>> -> memref<64x128xi32, #tpu.memory_space<vmem>>
          %dma_start3A_255 = arith.constant 0 : i32
          %dma_start3A_256 = tpu.memref_slice %arg7[%dma_start3A_249, %dma_start3A_255] : memref<2x64xi32, #tpu.memory_space<vmem>> -> memref<1x64xi32, #tpu.memory_space<vmem>>
          %dma_start3A_257 = tpu.memref_squeeze %dma_start3A_256 : memref<1x64xi32, #tpu.memory_space<vmem>> -> memref<64xi32, #tpu.memory_space<vmem>>
          %dma_start3A_258 = arith.constant 0 : i32
          %dma_start3A_259 = arith.constant 0 : i32
          %dma_start3A_260 = tpu.memref_slice %arg5[%dma_start3A_258, %dma_start3A_259] : memref<500x128xi32, #tpu.memory_space<hbm>> -> memref<500x128xi32, #tpu.memory_space<hbm>>
          tpu.enqueue_indirect_dma source(%dma_start3A_260 : memref<500x128xi32, #tpu.memory_space<hbm>>) target(%dma_start3A_254 : memref<64x128xi32, #tpu.memory_space<vmem>>) offsets(%dma_start3A_257 : memref<64xi32, #tpu.memory_space<vmem>>) semaphore(%arg12 : memref<!tpu.dma_semaphore, #tpu.memory_space<semaphore_mem>>)
          %dma_start3A_261 = arith.constant 0 : i32
          %dma_start3A_262 = arith.constant 0 : i32
          %dma_start3A_263 = arith.constant 0 : i32
          %dma_start3A_264 = tpu.memref_slice %arg9[%dma_start3A_261, %dma_start3A_262, %dma_start3A_263] : memref<2x64x256xf32, #tpu.memory_space<vmem>> -> memref<1x64x256xf32, #tpu.memory_space<vmem>>
          %dma_start3A_265 = tpu.memref_squeeze %dma_start3A_264 : memref<1x64x256xf32, #tpu.memory_space<vmem>> -> memref<64x256xf32, #tpu.memory_space<vmem>>
          %dma_start3A_266 = arith.constant 0 : i32
          %dma_start3A_267 = tpu.memref_slice %arg2[%mul3A_248, %dma_start3A_266] : memref<160000x256xf32, #tpu.memory_space<hbm>> -> memref<64x256xf32, #tpu.memory_space<hbm>>
          %dma_start3A_268 = arith.constant 0 : i32
          %dma_start3A_269 = arith.constant 0 : i32
          %dma_start3A_270 = tpu.memref_slice %arg9[%dma_start3A_261, %dma_start3A_268, %dma_start3A_269] : memref<2x64x256xf32, #tpu.memory_space<vmem>> -> memref<1x64x256xf32, #tpu.memory_space<vmem>>
          %dma_start3A_271 = tpu.memref_squeeze %dma_start3A_270 : memref<1x64x256xf32, #tpu.memory_space<vmem>> -> memref<64x256xf32, #tpu.memory_space<vmem>>
          %dma_start3A_272 = arith.constant 0 : i32
          %dma_start3A_273 = tpu.memref_slice %arg2[%mul3A_248, %dma_start3A_272] : memref<160000x256xf32, #tpu.memory_space<hbm>> -> memref<64x256xf32, #tpu.memory_space<hbm>>
          tpu.enqueue_dma source(%dma_start3A_273 : memref<64x256xf32, #tpu.memory_space<hbm>>) target(%dma_start3A_271 : memref<64x256xf32, #tpu.memory_space<vmem>>) target_semaphore(%arg12 : memref<!tpu.dma_semaphore, #tpu.memory_space<semaphore_mem>>)
          %dma_start3A_274 = arith.constant 0 : i32
          %dma_start3A_275 = arith.constant 0 : i32
          %dma_start3A_276 = arith.constant 0 : i32
          %dma_start3A_277 = tpu.memref_slice %arg10[%dma_start3A_274, %dma_start3A_275, %dma_start3A_276] : memref<2x64x256xf32, #tpu.memory_space<vmem>> -> memref<1x64x256xf32, #tpu.memory_space<vmem>>
          %dma_start3A_278 = tpu.memref_squeeze %dma_start3A_277 : memref<1x64x256xf32, #tpu.memory_space<vmem>> -> memref<64x256xf32, #tpu.memory_space<vmem>>
          %dma_start3A_279 = arith.constant 0 : i32
          %dma_start3A_280 = tpu.memref_slice %arg3[%mul3A_248, %dma_start3A_279] : memref<160000x256xf32, #tpu.memory_space<hbm>> -> memref<64x256xf32, #tpu.memory_space<hbm>>
          %dma_start3A_281 = arith.constant 0 : i32
          %dma_start3A_282 = arith.constant 0 : i32
          %dma_start3A_283 = tpu.memref_slice %arg10[%dma_start3A_274, %dma_start3A_281, %dma_start3A_282] : memref<2x64x256xf32, #tpu.memory_space<vmem>> -> memref<1x64x256xf32, #tpu.memory_space<vmem>>
          %dma_start3A_284 = tpu.memref_squeeze %dma_start3A_283 : memref<1x64x256xf32, #tpu.memory_space<vmem>> -> memref<64x256xf32, #tpu.memory_space<vmem>>
          %dma_start3A_285 = arith.constant 0 : i32
          %dma_start3A_286 = tpu.memref_slice %arg3[%mul3A_248, %dma_start3A_285] : memref<160000x256xf32, #tpu.memory_space<hbm>> -> memref<64x256xf32, #tpu.memory_space<hbm>>
          tpu.enqueue_dma source(%dma_start3A_286 : memref<64x256xf32, #tpu.memory_space<hbm>>) target(%dma_start3A_284 : memref<64x256xf32, #tpu.memory_space<vmem>>) target_semaphore(%arg12 : memref<!tpu.dma_semaphore, #tpu.memory_space<semaphore_mem>>)
        } else {
        }
        %add3A_168 = arith.constant 1200 : i32
        %add3A_169 = arith.addi %add3A_168, %add3A : i32
        %mul3A_170 = arith.constant 32 : i32
        %mul3A_171 = arith.muli %add3A_157, %mul3A_170 : i32
        %add3A_172 = arith.addi %add3A_169, %mul3A_171 : i32
        %mul3A_173 = arith.constant 64 : i32
        %mul3A_174 = arith.muli %add3A_172, %mul3A_173 : i32
        %dma_wait3A = arith.constant 1 : i32
        %dma_wait3A_175 = arith.constant 1 : i32
        %dma_wait3A_176 = arith.constant 0 : i32
        %dma_wait3A_177 = arith.constant 0 : i32
        %dma_wait3A_178 = tpu.memref_slice %arg8[%dma_wait3A_175, %dma_wait3A_176, %dma_wait3A_177] : memref<2x64x128xi32, #tpu.memory_space<vmem>> -> memref<1x64x128xi32, #tpu.memory_space<vmem>>
        %dma_wait3A_179 = tpu.memref_squeeze %dma_wait3A_178 : memref<1x64x128xi32, #tpu.memory_space<vmem>> -> memref<64x128xi32, #tpu.memory_space<vmem>>
        %dma_wait3A_180 = arith.constant 0 : i32
        %dma_wait3A_181 = tpu.memref_slice %arg7[%dma_wait3A, %dma_wait3A_180] : memref<2x64xi32, #tpu.memory_space<vmem>> -> memref<1x64xi32, #tpu.memory_space<vmem>>
        %dma_wait3A_182 = tpu.memref_squeeze %dma_wait3A_181 : memref<1x64xi32, #tpu.memory_space<vmem>> -> memref<64xi32, #tpu.memory_space<vmem>>
        %dma_wait3A_183 = arith.constant 0 : i32
        %dma_wait3A_184 = arith.constant 0 : i32
        %dma_wait3A_185 = tpu.memref_slice %arg5[%dma_wait3A_183, %dma_wait3A_184] : memref<500x128xi32, #tpu.memory_space<hbm>> -> memref<500x128xi32, #tpu.memory_space<hbm>>
        tpu.wait_indirect_dma semaphore(%arg13 : memref<!tpu.dma_semaphore, #tpu.memory_space<semaphore_mem>>) src(%dma_wait3A_185 : memref<500x128xi32, #tpu.memory_space<hbm>>) dst(%dma_wait3A_179 : memref<64x128xi32, #tpu.memory_space<vmem>>)
        %dma_wait3A_186 = arith.constant 1 : i32
        %dma_wait3A_187 = arith.constant 0 : i32
        %dma_wait3A_188 = arith.constant 0 : i32
        %dma_wait3A_189 = tpu.memref_slice %arg9[%dma_wait3A_186, %dma_wait3A_187, %dma_wait3A_188] : memref<2x64x256xf32, #tpu.memory_space<vmem>> -> memref<1x64x256xf32, #tpu.memory_space<vmem>>
        %dma_wait3A_190 = tpu.memref_squeeze %dma_wait3A_189 : memref<1x64x256xf32, #tpu.memory_space<vmem>> -> memref<64x256xf32, #tpu.memory_space<vmem>>
        %dma_wait3A_191 = arith.constant 0 : i32
        %dma_wait3A_192 = tpu.memref_slice %arg2[%mul3A_174, %dma_wait3A_191] : memref<160000x256xf32, #tpu.memory_space<hbm>> -> memref<64x256xf32, #tpu.memory_space<hbm>>
        %dma_wait3A_193 = arith.constant 0 : i32
        %dma_wait3A_194 = arith.constant 0 : i32
        %dma_wait3A_195 = tpu.memref_slice %arg9[%dma_wait3A_186, %dma_wait3A_193, %dma_wait3A_194] : memref<2x64x256xf32, #tpu.memory_space<vmem>> -> memref<1x64x256xf32, #tpu.memory_space<vmem>>
        %dma_wait3A_196 = tpu.memref_squeeze %dma_wait3A_195 : memref<1x64x256xf32, #tpu.memory_space<vmem>> -> memref<64x256xf32, #tpu.memory_space<vmem>>
        %dma_wait3A_197 = arith.constant 0 : i32
        %dma_wait3A_198 = tpu.memref_slice %arg2[%mul3A_174, %dma_wait3A_197] : memref<160000x256xf32, #tpu.memory_space<hbm>> -> memref<64x256xf32, #tpu.memory_space<hbm>>
        tpu.wait_dma2 semaphore(%arg13 : memref<!tpu.dma_semaphore, #tpu.memory_space<semaphore_mem>>) src(%dma_wait3A_198 : memref<64x256xf32, #tpu.memory_space<hbm>>) dst(%dma_wait3A_196 : memref<64x256xf32, #tpu.memory_space<vmem>>)
        %dma_wait3A_199 = arith.constant 1 : i32
        %dma_wait3A_200 = arith.constant 0 : i32
        %dma_wait3A_201 = arith.constant 0 : i32
        %dma_wait3A_202 = tpu.memref_slice %arg10[%dma_wait3A_199, %dma_wait3A_200, %dma_wait3A_201] : memref<2x64x256xf32, #tpu.memory_space<vmem>> -> memref<1x64x256xf32, #tpu.memory_space<vmem>>
        %dma_wait3A_203 = tpu.memref_squeeze %dma_wait3A_202 : memref<1x64x256xf32, #tpu.memory_space<vmem>> -> memref<64x256xf32, #tpu.memory_space<vmem>>
        %dma_wait3A_204 = arith.constant 0 : i32
        %dma_wait3A_205 = tpu.memref_slice %arg3[%mul3A_174, %dma_wait3A_204] : memref<160000x256xf32, #tpu.memory_space<hbm>> -> memref<64x256xf32, #tpu.memory_space<hbm>>
        %dma_wait3A_206 = arith.constant 0 : i32
        %dma_wait3A_207 = arith.constant 0 : i32
        %dma_wait3A_208 = tpu.memref_slice %arg10[%dma_wait3A_199, %dma_wait3A_206, %dma_wait3A_207] : memref<2x64x256xf32, #tpu.memory_space<vmem>> -> memref<1x64x256xf32, #tpu.memory_space<vmem>>
        %dma_wait3A_209 = tpu.memref_squeeze %dma_wait3A_208 : memref<1x64x256xf32, #tpu.memory_space<vmem>> -> memref<64x256xf32, #tpu.memory_space<vmem>>
        %dma_wait3A_210 = arith.constant 0 : i32
        %dma_wait3A_211 = tpu.memref_slice %arg3[%mul3A_174, %dma_wait3A_210] : memref<160000x256xf32, #tpu.memory_space<hbm>> -> memref<64x256xf32, #tpu.memory_space<hbm>>
        tpu.wait_dma2 semaphore(%arg13 : memref<!tpu.dma_semaphore, #tpu.memory_space<semaphore_mem>>) src(%dma_wait3A_211 : memref<64x256xf32, #tpu.memory_space<hbm>>) dst(%dma_wait3A_209 : memref<64x256xf32, #tpu.memory_space<vmem>>)
        %ge3A = arith.constant 2 : i32
        %ge3A_212 = arith.cmpi sge, %add3A_157, %ge3A : i32
        %convert_element_type3A_213 = arith.extui %ge3A_212 : i1 to i32
        %cond3A_214 = arith.constant 0 : i32
        %cond3A_215 = arith.cmpi ne, %convert_element_type3A_213, %cond3A_214 : i32
        scf.if %cond3A_215 {
          %sub3A_232 = arith.constant 2 : i32
          %sub3A_233 = arith.subi %add3A_157, %sub3A_232 : i32
          %mul3A_234 = arith.constant 32 : i32
          %mul3A_235 = arith.muli %sub3A_233, %mul3A_234 : i32
          %add3A_236 = arith.addi %add3A, %mul3A_235 : i32
          %mul3A_237 = arith.constant 64 : i32
          %mul3A_238 = arith.muli %add3A_236, %mul3A_237 : i32
          %dma_wait3A_239 = arith.constant 1 : i32
          %dma_wait3A_240 = arith.constant 0 : i32
          %dma_wait3A_241 = tpu.memref_slice %arg11[%dma_wait3A_239, %dma_wait3A_240] : memref<2x64xf32, #tpu.memory_space<vmem>> -> memref<1x64xf32, #tpu.memory_space<vmem>>
          %dma_wait3A_242 = tpu.memref_squeeze %dma_wait3A_241 : memref<1x64xf32, #tpu.memory_space<vmem>> -> memref<64xf32, #tpu.memory_space<vmem>>
          %dma_wait3A_243 = tpu.memref_slice %arg6[%mul3A_238] : memref<83200xf32, #tpu.memory_space<hbm>> -> memref<64xf32, #tpu.memory_space<hbm>>
          %dma_wait3A_244 = tpu.memref_slice %arg6[%mul3A_238] : memref<83200xf32, #tpu.memory_space<hbm>> -> memref<64xf32, #tpu.memory_space<hbm>>
          %dma_wait3A_245 = arith.constant 0 : i32
          %dma_wait3A_246 = tpu.memref_slice %arg11[%dma_wait3A_239, %dma_wait3A_245] : memref<2x64xf32, #tpu.memory_space<vmem>> -> memref<1x64xf32, #tpu.memory_space<vmem>>
          %dma_wait3A_247 = tpu.memref_squeeze %dma_wait3A_246 : memref<1x64xf32, #tpu.memory_space<vmem>> -> memref<64xf32, #tpu.memory_space<vmem>>
          tpu.wait_dma2 semaphore(%arg15 : memref<!tpu.dma_semaphore, #tpu.memory_space<semaphore_mem>>) src(%dma_wait3A_247 : memref<64xf32, #tpu.memory_space<vmem>>) dst(%dma_wait3A_244 : memref<64xf32, #tpu.memory_space<hbm>>)
        } else {
        }
        %parallel_loop3A = arith.constant 0 : i32
        %parallel_loop3A_216 = arith.constant 64 : i32
        %parallel_loop3A_217 = arith.constant 1 : i32
        scf.for %parallel_loop3A_232 = %parallel_loop3A to %parallel_loop3A_216 step %parallel_loop3A_217  : i32 {
          %parallel_loop3A_233 = arith.constant 0.000000e+00 : f32
          %parallel_loop3A_234 = vector.broadcast %parallel_loop3A_233 : f32 to vector<16xf32>
          %parallel_loop3A_235 = arith.constant 1 : i32
          %parallel_loop3A_236 = arith.index_cast %parallel_loop3A_235 : i32 to index
          %parallel_loop3A_237 = arith.index_cast %parallel_loop3A_232 : i32 to index
          %parallel_loop3A_238 = arith.constant 0 : index
          %parallel_loop3A_239 = tpu.vector_load %arg8[%parallel_loop3A_236, %parallel_loop3A_237, %parallel_loop3A_238] {strides = array<i32>} : memref<2x64x128xi32, #tpu.memory_space<vmem>>, vector<16xi32>,
          %parallel_loop3A_240 = vector.bitcast %parallel_loop3A_239 : vector<16xi32> to vector<32xbf16>
          %parallel_loop3A_241 = tpu.unpack_subelements %parallel_loop3A_240, 0 {pack_format = #tpu.pack_format<interleaved>} : vector<32xbf16> -> vector<16xf32>
          %parallel_loop3A_242 = tpu.unpack_subelements %parallel_loop3A_240, 1 {pack_format = #tpu.pack_format<interleaved>} : vector<32xbf16> -> vector<16xf32>
          %parallel_loop3A_243 = arith.constant 1 : i32
          %parallel_loop3A_244 = arith.index_cast %parallel_loop3A_243 : i32 to index
          %parallel_loop3A_245 = arith.index_cast %parallel_loop3A_232 : i32 to index
          %parallel_loop3A_246 = arith.constant 0 : index
          %parallel_loop3A_247 = tpu.vector_load %arg9[%parallel_loop3A_244, %parallel_loop3A_245, %parallel_loop3A_246] {strides = array<i32>} : memref<2x64x256xf32, #tpu.memory_space<vmem>>, vector<16xf32>,
          %parallel_loop3A_248 = arith.mulf %parallel_loop3A_247, %parallel_loop3A_241 : vector<16xf32>
          %parallel_loop3A_249 = arith.constant 1 : i32
          %parallel_loop3A_250 = arith.index_cast %parallel_loop3A_249 : i32 to index
          %parallel_loop3A_251 = arith.index_cast %parallel_loop3A_232 : i32 to index
          %parallel_loop3A_252 = arith.constant 0 : index
          %parallel_loop3A_253 = tpu.vector_load %arg10[%parallel_loop3A_250, %parallel_loop3A_251, %parallel_loop3A_252] {strides = array<i32>} : memref<2x64x256xf32, #tpu.memory_space<vmem>>, vector<16xf32>,
          %parallel_loop3A_254 = arith.mulf %parallel_loop3A_248, %parallel_loop3A_253 : vector<16xf32>
          %parallel_loop3A_255 = arith.addf %parallel_loop3A_234, %parallel_loop3A_254 : vector<16xf32>
          %parallel_loop3A_256 = arith.constant 1 : i32
          %parallel_loop3A_257 = arith.index_cast %parallel_loop3A_256 : i32 to index
          %parallel_loop3A_258 = arith.index_cast %parallel_loop3A_232 : i32 to index
          %parallel_loop3A_259 = arith.constant 16 : index
          %parallel_loop3A_260 = tpu.vector_load %arg9[%parallel_loop3A_257, %parallel_loop3A_258, %parallel_loop3A_259] {strides = array<i32>} : memref<2x64x256xf32, #tpu.memory_space<vmem>>, vector<16xf32>,
          %parallel_loop3A_261 = arith.mulf %parallel_loop3A_260, %parallel_loop3A_242 : vector<16xf32>
          %parallel_loop3A_262 = arith.constant 1 : i32
          %parallel_loop3A_263 = arith.index_cast %parallel_loop3A_262 : i32 to index
          %parallel_loop3A_264 = arith.index_cast %parallel_loop3A_232 : i32 to index
          %parallel_loop3A_265 = arith.constant 16 : index
          %parallel_loop3A_266 = tpu.vector_load %arg10[%parallel_loop3A_263, %parallel_loop3A_264, %parallel_loop3A_265] {strides = array<i32>} : memref<2x64x256xf32, #tpu.memory_space<vmem>>, vector<16xf32>,
          %parallel_loop3A_267 = arith.mulf %parallel_loop3A_261, %parallel_loop3A_266 : vector<16xf32>
          %parallel_loop3A_268 = arith.addf %parallel_loop3A_255, %parallel_loop3A_267 : vector<16xf32>
          %parallel_loop3A_269 = arith.constant 1 : i32
          %parallel_loop3A_270 = arith.index_cast %parallel_loop3A_269 : i32 to index
          %parallel_loop3A_271 = arith.index_cast %parallel_loop3A_232 : i32 to index
          %parallel_loop3A_272 = arith.constant 16 : index
          %parallel_loop3A_273 = tpu.vector_load %arg8[%parallel_loop3A_270, %parallel_loop3A_271, %parallel_loop3A_272] {strides = array<i32>} : memref<2x64x128xi32, #tpu.memory_space<vmem>>, vector<16xi32>,
          %parallel_loop3A_274 = vector.bitcast %parallel_loop3A_273 : vector<16xi32> to vector<32xbf16>
          %parallel_loop3A_275 = tpu.unpack_subelements %parallel_loop3A_274, 0 {pack_format = #tpu.pack_format<interleaved>} : vector<32xbf16> -> vector<16xf32>
          %parallel_loop3A_276 = tpu.unpack_subelements %parallel_loop3A_274, 1 {pack_format = #tpu.pack_format<interleaved>} : vector<32xbf16> -> vector<16xf32>
          %parallel_loop3A_277 = arith.constant 1 : i32
          %parallel_loop3A_278 = arith.index_cast %parallel_loop3A_277 : i32 to index
          %parallel_loop3A_279 = arith.index_cast %parallel_loop3A_232 : i32 to index
          %parallel_loop3A_280 = arith.constant 32 : index
          %parallel_loop3A_281 = tpu.vector_load %arg9[%parallel_loop3A_278, %parallel_loop3A_279, %parallel_loop3A_280] {strides = array<i32>} : memref<2x64x256xf32, #tpu.memory_space<vmem>>, vector<16xf32>,
          %parallel_loop3A_282 = arith.mulf %parallel_loop3A_281, %parallel_loop3A_275 : vector<16xf32>
          %parallel_loop3A_283 = arith.constant 1 : i32
          %parallel_loop3A_284 = arith.index_cast %parallel_loop3A_283 : i32 to index
          %parallel_loop3A_285 = arith.index_cast %parallel_loop3A_232 : i32 to index
          %parallel_loop3A_286 = arith.constant 32 : index
          %parallel_loop3A_287 = tpu.vector_load %arg10[%parallel_loop3A_284, %parallel_loop3A_285, %parallel_loop3A_286] {strides = array<i32>} : memref<2x64x256xf32, #tpu.memory_space<vmem>>, vector<16xf32>,
          %parallel_loop3A_288 = arith.mulf %parallel_loop3A_282, %parallel_loop3A_287 : vector<16xf32>
          %parallel_loop3A_289 = arith.addf %parallel_loop3A_268, %parallel_loop3A_288 : vector<16xf32>
          %parallel_loop3A_290 = arith.constant 1 : i32
          %parallel_loop3A_291 = arith.index_cast %parallel_loop3A_290 : i32 to index
          %parallel_loop3A_292 = arith.index_cast %parallel_loop3A_232 : i32 to index
          %parallel_loop3A_293 = arith.constant 48 : index
          %parallel_loop3A_294 = tpu.vector_load %arg9[%parallel_loop3A_291, %parallel_loop3A_292, %parallel_loop3A_293] {strides = array<i32>} : memref<2x64x256xf32, #tpu.memory_space<vmem>>, vector<16xf32>,
          %parallel_loop3A_295 = arith.mulf %parallel_loop3A_294, %parallel_loop3A_276 : vector<16xf32>
          %parallel_loop3A_296 = arith.constant 1 : i32
          %parallel_loop3A_297 = arith.index_cast %parallel_loop3A_296 : i32 to index
          %parallel_loop3A_298 = arith.index_cast %parallel_loop3A_232 : i32 to index
          %parallel_loop3A_299 = arith.constant 48 : index
          %parallel_loop3A_300 = tpu.vector_load %arg10[%parallel_loop3A_297, %parallel_loop3A_298, %parallel_loop3A_299] {strides = array<i32>} : memref<2x64x256xf32, #tpu.memory_space<vmem>>, vector<16xf32>,
          %parallel_loop3A_301 = arith.mulf %parallel_loop3A_295, %parallel_loop3A_300 : vector<16xf32>
          %parallel_loop3A_302 = arith.addf %parallel_loop3A_289, %parallel_loop3A_301 : vector<16xf32>
          %parallel_loop3A_303 = arith.constant 1 : i32
          %parallel_loop3A_304 = arith.index_cast %parallel_loop3A_303 : i32 to index
          %parallel_loop3A_305 = arith.index_cast %parallel_loop3A_232 : i32 to index
          %parallel_loop3A_306 = arith.constant 32 : index
          %parallel_loop3A_307 = tpu.vector_load %arg8[%parallel_loop3A_304, %parallel_loop3A_305, %parallel_loop3A_306] {strides = array<i32>} : memref<2x64x128xi32, #tpu.memory_space<vmem>>, vector<16xi32>,
          %parallel_loop3A_308 = vector.bitcast %parallel_loop3A_307 : vector<16xi32> to vector<32xbf16>
          %parallel_loop3A_309 = tpu.unpack_subelements %parallel_loop3A_308, 0 {pack_format = #tpu.pack_format<interleaved>} : vector<32xbf16> -> vector<16xf32>
          %parallel_loop3A_310 = tpu.unpack_subelements %parallel_loop3A_308, 1 {pack_format = #tpu.pack_format<interleaved>} : vector<32xbf16> -> vector<16xf32>
          %parallel_loop3A_311 = arith.constant 1 : i32
          %parallel_loop3A_312 = arith.index_cast %parallel_loop3A_311 : i32 to index
          %parallel_loop3A_313 = arith.index_cast %parallel_loop3A_232 : i32 to index
          %parallel_loop3A_314 = arith.constant 64 : index
          %parallel_loop3A_315 = tpu.vector_load %arg9[%parallel_loop3A_312, %parallel_loop3A_313, %parallel_loop3A_314] {strides = array<i32>} : memref<2x64x256xf32, #tpu.memory_space<vmem>>, vector<16xf32>,
          %parallel_loop3A_316 = arith.mulf %parallel_loop3A_315, %parallel_loop3A_309 : vector<16xf32>
          %parallel_loop3A_317 = arith.constant 1 : i32
          %parallel_loop3A_318 = arith.index_cast %parallel_loop3A_317 : i32 to index
          %parallel_loop3A_319 = arith.index_cast %parallel_loop3A_232 : i32 to index
          %parallel_loop3A_320 = arith.constant 64 : index
          %parallel_loop3A_321 = tpu.vector_load %arg10[%parallel_loop3A_318, %parallel_loop3A_319, %parallel_loop3A_320] {strides = array<i32>} : memref<2x64x256xf32, #tpu.memory_space<vmem>>, vector<16xf32>,
          %parallel_loop3A_322 = arith.mulf %parallel_loop3A_316, %parallel_loop3A_321 : vector<16xf32>
          %parallel_loop3A_323 = arith.addf %parallel_loop3A_302, %parallel_loop3A_322 : vector<16xf32>
          %parallel_loop3A_324 = arith.constant 1 : i32
          %parallel_loop3A_325 = arith.index_cast %parallel_loop3A_324 : i32 to index
          %parallel_loop3A_326 = arith.index_cast %parallel_loop3A_232 : i32 to index
          %parallel_loop3A_327 = arith.constant 80 : index
          %parallel_loop3A_328 = tpu.vector_load %arg9[%parallel_loop3A_325, %parallel_loop3A_326, %parallel_loop3A_327] {strides = array<i32>} : memref<2x64x256xf32, #tpu.memory_space<vmem>>, vector<16xf32>,
          %parallel_loop3A_329 = arith.mulf %parallel_loop3A_328, %parallel_loop3A_310 : vector<16xf32>
          %parallel_loop3A_330 = arith.constant 1 : i32
          %parallel_loop3A_331 = arith.index_cast %parallel_loop3A_330 : i32 to index
          %parallel_loop3A_332 = arith.index_cast %parallel_loop3A_232 : i32 to index
          %parallel_loop3A_333 = arith.constant 80 : index
          %parallel_loop3A_334 = tpu.vector_load %arg10[%parallel_loop3A_331, %parallel_loop3A_332, %parallel_loop3A_333] {strides = array<i32>} : memref<2x64x256xf32, #tpu.memory_space<vmem>>, vector<16xf32>,
          %parallel_loop3A_335 = arith.mulf %parallel_loop3A_329, %parallel_loop3A_334 : vector<16xf32>
          %parallel_loop3A_336 = arith.addf %parallel_loop3A_323, %parallel_loop3A_335 : vector<16xf32>
          %parallel_loop3A_337 = arith.constant 1 : i32
          %parallel_loop3A_338 = arith.index_cast %parallel_loop3A_337 : i32 to index
          %parallel_loop3A_339 = arith.index_cast %parallel_loop3A_232 : i32 to index
          %parallel_loop3A_340 = arith.constant 48 : index
          %parallel_loop3A_341 = tpu.vector_load %arg8[%parallel_loop3A_338, %parallel_loop3A_339, %parallel_loop3A_340] {strides = array<i32>} : memref<2x64x128xi32, #tpu.memory_space<vmem>>, vector<16xi32>,
          %parallel_loop3A_342 = vector.bitcast %parallel_loop3A_341 : vector<16xi32> to vector<32xbf16>
          %parallel_loop3A_343 = tpu.unpack_subelements %parallel_loop3A_342, 0 {pack_format = #tpu.pack_format<interleaved>} : vector<32xbf16> -> vector<16xf32>
          %parallel_loop3A_344 = tpu.unpack_subelements %parallel_loop3A_342, 1 {pack_format = #tpu.pack_format<interleaved>} : vector<32xbf16> -> vector<16xf32>
          %parallel_loop3A_345 = arith.constant 1 : i32
          %parallel_loop3A_346 = arith.index_cast %parallel_loop3A_345 : i32 to index
          %parallel_loop3A_347 = arith.index_cast %parallel_loop3A_232 : i32 to index
          %parallel_loop3A_348 = arith.constant 96 : index
          %parallel_loop3A_349 = tpu.vector_load %arg9[%parallel_loop3A_346, %parallel_loop3A_347, %parallel_loop3A_348] {strides = array<i32>} : memref<2x64x256xf32, #tpu.memory_space<vmem>>, vector<16xf32>,
          %parallel_loop3A_350 = arith.mulf %parallel_loop3A_349, %parallel_loop3A_343 : vector<16xf32>
          %parallel_loop3A_351 = arith.constant 1 : i32
          %parallel_loop3A_352 = arith.index_cast %parallel_loop3A_351 : i32 to index
          %parallel_loop3A_353 = arith.index_cast %parallel_loop3A_232 : i32 to index
          %parallel_loop3A_354 = arith.constant 96 : index
          %parallel_loop3A_355 = tpu.vector_load %arg10[%parallel_loop3A_352, %parallel_loop3A_353, %parallel_loop3A_354] {strides = array<i32>} : memref<2x64x256xf32, #tpu.memory_space<vmem>>, vector<16xf32>,
          %parallel_loop3A_356 = arith.mulf %parallel_loop3A_350, %parallel_loop3A_355 : vector<16xf32>
          %parallel_loop3A_357 = arith.addf %parallel_loop3A_336, %parallel_loop3A_356 : vector<16xf32>
          %parallel_loop3A_358 = arith.constant 1 : i32
          %parallel_loop3A_359 = arith.index_cast %parallel_loop3A_358 : i32 to index
          %parallel_loop3A_360 = arith.index_cast %parallel_loop3A_232 : i32 to index
          %parallel_loop3A_361 = arith.constant 112 : index
          %parallel_loop3A_362 = tpu.vector_load %arg9[%parallel_loop3A_359, %parallel_loop3A_360, %parallel_loop3A_361] {strides = array<i32>} : memref<2x64x256xf32, #tpu.memory_space<vmem>>, vector<16xf32>,
          %parallel_loop3A_363 = arith.mulf %parallel_loop3A_362, %parallel_loop3A_344 : vector<16xf32>
          %parallel_loop3A_364 = arith.constant 1 : i32
          %parallel_loop3A_365 = arith.index_cast %parallel_loop3A_364 : i32 to index
          %parallel_loop3A_366 = arith.index_cast %parallel_loop3A_232 : i32 to index
          %parallel_loop3A_367 = arith.constant 112 : index
          %parallel_loop3A_368 = tpu.vector_load %arg10[%parallel_loop3A_365, %parallel_loop3A_366, %parallel_loop3A_367] {strides = array<i32>} : memref<2x64x256xf32, #tpu.memory_space<vmem>>, vector<16xf32>,
          %parallel_loop3A_369 = arith.mulf %parallel_loop3A_363, %parallel_loop3A_368 : vector<16xf32>
          %parallel_loop3A_370 = arith.addf %parallel_loop3A_357, %parallel_loop3A_369 : vector<16xf32>
          %parallel_loop3A_371 = arith.constant 1 : i32
          %parallel_loop3A_372 = arith.index_cast %parallel_loop3A_371 : i32 to index
          %parallel_loop3A_373 = arith.index_cast %parallel_loop3A_232 : i32 to index
          %parallel_loop3A_374 = arith.constant 64 : index
          %parallel_loop3A_375 = tpu.vector_load %arg8[%parallel_loop3A_372, %parallel_loop3A_373, %parallel_loop3A_374] {strides = array<i32>} : memref<2x64x128xi32, #tpu.memory_space<vmem>>, vector<16xi32>,
          %parallel_loop3A_376 = vector.bitcast %parallel_loop3A_375 : vector<16xi32> to vector<32xbf16>
          %parallel_loop3A_377 = tpu.unpack_subelements %parallel_loop3A_376, 0 {pack_format = #tpu.pack_format<interleaved>} : vector<32xbf16> -> vector<16xf32>
          %parallel_loop3A_378 = tpu.unpack_subelements %parallel_loop3A_376, 1 {pack_format = #tpu.pack_format<interleaved>} : vector<32xbf16> -> vector<16xf32>
          %parallel_loop3A_379 = arith.constant 1 : i32
          %parallel_loop3A_380 = arith.index_cast %parallel_loop3A_379 : i32 to index
          %parallel_loop3A_381 = arith.index_cast %parallel_loop3A_232 : i32 to index
          %parallel_loop3A_382 = arith.constant 128 : index
          %parallel_loop3A_383 = tpu.vector_load %arg9[%parallel_loop3A_380, %parallel_loop3A_381, %parallel_loop3A_382] {strides = array<i32>} : memref<2x64x256xf32, #tpu.memory_space<vmem>>, vector<16xf32>,
          %parallel_loop3A_384 = arith.mulf %parallel_loop3A_383, %parallel_loop3A_377 : vector<16xf32>
          %parallel_loop3A_385 = arith.constant 1 : i32
          %parallel_loop3A_386 = arith.index_cast %parallel_loop3A_385 : i32 to index
          %parallel_loop3A_387 = arith.index_cast %parallel_loop3A_232 : i32 to index
          %parallel_loop3A_388 = arith.constant 128 : index
          %parallel_loop3A_389 = tpu.vector_load %arg10[%parallel_loop3A_386, %parallel_loop3A_387, %parallel_loop3A_388] {strides = array<i32>} : memref<2x64x256xf32, #tpu.memory_space<vmem>>, vector<16xf32>,
          %parallel_loop3A_390 = arith.mulf %parallel_loop3A_384, %parallel_loop3A_389 : vector<16xf32>
          %parallel_loop3A_391 = arith.addf %parallel_loop3A_370, %parallel_loop3A_390 : vector<16xf32>
          %parallel_loop3A_392 = arith.constant 1 : i32
          %parallel_loop3A_393 = arith.index_cast %parallel_loop3A_392 : i32 to index
          %parallel_loop3A_394 = arith.index_cast %parallel_loop3A_232 : i32 to index
          %parallel_loop3A_395 = arith.constant 144 : index
          %parallel_loop3A_396 = tpu.vector_load %arg9[%parallel_loop3A_393, %parallel_loop3A_394, %parallel_loop3A_395] {strides = array<i32>} : memref<2x64x256xf32, #tpu.memory_space<vmem>>, vector<16xf32>,
          %parallel_loop3A_397 = arith.mulf %parallel_loop3A_396, %parallel_loop3A_378 : vector<16xf32>
          %parallel_loop3A_398 = arith.constant 1 : i32
          %parallel_loop3A_399 = arith.index_cast %parallel_loop3A_398 : i32 to index
          %parallel_loop3A_400 = arith.index_cast %parallel_loop3A_232 : i32 to index
          %parallel_loop3A_401 = arith.constant 144 : index
          %parallel_loop3A_402 = tpu.vector_load %arg10[%parallel_loop3A_399, %parallel_loop3A_400, %parallel_loop3A_401] {strides = array<i32>} : memref<2x64x256xf32, #tpu.memory_space<vmem>>, vector<16xf32>,
          %parallel_loop3A_403 = arith.mulf %parallel_loop3A_397, %parallel_loop3A_402 : vector<16xf32>
          %parallel_loop3A_404 = arith.addf %parallel_loop3A_391, %parallel_loop3A_403 : vector<16xf32>
          %parallel_loop3A_405 = arith.constant 1 : i32
          %parallel_loop3A_406 = arith.index_cast %parallel_loop3A_405 : i32 to index
          %parallel_loop3A_407 = arith.index_cast %parallel_loop3A_232 : i32 to index
          %parallel_loop3A_408 = arith.constant 80 : index
          %parallel_loop3A_409 = tpu.vector_load %arg8[%parallel_loop3A_406, %parallel_loop3A_407, %parallel_loop3A_408] {strides = array<i32>} : memref<2x64x128xi32, #tpu.memory_space<vmem>>, vector<16xi32>,
          %parallel_loop3A_410 = vector.bitcast %parallel_loop3A_409 : vector<16xi32> to vector<32xbf16>
          %parallel_loop3A_411 = tpu.unpack_subelements %parallel_loop3A_410, 0 {pack_format = #tpu.pack_format<interleaved>} : vector<32xbf16> -> vector<16xf32>
          %parallel_loop3A_412 = tpu.unpack_subelements %parallel_loop3A_410, 1 {pack_format = #tpu.pack_format<interleaved>} : vector<32xbf16> -> vector<16xf32>
          %parallel_loop3A_413 = arith.constant 1 : i32
          %parallel_loop3A_414 = arith.index_cast %parallel_loop3A_413 : i32 to index
          %parallel_loop3A_415 = arith.index_cast %parallel_loop3A_232 : i32 to index
          %parallel_loop3A_416 = arith.constant 160 : index
          %parallel_loop3A_417 = tpu.vector_load %arg9[%parallel_loop3A_414, %parallel_loop3A_415, %parallel_loop3A_416] {strides = array<i32>} : memref<2x64x256xf32, #tpu.memory_space<vmem>>, vector<16xf32>,
          %parallel_loop3A_418 = arith.mulf %parallel_loop3A_417, %parallel_loop3A_411 : vector<16xf32>
          %parallel_loop3A_419 = arith.constant 1 : i32
          %parallel_loop3A_420 = arith.index_cast %parallel_loop3A_419 : i32 to index
          %parallel_loop3A_421 = arith.index_cast %parallel_loop3A_232 : i32 to index
          %parallel_loop3A_422 = arith.constant 160 : index
          %parallel_loop3A_423 = tpu.vector_load %arg10[%parallel_loop3A_420, %parallel_loop3A_421, %parallel_loop3A_422] {strides = array<i32>} : memref<2x64x256xf32, #tpu.memory_space<vmem>>, vector<16xf32>,
          %parallel_loop3A_424 = arith.mulf %parallel_loop3A_418, %parallel_loop3A_423 : vector<16xf32>
          %parallel_loop3A_425 = arith.addf %parallel_loop3A_404, %parallel_loop3A_424 : vector<16xf32>
          %parallel_loop3A_426 = arith.constant 1 : i32
          %parallel_loop3A_427 = arith.index_cast %parallel_loop3A_426 : i32 to index
          %parallel_loop3A_428 = arith.index_cast %parallel_loop3A_232 : i32 to index
          %parallel_loop3A_429 = arith.constant 176 : index
          %parallel_loop3A_430 = tpu.vector_load %arg9[%parallel_loop3A_427, %parallel_loop3A_428, %parallel_loop3A_429] {strides = array<i32>} : memref<2x64x256xf32, #tpu.memory_space<vmem>>, vector<16xf32>,
          %parallel_loop3A_431 = arith.mulf %parallel_loop3A_430, %parallel_loop3A_412 : vector<16xf32>
          %parallel_loop3A_432 = arith.constant 1 : i32
          %parallel_loop3A_433 = arith.index_cast %parallel_loop3A_432 : i32 to index
          %parallel_loop3A_434 = arith.index_cast %parallel_loop3A_232 : i32 to index
          %parallel_loop3A_435 = arith.constant 176 : index
          %parallel_loop3A_436 = tpu.vector_load %arg10[%parallel_loop3A_433, %parallel_loop3A_434, %parallel_loop3A_435] {strides = array<i32>} : memref<2x64x256xf32, #tpu.memory_space<vmem>>, vector<16xf32>,
          %parallel_loop3A_437 = arith.mulf %parallel_loop3A_431, %parallel_loop3A_436 : vector<16xf32>
          %parallel_loop3A_438 = arith.addf %parallel_loop3A_425, %parallel_loop3A_437 : vector<16xf32>
          %parallel_loop3A_439 = arith.constant 1 : i32
          %parallel_loop3A_440 = arith.index_cast %parallel_loop3A_439 : i32 to index
          %parallel_loop3A_441 = arith.index_cast %parallel_loop3A_232 : i32 to index
          %parallel_loop3A_442 = arith.constant 96 : index
          %parallel_loop3A_443 = tpu.vector_load %arg8[%parallel_loop3A_440, %parallel_loop3A_441, %parallel_loop3A_442] {strides = array<i32>} : memref<2x64x128xi32, #tpu.memory_space<vmem>>, vector<16xi32>,
          %parallel_loop3A_444 = vector.bitcast %parallel_loop3A_443 : vector<16xi32> to vector<32xbf16>
          %parallel_loop3A_445 = tpu.unpack_subelements %parallel_loop3A_444, 0 {pack_format = #tpu.pack_format<interleaved>} : vector<32xbf16> -> vector<16xf32>
          %parallel_loop3A_446 = tpu.unpack_subelements %parallel_loop3A_444, 1 {pack_format = #tpu.pack_format<interleaved>} : vector<32xbf16> -> vector<16xf32>
          %parallel_loop3A_447 = arith.constant 1 : i32
          %parallel_loop3A_448 = arith.index_cast %parallel_loop3A_447 : i32 to index
          %parallel_loop3A_449 = arith.index_cast %parallel_loop3A_232 : i32 to index
          %parallel_loop3A_450 = arith.constant 192 : index
          %parallel_loop3A_451 = tpu.vector_load %arg9[%parallel_loop3A_448, %parallel_loop3A_449, %parallel_loop3A_450] {strides = array<i32>} : memref<2x64x256xf32, #tpu.memory_space<vmem>>, vector<16xf32>,
          %parallel_loop3A_452 = arith.mulf %parallel_loop3A_451, %parallel_loop3A_445 : vector<16xf32>
          %parallel_loop3A_453 = arith.constant 1 : i32
          %parallel_loop3A_454 = arith.index_cast %parallel_loop3A_453 : i32 to index
          %parallel_loop3A_455 = arith.index_cast %parallel_loop3A_232 : i32 to index
          %parallel_loop3A_456 = arith.constant 192 : index
          %parallel_loop3A_457 = tpu.vector_load %arg10[%parallel_loop3A_454, %parallel_loop3A_455, %parallel_loop3A_456] {strides = array<i32>} : memref<2x64x256xf32, #tpu.memory_space<vmem>>, vector<16xf32>,
          %parallel_loop3A_458 = arith.mulf %parallel_loop3A_452, %parallel_loop3A_457 : vector<16xf32>
          %parallel_loop3A_459 = arith.addf %parallel_loop3A_438, %parallel_loop3A_458 : vector<16xf32>
          %parallel_loop3A_460 = arith.constant 1 : i32
          %parallel_loop3A_461 = arith.index_cast %parallel_loop3A_460 : i32 to index
          %parallel_loop3A_462 = arith.index_cast %parallel_loop3A_232 : i32 to index
          %parallel_loop3A_463 = arith.constant 208 : index
          %parallel_loop3A_464 = tpu.vector_load %arg9[%parallel_loop3A_461, %parallel_loop3A_462, %parallel_loop3A_463] {strides = array<i32>} : memref<2x64x256xf32, #tpu.memory_space<vmem>>, vector<16xf32>,
          %parallel_loop3A_465 = arith.mulf %parallel_loop3A_464, %parallel_loop3A_446 : vector<16xf32>
          %parallel_loop3A_466 = arith.constant 1 : i32
          %parallel_loop3A_467 = arith.index_cast %parallel_loop3A_466 : i32 to index
          %parallel_loop3A_468 = arith.index_cast %parallel_loop3A_232 : i32 to index
          %parallel_loop3A_469 = arith.constant 208 : index
          %parallel_loop3A_470 = tpu.vector_load %arg10[%parallel_loop3A_467, %parallel_loop3A_468, %parallel_loop3A_469] {strides = array<i32>} : memref<2x64x256xf32, #tpu.memory_space<vmem>>, vector<16xf32>,
          %parallel_loop3A_471 = arith.mulf %parallel_loop3A_465, %parallel_loop3A_470 : vector<16xf32>
          %parallel_loop3A_472 = arith.addf %parallel_loop3A_459, %parallel_loop3A_471 : vector<16xf32>
          %parallel_loop3A_473 = arith.constant 1 : i32
          %parallel_loop3A_474 = arith.index_cast %parallel_loop3A_473 : i32 to index
          %parallel_loop3A_475 = arith.index_cast %parallel_loop3A_232 : i32 to index
          %parallel_loop3A_476 = arith.constant 112 : index
          %parallel_loop3A_477 = tpu.vector_load %arg8[%parallel_loop3A_474, %parallel_loop3A_475, %parallel_loop3A_476] {strides = array<i32>} : memref<2x64x128xi32, #tpu.memory_space<vmem>>, vector<16xi32>,
          %parallel_loop3A_478 = vector.bitcast %parallel_loop3A_477 : vector<16xi32> to vector<32xbf16>
          %parallel_loop3A_479 = tpu.unpack_subelements %parallel_loop3A_478, 0 {pack_format = #tpu.pack_format<interleaved>} : vector<32xbf16> -> vector<16xf32>
          %parallel_loop3A_480 = tpu.unpack_subelements %parallel_loop3A_478, 1 {pack_format = #tpu.pack_format<interleaved>} : vector<32xbf16> -> vector<16xf32>
          %parallel_loop3A_481 = arith.constant 1 : i32
          %parallel_loop3A_482 = arith.index_cast %parallel_loop3A_481 : i32 to index
          %parallel_loop3A_483 = arith.index_cast %parallel_loop3A_232 : i32 to index
          %parallel_loop3A_484 = arith.constant 224 : index
          %parallel_loop3A_485 = tpu.vector_load %arg9[%parallel_loop3A_482, %parallel_loop3A_483, %parallel_loop3A_484] {strides = array<i32>} : memref<2x64x256xf32, #tpu.memory_space<vmem>>, vector<16xf32>,
          %parallel_loop3A_486 = arith.mulf %parallel_loop3A_485, %parallel_loop3A_479 : vector<16xf32>
          %parallel_loop3A_487 = arith.constant 1 : i32
          %parallel_loop3A_488 = arith.index_cast %parallel_loop3A_487 : i32 to index
          %parallel_loop3A_489 = arith.index_cast %parallel_loop3A_232 : i32 to index
          %parallel_loop3A_490 = arith.constant 224 : index
          %parallel_loop3A_491 = tpu.vector_load %arg10[%parallel_loop3A_488, %parallel_loop3A_489, %parallel_loop3A_490] {strides = array<i32>} : memref<2x64x256xf32, #tpu.memory_space<vmem>>, vector<16xf32>,
          %parallel_loop3A_492 = arith.mulf %parallel_loop3A_486, %parallel_loop3A_491 : vector<16xf32>
          %parallel_loop3A_493 = arith.addf %parallel_loop3A_472, %parallel_loop3A_492 : vector<16xf32>
          %parallel_loop3A_494 = arith.constant 1 : i32
          %parallel_loop3A_495 = arith.index_cast %parallel_loop3A_494 : i32 to index
          %parallel_loop3A_496 = arith.index_cast %parallel_loop3A_232 : i32 to index
          %parallel_loop3A_497 = arith.constant 240 : index
          %parallel_loop3A_498 = tpu.vector_load %arg9[%parallel_loop3A_495, %parallel_loop3A_496, %parallel_loop3A_497] {strides = array<i32>} : memref<2x64x256xf32, #tpu.memory_space<vmem>>, vector<16xf32>,
          %parallel_loop3A_499 = arith.mulf %parallel_loop3A_498, %parallel_loop3A_480 : vector<16xf32>
          %parallel_loop3A_500 = arith.constant 1 : i32
          %parallel_loop3A_501 = arith.index_cast %parallel_loop3A_500 : i32 to index
          %parallel_loop3A_502 = arith.index_cast %parallel_loop3A_232 : i32 to index
          %parallel_loop3A_503 = arith.constant 240 : index
          %parallel_loop3A_504 = tpu.vector_load %arg10[%parallel_loop3A_501, %parallel_loop3A_502, %parallel_loop3A_503] {strides = array<i32>} : memref<2x64x256xf32, #tpu.memory_space<vmem>>, vector<16xf32>,
          %parallel_loop3A_505 = arith.mulf %parallel_loop3A_499, %parallel_loop3A_504 : vector<16xf32>
          %parallel_loop3A_506 = arith.addf %parallel_loop3A_493, %parallel_loop3A_505 : vector<16xf32>
          %parallel_loop3A_507 = arith.constant true
          %parallel_loop3A_508 = vector.broadcast %parallel_loop3A_507 : i1 to vector<16xi1>
          %parallel_loop3A_509 = tpu.scan <sum>, %parallel_loop3A_506 masked %parallel_loop3A_508 : vector<16xf32>, vector<16xi1> -> vector<16xf32>
          %parallel_loop3A_510 = vector.extract %parallel_loop3A_509[15] : f32 from vector<16xf32>
          %parallel_loop3A_511 = vector.broadcast %parallel_loop3A_510 : f32 to vector<16xf32>
          %parallel_loop3A_512 = vector.broadcast %parallel_loop3A_232 : i32 to vector<16xi32>
          %parallel_loop3A_513 = arith.constant 0 : i32
          %parallel_loop3A_514 = vector.broadcast %parallel_loop3A_513 : i32 to vector<16xi32>
          %parallel_loop3A_515 = arith.cmpi eq, %iota3A, %parallel_loop3A_514 : vector<16xi32>
          %parallel_loop3A_516 = arith.constant 1 : i32
          %parallel_loop3A_517 = arith.constant 0 : i32
          %parallel_loop3A_518 = tpu.memref_slice %arg11[%parallel_loop3A_516, %parallel_loop3A_517] : memref<2x64xf32, #tpu.memory_space<vmem>> -> memref<1x64xf32, #tpu.memory_space<vmem>>
          %parallel_loop3A_519 = tpu.memref_squeeze %parallel_loop3A_518 : memref<1x64xf32, #tpu.memory_space<vmem>> -> memref<64xf32, #tpu.memory_space<vmem>>
          tpu.vector_store_idx %parallel_loop3A_519[%parallel_loop3A_512], %parallel_loop3A_511 masked %parallel_loop3A_515 : memref<64xf32, #tpu.memory_space<vmem>>[vector<16xi32>], vector<16xf32>, vector<16xi1>
        } {sc.loop_unroll_factor = 2 : i64, sc.parallel_access}
        %mul3A_218 = arith.constant 32 : i32
        %mul3A_219 = arith.muli %add3A_157, %mul3A_218 : i32
        %add3A_220 = arith.addi %add3A, %mul3A_219 : i32
        %mul3A_221 = arith.constant 64 : i32
        %mul3A_222 = arith.muli %add3A_220, %mul3A_221 : i32
        %dma_start3A_223 = arith.constant 1 : i32
        %dma_start3A_224 = arith.constant 0 : i32
        %dma_start3A_225 = tpu.memref_slice %arg11[%dma_start3A_223, %dma_start3A_224] : memref<2x64xf32, #tpu.memory_space<vmem>> -> memref<1x64xf32, #tpu.memory_space<vmem>>
        %dma_start3A_226 = tpu.memref_squeeze %dma_start3A_225 : memref<1x64xf32, #tpu.memory_space<vmem>> -> memref<64xf32, #tpu.memory_space<vmem>>
        %dma_start3A_227 = tpu.memref_slice %arg6[%mul3A_222] : memref<83200xf32, #tpu.memory_space<hbm>> -> memref<64xf32, #tpu.memory_space<hbm>>
        %dma_start3A_228 = tpu.memref_slice %arg6[%mul3A_222] : memref<83200xf32, #tpu.memory_space<hbm>> -> memref<64xf32, #tpu.memory_space<hbm>>
        %dma_start3A_229 = arith.constant 0 : i32
        %dma_start3A_230 = tpu.memref_slice %arg11[%dma_start3A_223, %dma_start3A_229] : memref<2x64xf32, #tpu.memory_space<vmem>> -> memref<1x64xf32, #tpu.memory_space<vmem>>
        %dma_start3A_231 = tpu.memref_squeeze %dma_start3A_230 : memref<1x64xf32, #tpu.memory_space<vmem>> -> memref<64xf32, #tpu.memory_space<vmem>>
        tpu.enqueue_dma source(%dma_start3A_231 : memref<64xf32, #tpu.memory_space<vmem>>) target(%dma_start3A_228 : memref<64xf32, #tpu.memory_space<hbm>>) target_semaphore(%arg15 : memref<!tpu.dma_semaphore, #tpu.memory_space<semaphore_mem>>)
      } else {
      }
    }
    %while3A_106 = arith.constant 1 : i32
    scf.for %while3A_145 = %while3A_104 to %while3A_100 step %while3A_106  : i32 {
      %mul3A_146 = arith.constant 2 : i32
      %mul3A_147 = arith.muli %while3A_145, %mul3A_146 : i32
      %add3A_148 = arith.constant 0 : i32
      %add3A_149 = arith.addi %mul3A_147, %add3A_148 : i32
      %lt3A_150 = arith.cmpi slt, %add3A_149, %select_n3A : i32
      %convert_element_type3A_151 = arith.extui %lt3A_150 : i1 to i32
      %cond3A_152 = arith.constant 0 : i32
      %cond3A_153 = arith.cmpi ne, %convert_element_type3A_151, %cond3A_152 : i32
      scf.if %cond3A_153 {
        %add3A_162 = arith.constant 1 : i32
        %add3A_163 = arith.addi %add3A_149, %add3A_162 : i32
        %lt3A_164 = arith.cmpi slt, %add3A_163, %select_n3A : i32
        %convert_element_type3A_165 = arith.extui %lt3A_164 : i1 to i32
        %cond3A_166 = arith.constant 0 : i32
        %cond3A_167 = arith.cmpi ne, %convert_element_type3A_165, %cond3A_166 : i32
        scf.if %cond3A_167 {
          %add3A_232 = arith.constant 1 : i32
          %add3A_233 = arith.addi %add3A_149, %add3A_232 : i32
          %add3A_234 = arith.constant 1200 : i32
          %add3A_235 = arith.addi %add3A_234, %add3A : i32
          %mul3A_236 = arith.constant 32 : i32
          %mul3A_237 = arith.muli %add3A_233, %mul3A_236 : i32
          %add3A_238 = arith.addi %add3A_235, %mul3A_237 : i32
          %mul3A_239 = arith.constant 64 : i32
          %mul3A_240 = arith.muli %add3A_238, %mul3A_239 : i32
          %run_scoped3A_241 = arith.constant 1 : i32
          "tpu.region"() ({
            %run_scoped3A_287 = tpu.sem_alloc : memref<!tpu.dma_semaphore, #tpu.memory_space<semaphore_mem>>
            %dma_start3A_288 = arith.constant 0 : i32
            %dma_start3A_289 = tpu.memref_slice %arg7[%run_scoped3A_241, %dma_start3A_288] : memref<2x64xi32, #tpu.memory_space<vmem>> -> memref<1x64xi32, #tpu.memory_space<vmem>>
            %dma_start3A_290 = tpu.memref_squeeze %dma_start3A_289 : memref<1x64xi32, #tpu.memory_space<vmem>> -> memref<64xi32, #tpu.memory_space<vmem>>
            %dma_start3A_291 = tpu.memref_slice %arg4[%mul3A_240] : memref<160000xi32, #tpu.memory_space<hbm>> -> memref<64xi32, #tpu.memory_space<hbm>>
            %dma_start3A_292 = arith.constant 0 : i32
            %dma_start3A_293 = tpu.memref_slice %arg7[%run_scoped3A_241, %dma_start3A_292] : memref<2x64xi32, #tpu.memory_space<vmem>> -> memref<1x64xi32, #tpu.memory_space<vmem>>
            %dma_start3A_294 = tpu.memref_squeeze %dma_start3A_293 : memref<1x64xi32, #tpu.memory_space<vmem>> -> memref<64xi32, #tpu.memory_space<vmem>>
            %dma_start3A_295 = tpu.memref_slice %arg4[%mul3A_240] : memref<160000xi32, #tpu.memory_space<hbm>> -> memref<64xi32, #tpu.memory_space<hbm>>
            tpu.enqueue_dma source(%dma_start3A_295 : memref<64xi32, #tpu.memory_space<hbm>>) target(%dma_start3A_294 : memref<64xi32, #tpu.memory_space<vmem>>) target_semaphore(%run_scoped3A_287 : memref<!tpu.dma_semaphore, #tpu.memory_space<semaphore_mem>>)
            %dma_wait3A_296 = arith.constant 0 : i32
            %dma_wait3A_297 = tpu.memref_slice %arg7[%run_scoped3A_241, %dma_wait3A_296] : memref<2x64xi32, #tpu.memory_space<vmem>> -> memref<1x64xi32, #tpu.memory_space<vmem>>
            %dma_wait3A_298 = tpu.memref_squeeze %dma_wait3A_297 : memref<1x64xi32, #tpu.memory_space<vmem>> -> memref<64xi32, #tpu.memory_space<vmem>>
            %dma_wait3A_299 = tpu.memref_slice %arg4[%mul3A_240] : memref<160000xi32, #tpu.memory_space<hbm>> -> memref<64xi32, #tpu.memory_space<hbm>>
            %dma_wait3A_300 = arith.constant 0 : i32
            %dma_wait3A_301 = tpu.memref_slice %arg7[%run_scoped3A_241, %dma_wait3A_300] : memref<2x64xi32, #tpu.memory_space<vmem>> -> memref<1x64xi32, #tpu.memory_space<vmem>>
            %dma_wait3A_302 = tpu.memref_squeeze %dma_wait3A_301 : memref<1x64xi32, #tpu.memory_space<vmem>> -> memref<64xi32, #tpu.memory_space<vmem>>
            %dma_wait3A_303 = tpu.memref_slice %arg4[%mul3A_240] : memref<160000xi32, #tpu.memory_space<hbm>> -> memref<64xi32, #tpu.memory_space<hbm>>
            tpu.wait_dma2 semaphore(%run_scoped3A_287 : memref<!tpu.dma_semaphore, #tpu.memory_space<semaphore_mem>>) src(%dma_wait3A_303 : memref<64xi32, #tpu.memory_space<hbm>>) dst(%dma_wait3A_302 : memref<64xi32, #tpu.memory_space<vmem>>)
            tpu.yield
          }) : () -> ()
          %add3A_242 = arith.constant 1200 : i32
          %add3A_243 = arith.addi %add3A_242, %add3A : i32
          %mul3A_244 = arith.constant 32 : i32
          %mul3A_245 = arith.muli %add3A_233, %mul3A_244 : i32
          %add3A_246 = arith.addi %add3A_243, %mul3A_245 : i32
          %mul3A_247 = arith.constant 64 : i32
          %mul3A_248 = arith.muli %add3A_246, %mul3A_247 : i32
          %dma_start3A_249 = arith.constant 1 : i32
          %dma_start3A_250 = arith.constant 1 : i32
          %dma_start3A_251 = arith.constant 0 : i32
          %dma_start3A_252 = arith.constant 0 : i32
          %dma_start3A_253 = tpu.memref_slice %arg8[%dma_start3A_250, %dma_start3A_251, %dma_start3A_252] : memref<2x64x128xi32, #tpu.memory_space<vmem>> -> memref<1x64x128xi32, #tpu.memory_space<vmem>>
          %dma_start3A_254 = tpu.memref_squeeze %dma_start3A_253 : memref<1x64x128xi32, #tpu.memory_space<vmem>> -> memref<64x128xi32, #tpu.memory_space<vmem>>
          %dma_start3A_255 = arith.constant 0 : i32
          %dma_start3A_256 = tpu.memref_slice %arg7[%dma_start3A_249, %dma_start3A_255] : memref<2x64xi32, #tpu.memory_space<vmem>> -> memref<1x64xi32, #tpu.memory_space<vmem>>
          %dma_start3A_257 = tpu.memref_squeeze %dma_start3A_256 : memref<1x64xi32, #tpu.memory_space<vmem>> -> memref<64xi32, #tpu.memory_space<vmem>>
          %dma_start3A_258 = arith.constant 0 : i32
          %dma_start3A_259 = arith.constant 0 : i32
          %dma_start3A_260 = tpu.memref_slice %arg5[%dma_start3A_258, %dma_start3A_259] : memref<500x128xi32, #tpu.memory_space<hbm>> -> memref<500x128xi32, #tpu.memory_space<hbm>>
          tpu.enqueue_indirect_dma source(%dma_start3A_260 : memref<500x128xi32, #tpu.memory_space<hbm>>) target(%dma_start3A_254 : memref<64x128xi32, #tpu.memory_space<vmem>>) offsets(%dma_start3A_257 : memref<64xi32, #tpu.memory_space<vmem>>) semaphore(%arg13 : memref<!tpu.dma_semaphore, #tpu.memory_space<semaphore_mem>>)
          %dma_start3A_261 = arith.constant 1 : i32
          %dma_start3A_262 = arith.constant 0 : i32
          %dma_start3A_263 = arith.constant 0 : i32
          %dma_start3A_264 = tpu.memref_slice %arg9[%dma_start3A_261, %dma_start3A_262, %dma_start3A_263] : memref<2x64x256xf32, #tpu.memory_space<vmem>> -> memref<1x64x256xf32, #tpu.memory_space<vmem>>
          %dma_start3A_265 = tpu.memref_squeeze %dma_start3A_264 : memref<1x64x256xf32, #tpu.memory_space<vmem>> -> memref<64x256xf32, #tpu.memory_space<vmem>>
          %dma_start3A_266 = arith.constant 0 : i32
          %dma_start3A_267 = tpu.memref_slice %arg2[%mul3A_248, %dma_start3A_266] : memref<160000x256xf32, #tpu.memory_space<hbm>> -> memref<64x256xf32, #tpu.memory_space<hbm>>
          %dma_start3A_268 = arith.constant 0 : i32
          %dma_start3A_269 = arith.constant 0 : i32
          %dma_start3A_270 = tpu.memref_slice %arg9[%dma_start3A_261, %dma_start3A_268, %dma_start3A_269] : memref<2x64x256xf32, #tpu.memory_space<vmem>> -> memref<1x64x256xf32, #tpu.memory_space<vmem>>
          %dma_start3A_271 = tpu.memref_squeeze %dma_start3A_270 : memref<1x64x256xf32, #tpu.memory_space<vmem>> -> memref<64x256xf32, #tpu.memory_space<vmem>>
          %dma_start3A_272 = arith.constant 0 : i32
          %dma_start3A_273 = tpu.memref_slice %arg2[%mul3A_248, %dma_start3A_272] : memref<160000x256xf32, #tpu.memory_space<hbm>> -> memref<64x256xf32, #tpu.memory_space<hbm>>
          tpu.enqueue_dma source(%dma_start3A_273 : memref<64x256xf32, #tpu.memory_space<hbm>>) target(%dma_start3A_271 : memref<64x256xf32, #tpu.memory_space<vmem>>) target_semaphore(%arg13 : memref<!tpu.dma_semaphore, #tpu.memory_space<semaphore_mem>>)
          %dma_start3A_274 = arith.constant 1 : i32
          %dma_start3A_275 = arith.constant 0 : i32
          %dma_start3A_276 = arith.constant 0 : i32
          %dma_start3A_277 = tpu.memref_slice %arg10[%dma_start3A_274, %dma_start3A_275, %dma_start3A_276] : memref<2x64x256xf32, #tpu.memory_space<vmem>> -> memref<1x64x256xf32, #tpu.memory_space<vmem>>
          %dma_start3A_278 = tpu.memref_squeeze %dma_start3A_277 : memref<1x64x256xf32, #tpu.memory_space<vmem>> -> memref<64x256xf32, #tpu.memory_space<vmem>>
          %dma_start3A_279 = arith.constant 0 : i32
          %dma_start3A_280 = tpu.memref_slice %arg3[%mul3A_248, %dma_start3A_279] : memref<160000x256xf32, #tpu.memory_space<hbm>> -> memref<64x256xf32, #tpu.memory_space<hbm>>
          %dma_start3A_281 = arith.constant 0 : i32
          %dma_start3A_282 = arith.constant 0 : i32
          %dma_start3A_283 = tpu.memref_slice %arg10[%dma_start3A_274, %dma_start3A_281, %dma_start3A_282] : memref<2x64x256xf32, #tpu.memory_space<vmem>> -> memref<1x64x256xf32, #tpu.memory_space<vmem>>
          %dma_start3A_284 = tpu.memref_squeeze %dma_start3A_283 : memref<1x64x256xf32, #tpu.memory_space<vmem>> -> memref<64x256xf32, #tpu.memory_space<vmem>>
          %dma_start3A_285 = arith.constant 0 : i32
          %dma_start3A_286 = tpu.memref_slice %arg3[%mul3A_248, %dma_start3A_285] : memref<160000x256xf32, #tpu.memory_space<hbm>> -> memref<64x256xf32, #tpu.memory_space<hbm>>
          tpu.enqueue_dma source(%dma_start3A_286 : memref<64x256xf32, #tpu.memory_space<hbm>>) target(%dma_start3A_284 : memref<64x256xf32, #tpu.memory_space<vmem>>) target_semaphore(%arg13 : memref<!tpu.dma_semaphore, #tpu.memory_space<semaphore_mem>>)
        } else {
        }
        %add3A_168 = arith.constant 1200 : i32
        %add3A_169 = arith.addi %add3A_168, %add3A : i32
        %mul3A_170 = arith.constant 32 : i32
        %mul3A_171 = arith.muli %add3A_149, %mul3A_170 : i32
        %add3A_172 = arith.addi %add3A_169, %mul3A_171 : i32
        %mul3A_173 = arith.constant 64 : i32
        %mul3A_174 = arith.muli %add3A_172, %mul3A_173 : i32
        %dma_wait3A = arith.constant 0 : i32
        %dma_wait3A_175 = arith.constant 0 : i32
        %dma_wait3A_176 = arith.constant 0 : i32
        %dma_wait3A_177 = arith.constant 0 : i32
        %dma_wait3A_178 = tpu.memref_slice %arg8[%dma_wait3A_175, %dma_wait3A_176, %dma_wait3A_177] : memref<2x64x128xi32, #tpu.memory_space<vmem>> -> memref<1x64x128xi32, #tpu.memory_space<vmem>>
        %dma_wait3A_179 = tpu.memref_squeeze %dma_wait3A_178 : memref<1x64x128xi32, #tpu.memory_space<vmem>> -> memref<64x128xi32, #tpu.memory_space<vmem>>
        %dma_wait3A_180 = arith.constant 0 : i32
        %dma_wait3A_181 = tpu.memref_slice %arg7[%dma_wait3A, %dma_wait3A_180] : memref<2x64xi32, #tpu.memory_space<vmem>> -> memref<1x64xi32, #tpu.memory_space<vmem>>
        %dma_wait3A_182 = tpu.memref_squeeze %dma_wait3A_181 : memref<1x64xi32, #tpu.memory_space<vmem>> -> memref<64xi32, #tpu.memory_space<vmem>>
        %dma_wait3A_183 = arith.constant 0 : i32
        %dma_wait3A_184 = arith.constant 0 : i32
        %dma_wait3A_185 = tpu.memref_slice %arg5[%dma_wait3A_183, %dma_wait3A_184] : memref<500x128xi32, #tpu.memory_space<hbm>> -> memref<500x128xi32, #tpu.memory_space<hbm>>
        tpu.wait_indirect_dma semaphore(%arg12 : memref<!tpu.dma_semaphore, #tpu.memory_space<semaphore_mem>>) src(%dma_wait3A_185 : memref<500x128xi32, #tpu.memory_space<hbm>>) dst(%dma_wait3A_179 : memref<64x128xi32, #tpu.memory_space<vmem>>)
        %dma_wait3A_186 = arith.constant 0 : i32
        %dma_wait3A_187 = arith.constant 0 : i32
        %dma_wait3A_188 = arith.constant 0 : i32
        %dma_wait3A_189 = tpu.memref_slice %arg9[%dma_wait3A_186, %dma_wait3A_187, %dma_wait3A_188] : memref<2x64x256xf32, #tpu.memory_space<vmem>> -> memref<1x64x256xf32, #tpu.memory_space<vmem>>
        %dma_wait3A_190 = tpu.memref_squeeze %dma_wait3A_189 : memref<1x64x256xf32, #tpu.memory_space<vmem>> -> memref<64x256xf32, #tpu.memory_space<vmem>>
        %dma_wait3A_191 = arith.constant 0 : i32
        %dma_wait3A_192 = tpu.memref_slice %arg2[%mul3A_174, %dma_wait3A_191] : memref<160000x256xf32, #tpu.memory_space<hbm>> -> memref<64x256xf32, #tpu.memory_space<hbm>>
        %dma_wait3A_193 = arith.constant 0 : i32
        %dma_wait3A_194 = arith.constant 0 : i32
        %dma_wait3A_195 = tpu.memref_slice %arg9[%dma_wait3A_186, %dma_wait3A_193, %dma_wait3A_194] : memref<2x64x256xf32, #tpu.memory_space<vmem>> -> memref<1x64x256xf32, #tpu.memory_space<vmem>>
        %dma_wait3A_196 = tpu.memref_squeeze %dma_wait3A_195 : memref<1x64x256xf32, #tpu.memory_space<vmem>> -> memref<64x256xf32, #tpu.memory_space<vmem>>
        %dma_wait3A_197 = arith.constant 0 : i32
        %dma_wait3A_198 = tpu.memref_slice %arg2[%mul3A_174, %dma_wait3A_197] : memref<160000x256xf32, #tpu.memory_space<hbm>> -> memref<64x256xf32, #tpu.memory_space<hbm>>
        tpu.wait_dma2 semaphore(%arg12 : memref<!tpu.dma_semaphore, #tpu.memory_space<semaphore_mem>>) src(%dma_wait3A_198 : memref<64x256xf32, #tpu.memory_space<hbm>>) dst(%dma_wait3A_196 : memref<64x256xf32, #tpu.memory_space<vmem>>)
        %dma_wait3A_199 = arith.constant 0 : i32
        %dma_wait3A_200 = arith.constant 0 : i32
        %dma_wait3A_201 = arith.constant 0 : i32
        %dma_wait3A_202 = tpu.memref_slice %arg10[%dma_wait3A_199, %dma_wait3A_200, %dma_wait3A_201] : memref<2x64x256xf32, #tpu.memory_space<vmem>> -> memref<1x64x256xf32, #tpu.memory_space<vmem>>
        %dma_wait3A_203 = tpu.memref_squeeze %dma_wait3A_202 : memref<1x64x256xf32, #tpu.memory_space<vmem>> -> memref<64x256xf32, #tpu.memory_space<vmem>>
        %dma_wait3A_204 = arith.constant 0 : i32
        %dma_wait3A_205 = tpu.memref_slice %arg3[%mul3A_174, %dma_wait3A_204] : memref<160000x256xf32, #tpu.memory_space<hbm>> -> memref<64x256xf32, #tpu.memory_space<hbm>>
        %dma_wait3A_206 = arith.constant 0 : i32
        %dma_wait3A_207 = arith.constant 0 : i32
        %dma_wait3A_208 = tpu.memref_slice %arg10[%dma_wait3A_199, %dma_wait3A_206, %dma_wait3A_207] : memref<2x64x256xf32, #tpu.memory_space<vmem>> -> memref<1x64x256xf32, #tpu.memory_space<vmem>>
        %dma_wait3A_209 = tpu.memref_squeeze %dma_wait3A_208 : memref<1x64x256xf32, #tpu.memory_space<vmem>> -> memref<64x256xf32, #tpu.memory_space<vmem>>
        %dma_wait3A_210 = arith.constant 0 : i32
        %dma_wait3A_211 = tpu.memref_slice %arg3[%mul3A_174, %dma_wait3A_210] : memref<160000x256xf32, #tpu.memory_space<hbm>> -> memref<64x256xf32, #tpu.memory_space<hbm>>
        tpu.wait_dma2 semaphore(%arg12 : memref<!tpu.dma_semaphore, #tpu.memory_space<semaphore_mem>>) src(%dma_wait3A_211 : memref<64x256xf32, #tpu.memory_space<hbm>>) dst(%dma_wait3A_209 : memref<64x256xf32, #tpu.memory_space<vmem>>)
        %ge3A = arith.constant 2 : i32
        %ge3A_212 = arith.cmpi sge, %add3A_149, %ge3A : i32
        %convert_element_type3A_213 = arith.extui %ge3A_212 : i1 to i32
        %cond3A_214 = arith.constant 0 : i32
        %cond3A_215 = arith.cmpi ne, %convert_element_type3A_213, %cond3A_214 : i32
        scf.if %cond3A_215 {
          %sub3A_232 = arith.constant 2 : i32
          %sub3A_233 = arith.subi %add3A_149, %sub3A_232 : i32
          %mul3A_234 = arith.constant 32 : i32
          %mul3A_235 = arith.muli %sub3A_233, %mul3A_234 : i32
          %add3A_236 = arith.addi %add3A, %mul3A_235 : i32
          %mul3A_237 = arith.constant 64 : i32
          %mul3A_238 = arith.muli %add3A_236, %mul3A_237 : i32
          %dma_wait3A_239 = arith.constant 0 : i32
          %dma_wait3A_240 = arith.constant 0 : i32
          %dma_wait3A_241 = tpu.memref_slice %arg11[%dma_wait3A_239, %dma_wait3A_240] : memref<2x64xf32, #tpu.memory_space<vmem>> -> memref<1x64xf32, #tpu.memory_space<vmem>>
          %dma_wait3A_242 = tpu.memref_squeeze %dma_wait3A_241 : memref<1x64xf32, #tpu.memory_space<vmem>> -> memref<64xf32, #tpu.memory_space<vmem>>
          %dma_wait3A_243 = tpu.memref_slice %arg6[%mul3A_238] : memref<83200xf32, #tpu.memory_space<hbm>> -> memref<64xf32, #tpu.memory_space<hbm>>
          %dma_wait3A_244 = tpu.memref_slice %arg6[%mul3A_238] : memref<83200xf32, #tpu.memory_space<hbm>> -> memref<64xf32, #tpu.memory_space<hbm>>
          %dma_wait3A_245 = arith.constant 0 : i32
          %dma_wait3A_246 = tpu.memref_slice %arg11[%dma_wait3A_239, %dma_wait3A_245] : memref<2x64xf32, #tpu.memory_space<vmem>> -> memref<1x64xf32, #tpu.memory_space<vmem>>
          %dma_wait3A_247 = tpu.memref_squeeze %dma_wait3A_246 : memref<1x64xf32, #tpu.memory_space<vmem>> -> memref<64xf32, #tpu.memory_space<vmem>>
          tpu.wait_dma2 semaphore(%arg14 : memref<!tpu.dma_semaphore, #tpu.memory_space<semaphore_mem>>) src(%dma_wait3A_247 : memref<64xf32, #tpu.memory_space<vmem>>) dst(%dma_wait3A_244 : memref<64xf32, #tpu.memory_space<hbm>>)
        } else {
        }
        %parallel_loop3A = arith.constant 0 : i32
        %parallel_loop3A_216 = arith.constant 64 : i32
        %parallel_loop3A_217 = arith.constant 1 : i32
        scf.for %parallel_loop3A_232 = %parallel_loop3A to %parallel_loop3A_216 step %parallel_loop3A_217  : i32 {
          %parallel_loop3A_233 = arith.constant 0.000000e+00 : f32
          %parallel_loop3A_234 = vector.broadcast %parallel_loop3A_233 : f32 to vector<16xf32>
          %parallel_loop3A_235 = arith.constant 0 : i32
          %parallel_loop3A_236 = arith.index_cast %parallel_loop3A_235 : i32 to index
          %parallel_loop3A_237 = arith.index_cast %parallel_loop3A_232 : i32 to index
          %parallel_loop3A_238 = arith.constant 0 : index
          %parallel_loop3A_239 = tpu.vector_load %arg8[%parallel_loop3A_236, %parallel_loop3A_237, %parallel_loop3A_238] {strides = array<i32>} : memref<2x64x128xi32, #tpu.memory_space<vmem>>, vector<16xi32>,
          %parallel_loop3A_240 = vector.bitcast %parallel_loop3A_239 : vector<16xi32> to vector<32xbf16>
          %parallel_loop3A_241 = tpu.unpack_subelements %parallel_loop3A_240, 0 {pack_format = #tpu.pack_format<interleaved>} : vector<32xbf16> -> vector<16xf32>
          %parallel_loop3A_242 = tpu.unpack_subelements %parallel_loop3A_240, 1 {pack_format = #tpu.pack_format<interleaved>} : vector<32xbf16> -> vector<16xf32>
          %parallel_loop3A_243 = arith.constant 0 : i32
          %parallel_loop3A_244 = arith.index_cast %parallel_loop3A_243 : i32 to index
          %parallel_loop3A_245 = arith.index_cast %parallel_loop3A_232 : i32 to index
          %parallel_loop3A_246 = arith.constant 0 : index
          %parallel_loop3A_247 = tpu.vector_load %arg9[%parallel_loop3A_244, %parallel_loop3A_245, %parallel_loop3A_246] {strides = array<i32>} : memref<2x64x256xf32, #tpu.memory_space<vmem>>, vector<16xf32>,
          %parallel_loop3A_248 = arith.mulf %parallel_loop3A_247, %parallel_loop3A_241 : vector<16xf32>
          %parallel_loop3A_249 = arith.constant 0 : i32
          %parallel_loop3A_250 = arith.index_cast %parallel_loop3A_249 : i32 to index
          %parallel_loop3A_251 = arith.index_cast %parallel_loop3A_232 : i32 to index
          %parallel_loop3A_252 = arith.constant 0 : index
          %parallel_loop3A_253 = tpu.vector_load %arg10[%parallel_loop3A_250, %parallel_loop3A_251, %parallel_loop3A_252] {strides = array<i32>} : memref<2x64x256xf32, #tpu.memory_space<vmem>>, vector<16xf32>,
          %parallel_loop3A_254 = arith.mulf %parallel_loop3A_248, %parallel_loop3A_253 : vector<16xf32>
          %parallel_loop3A_255 = arith.addf %parallel_loop3A_234, %parallel_loop3A_254 : vector<16xf32>
          %parallel_loop3A_256 = arith.constant 0 : i32
          %parallel_loop3A_257 = arith.index_cast %parallel_loop3A_256 : i32 to index
          %parallel_loop3A_258 = arith.index_cast %parallel_loop3A_232 : i32 to index
          %parallel_loop3A_259 = arith.constant 16 : index
          %parallel_loop3A_260 = tpu.vector_load %arg9[%parallel_loop3A_257, %parallel_loop3A_258, %parallel_loop3A_259] {strides = array<i32>} : memref<2x64x256xf32, #tpu.memory_space<vmem>>, vector<16xf32>,
          %parallel_loop3A_261 = arith.mulf %parallel_loop3A_260, %parallel_loop3A_242 : vector<16xf32>
          %parallel_loop3A_262 = arith.constant 0 : i32
          %parallel_loop3A_263 = arith.index_cast %parallel_loop3A_262 : i32 to index
          %parallel_loop3A_264 = arith.index_cast %parallel_loop3A_232 : i32 to index
          %parallel_loop3A_265 = arith.constant 16 : index
          %parallel_loop3A_266 = tpu.vector_load %arg10[%parallel_loop3A_263, %parallel_loop3A_264, %parallel_loop3A_265] {strides = array<i32>} : memref<2x64x256xf32, #tpu.memory_space<vmem>>, vector<16xf32>,
          %parallel_loop3A_267 = arith.mulf %parallel_loop3A_261, %parallel_loop3A_266 : vector<16xf32>
          %parallel_loop3A_268 = arith.addf %parallel_loop3A_255, %parallel_loop3A_267 : vector<16xf32>
          %parallel_loop3A_269 = arith.constant 0 : i32
          %parallel_loop3A_270 = arith.index_cast %parallel_loop3A_269 : i32 to index
          %parallel_loop3A_271 = arith.index_cast %parallel_loop3A_232 : i32 to index
          %parallel_loop3A_272 = arith.constant 16 : index
          %parallel_loop3A_273 = tpu.vector_load %arg8[%parallel_loop3A_270, %parallel_loop3A_271, %parallel_loop3A_272] {strides = array<i32>} : memref<2x64x128xi32, #tpu.memory_space<vmem>>, vector<16xi32>,
          %parallel_loop3A_274 = vector.bitcast %parallel_loop3A_273 : vector<16xi32> to vector<32xbf16>
          %parallel_loop3A_275 = tpu.unpack_subelements %parallel_loop3A_274, 0 {pack_format = #tpu.pack_format<interleaved>} : vector<32xbf16> -> vector<16xf32>
          %parallel_loop3A_276 = tpu.unpack_subelements %parallel_loop3A_274, 1 {pack_format = #tpu.pack_format<interleaved>} : vector<32xbf16> -> vector<16xf32>
          %parallel_loop3A_277 = arith.constant 0 : i32
          %parallel_loop3A_278 = arith.index_cast %parallel_loop3A_277 : i32 to index
          %parallel_loop3A_279 = arith.index_cast %parallel_loop3A_232 : i32 to index
          %parallel_loop3A_280 = arith.constant 32 : index
          %parallel_loop3A_281 = tpu.vector_load %arg9[%parallel_loop3A_278, %parallel_loop3A_279, %parallel_loop3A_280] {strides = array<i32>} : memref<2x64x256xf32, #tpu.memory_space<vmem>>, vector<16xf32>,
          %parallel_loop3A_282 = arith.mulf %parallel_loop3A_281, %parallel_loop3A_275 : vector<16xf32>
          %parallel_loop3A_283 = arith.constant 0 : i32
          %parallel_loop3A_284 = arith.index_cast %parallel_loop3A_283 : i32 to index
          %parallel_loop3A_285 = arith.index_cast %parallel_loop3A_232 : i32 to index
          %parallel_loop3A_286 = arith.constant 32 : index
          %parallel_loop3A_287 = tpu.vector_load %arg10[%parallel_loop3A_284, %parallel_loop3A_285, %parallel_loop3A_286] {strides = array<i32>} : memref<2x64x256xf32, #tpu.memory_space<vmem>>, vector<16xf32>,
          %parallel_loop3A_288 = arith.mulf %parallel_loop3A_282, %parallel_loop3A_287 : vector<16xf32>
          %parallel_loop3A_289 = arith.addf %parallel_loop3A_268, %parallel_loop3A_288 : vector<16xf32>
          %parallel_loop3A_290 = arith.constant 0 : i32
          %parallel_loop3A_291 = arith.index_cast %parallel_loop3A_290 : i32 to index
          %parallel_loop3A_292 = arith.index_cast %parallel_loop3A_232 : i32 to index
          %parallel_loop3A_293 = arith.constant 48 : index
          %parallel_loop3A_294 = tpu.vector_load %arg9[%parallel_loop3A_291, %parallel_loop3A_292, %parallel_loop3A_293] {strides = array<i32>} : memref<2x64x256xf32, #tpu.memory_space<vmem>>, vector<16xf32>,
          %parallel_loop3A_295 = arith.mulf %parallel_loop3A_294, %parallel_loop3A_276 : vector<16xf32>
          %parallel_loop3A_296 = arith.constant 0 : i32
          %parallel_loop3A_297 = arith.index_cast %parallel_loop3A_296 : i32 to index
          %parallel_loop3A_298 = arith.index_cast %parallel_loop3A_232 : i32 to index
          %parallel_loop3A_299 = arith.constant 48 : index
          %parallel_loop3A_300 = tpu.vector_load %arg10[%parallel_loop3A_297, %parallel_loop3A_298, %parallel_loop3A_299] {strides = array<i32>} : memref<2x64x256xf32, #tpu.memory_space<vmem>>, vector<16xf32>,
          %parallel_loop3A_301 = arith.mulf %parallel_loop3A_295, %parallel_loop3A_300 : vector<16xf32>
          %parallel_loop3A_302 = arith.addf %parallel_loop3A_289, %parallel_loop3A_301 : vector<16xf32>
          %parallel_loop3A_303 = arith.constant 0 : i32
          %parallel_loop3A_304 = arith.index_cast %parallel_loop3A_303 : i32 to index
          %parallel_loop3A_305 = arith.index_cast %parallel_loop3A_232 : i32 to index
          %parallel_loop3A_306 = arith.constant 32 : index
          %parallel_loop3A_307 = tpu.vector_load %arg8[%parallel_loop3A_304, %parallel_loop3A_305, %parallel_loop3A_306] {strides = array<i32>} : memref<2x64x128xi32, #tpu.memory_space<vmem>>, vector<16xi32>,
          %parallel_loop3A_308 = vector.bitcast %parallel_loop3A_307 : vector<16xi32> to vector<32xbf16>
          %parallel_loop3A_309 = tpu.unpack_subelements %parallel_loop3A_308, 0 {pack_format = #tpu.pack_format<interleaved>} : vector<32xbf16> -> vector<16xf32>
          %parallel_loop3A_310 = tpu.unpack_subelements %parallel_loop3A_308, 1 {pack_format = #tpu.pack_format<interleaved>} : vector<32xbf16> -> vector<16xf32>
          %parallel_loop3A_311 = arith.constant 0 : i32
          %parallel_loop3A_312 = arith.index_cast %parallel_loop3A_311 : i32 to index
          %parallel_loop3A_313 = arith.index_cast %parallel_loop3A_232 : i32 to index
          %parallel_loop3A_314 = arith.constant 64 : index
          %parallel_loop3A_315 = tpu.vector_load %arg9[%parallel_loop3A_312, %parallel_loop3A_313, %parallel_loop3A_314] {strides = array<i32>} : memref<2x64x256xf32, #tpu.memory_space<vmem>>, vector<16xf32>,
          %parallel_loop3A_316 = arith.mulf %parallel_loop3A_315, %parallel_loop3A_309 : vector<16xf32>
          %parallel_loop3A_317 = arith.constant 0 : i32
          %parallel_loop3A_318 = arith.index_cast %parallel_loop3A_317 : i32 to index
          %parallel_loop3A_319 = arith.index_cast %parallel_loop3A_232 : i32 to index
          %parallel_loop3A_320 = arith.constant 64 : index
          %parallel_loop3A_321 = tpu.vector_load %arg10[%parallel_loop3A_318, %parallel_loop3A_319, %parallel_loop3A_320] {strides = array<i32>} : memref<2x64x256xf32, #tpu.memory_space<vmem>>, vector<16xf32>,
          %parallel_loop3A_322 = arith.mulf %parallel_loop3A_316, %parallel_loop3A_321 : vector<16xf32>
          %parallel_loop3A_323 = arith.addf %parallel_loop3A_302, %parallel_loop3A_322 : vector<16xf32>
          %parallel_loop3A_324 = arith.constant 0 : i32
          %parallel_loop3A_325 = arith.index_cast %parallel_loop3A_324 : i32 to index
          %parallel_loop3A_326 = arith.index_cast %parallel_loop3A_232 : i32 to index
          %parallel_loop3A_327 = arith.constant 80 : index
          %parallel_loop3A_328 = tpu.vector_load %arg9[%parallel_loop3A_325, %parallel_loop3A_326, %parallel_loop3A_327] {strides = array<i32>} : memref<2x64x256xf32, #tpu.memory_space<vmem>>, vector<16xf32>,
          %parallel_loop3A_329 = arith.mulf %parallel_loop3A_328, %parallel_loop3A_310 : vector<16xf32>
          %parallel_loop3A_330 = arith.constant 0 : i32
          %parallel_loop3A_331 = arith.index_cast %parallel_loop3A_330 : i32 to index
          %parallel_loop3A_332 = arith.index_cast %parallel_loop3A_232 : i32 to index
          %parallel_loop3A_333 = arith.constant 80 : index
          %parallel_loop3A_334 = tpu.vector_load %arg10[%parallel_loop3A_331, %parallel_loop3A_332, %parallel_loop3A_333] {strides = array<i32>} : memref<2x64x256xf32, #tpu.memory_space<vmem>>, vector<16xf32>,
          %parallel_loop3A_335 = arith.mulf %parallel_loop3A_329, %parallel_loop3A_334 : vector<16xf32>
          %parallel_loop3A_336 = arith.addf %parallel_loop3A_323, %parallel_loop3A_335 : vector<16xf32>
          %parallel_loop3A_337 = arith.constant 0 : i32
          %parallel_loop3A_338 = arith.index_cast %parallel_loop3A_337 : i32 to index
          %parallel_loop3A_339 = arith.index_cast %parallel_loop3A_232 : i32 to index
          %parallel_loop3A_340 = arith.constant 48 : index
          %parallel_loop3A_341 = tpu.vector_load %arg8[%parallel_loop3A_338, %parallel_loop3A_339, %parallel_loop3A_340] {strides = array<i32>} : memref<2x64x128xi32, #tpu.memory_space<vmem>>, vector<16xi32>,
          %parallel_loop3A_342 = vector.bitcast %parallel_loop3A_341 : vector<16xi32> to vector<32xbf16>
          %parallel_loop3A_343 = tpu.unpack_subelements %parallel_loop3A_342, 0 {pack_format = #tpu.pack_format<interleaved>} : vector<32xbf16> -> vector<16xf32>
          %parallel_loop3A_344 = tpu.unpack_subelements %parallel_loop3A_342, 1 {pack_format = #tpu.pack_format<interleaved>} : vector<32xbf16> -> vector<16xf32>
          %parallel_loop3A_345 = arith.constant 0 : i32
          %parallel_loop3A_346 = arith.index_cast %parallel_loop3A_345 : i32 to index
          %parallel_loop3A_347 = arith.index_cast %parallel_loop3A_232 : i32 to index
          %parallel_loop3A_348 = arith.constant 96 : index
          %parallel_loop3A_349 = tpu.vector_load %arg9[%parallel_loop3A_346, %parallel_loop3A_347, %parallel_loop3A_348] {strides = array<i32>} : memref<2x64x256xf32, #tpu.memory_space<vmem>>, vector<16xf32>,
          %parallel_loop3A_350 = arith.mulf %parallel_loop3A_349, %parallel_loop3A_343 : vector<16xf32>
          %parallel_loop3A_351 = arith.constant 0 : i32
          %parallel_loop3A_352 = arith.index_cast %parallel_loop3A_351 : i32 to index
          %parallel_loop3A_353 = arith.index_cast %parallel_loop3A_232 : i32 to index
          %parallel_loop3A_354 = arith.constant 96 : index
          %parallel_loop3A_355 = tpu.vector_load %arg10[%parallel_loop3A_352, %parallel_loop3A_353, %parallel_loop3A_354] {strides = array<i32>} : memref<2x64x256xf32, #tpu.memory_space<vmem>>, vector<16xf32>,
          %parallel_loop3A_356 = arith.mulf %parallel_loop3A_350, %parallel_loop3A_355 : vector<16xf32>
          %parallel_loop3A_357 = arith.addf %parallel_loop3A_336, %parallel_loop3A_356 : vector<16xf32>
          %parallel_loop3A_358 = arith.constant 0 : i32
          %parallel_loop3A_359 = arith.index_cast %parallel_loop3A_358 : i32 to index
          %parallel_loop3A_360 = arith.index_cast %parallel_loop3A_232 : i32 to index
          %parallel_loop3A_361 = arith.constant 112 : index
          %parallel_loop3A_362 = tpu.vector_load %arg9[%parallel_loop3A_359, %parallel_loop3A_360, %parallel_loop3A_361] {strides = array<i32>} : memref<2x64x256xf32, #tpu.memory_space<vmem>>, vector<16xf32>,
          %parallel_loop3A_363 = arith.mulf %parallel_loop3A_362, %parallel_loop3A_344 : vector<16xf32>
          %parallel_loop3A_364 = arith.constant 0 : i32
          %parallel_loop3A_365 = arith.index_cast %parallel_loop3A_364 : i32 to index
          %parallel_loop3A_366 = arith.index_cast %parallel_loop3A_232 : i32 to index
          %parallel_loop3A_367 = arith.constant 112 : index
          %parallel_loop3A_368 = tpu.vector_load %arg10[%parallel_loop3A_365, %parallel_loop3A_366, %parallel_loop3A_367] {strides = array<i32>} : memref<2x64x256xf32, #tpu.memory_space<vmem>>, vector<16xf32>,
          %parallel_loop3A_369 = arith.mulf %parallel_loop3A_363, %parallel_loop3A_368 : vector<16xf32>
          %parallel_loop3A_370 = arith.addf %parallel_loop3A_357, %parallel_loop3A_369 : vector<16xf32>
          %parallel_loop3A_371 = arith.constant 0 : i32
          %parallel_loop3A_372 = arith.index_cast %parallel_loop3A_371 : i32 to index
          %parallel_loop3A_373 = arith.index_cast %parallel_loop3A_232 : i32 to index
          %parallel_loop3A_374 = arith.constant 64 : index
          %parallel_loop3A_375 = tpu.vector_load %arg8[%parallel_loop3A_372, %parallel_loop3A_373, %parallel_loop3A_374] {strides = array<i32>} : memref<2x64x128xi32, #tpu.memory_space<vmem>>, vector<16xi32>,
          %parallel_loop3A_376 = vector.bitcast %parallel_loop3A_375 : vector<16xi32> to vector<32xbf16>
          %parallel_loop3A_377 = tpu.unpack_subelements %parallel_loop3A_376, 0 {pack_format = #tpu.pack_format<interleaved>} : vector<32xbf16> -> vector<16xf32>
          %parallel_loop3A_378 = tpu.unpack_subelements %parallel_loop3A_376, 1 {pack_format = #tpu.pack_format<interleaved>} : vector<32xbf16> -> vector<16xf32>
          %parallel_loop3A_379 = arith.constant 0 : i32
          %parallel_loop3A_380 = arith.index_cast %parallel_loop3A_379 : i32 to index
          %parallel_loop3A_381 = arith.index_cast %parallel_loop3A_232 : i32 to index
          %parallel_loop3A_382 = arith.constant 128 : index
          %parallel_loop3A_383 = tpu.vector_load %arg9[%parallel_loop3A_380, %parallel_loop3A_381, %parallel_loop3A_382] {strides = array<i32>} : memref<2x64x256xf32, #tpu.memory_space<vmem>>, vector<16xf32>,
          %parallel_loop3A_384 = arith.mulf %parallel_loop3A_383, %parallel_loop3A_377 : vector<16xf32>
          %parallel_loop3A_385 = arith.constant 0 : i32
          %parallel_loop3A_386 = arith.index_cast %parallel_loop3A_385 : i32 to index
          %parallel_loop3A_387 = arith.index_cast %parallel_loop3A_232 : i32 to index
          %parallel_loop3A_388 = arith.constant 128 : index
          %parallel_loop3A_389 = tpu.vector_load %arg10[%parallel_loop3A_386, %parallel_loop3A_387, %parallel_loop3A_388] {strides = array<i32>} : memref<2x64x256xf32, #tpu.memory_space<vmem>>, vector<16xf32>,
          %parallel_loop3A_390 = arith.mulf %parallel_loop3A_384, %parallel_loop3A_389 : vector<16xf32>
          %parallel_loop3A_391 = arith.addf %parallel_loop3A_370, %parallel_loop3A_390 : vector<16xf32>
          %parallel_loop3A_392 = arith.constant 0 : i32
          %parallel_loop3A_393 = arith.index_cast %parallel_loop3A_392 : i32 to index
          %parallel_loop3A_394 = arith.index_cast %parallel_loop3A_232 : i32 to index
          %parallel_loop3A_395 = arith.constant 144 : index
          %parallel_loop3A_396 = tpu.vector_load %arg9[%parallel_loop3A_393, %parallel_loop3A_394, %parallel_loop3A_395] {strides = array<i32>} : memref<2x64x256xf32, #tpu.memory_space<vmem>>, vector<16xf32>,
          %parallel_loop3A_397 = arith.mulf %parallel_loop3A_396, %parallel_loop3A_378 : vector<16xf32>
          %parallel_loop3A_398 = arith.constant 0 : i32
          %parallel_loop3A_399 = arith.index_cast %parallel_loop3A_398 : i32 to index
          %parallel_loop3A_400 = arith.index_cast %parallel_loop3A_232 : i32 to index
          %parallel_loop3A_401 = arith.constant 144 : index
          %parallel_loop3A_402 = tpu.vector_load %arg10[%parallel_loop3A_399, %parallel_loop3A_400, %parallel_loop3A_401] {strides = array<i32>} : memref<2x64x256xf32, #tpu.memory_space<vmem>>, vector<16xf32>,
          %parallel_loop3A_403 = arith.mulf %parallel_loop3A_397, %parallel_loop3A_402 : vector<16xf32>
          %parallel_loop3A_404 = arith.addf %parallel_loop3A_391, %parallel_loop3A_403 : vector<16xf32>
          %parallel_loop3A_405 = arith.constant 0 : i32
          %parallel_loop3A_406 = arith.index_cast %parallel_loop3A_405 : i32 to index
          %parallel_loop3A_407 = arith.index_cast %parallel_loop3A_232 : i32 to index
          %parallel_loop3A_408 = arith.constant 80 : index
          %parallel_loop3A_409 = tpu.vector_load %arg8[%parallel_loop3A_406, %parallel_loop3A_407, %parallel_loop3A_408] {strides = array<i32>} : memref<2x64x128xi32, #tpu.memory_space<vmem>>, vector<16xi32>,
          %parallel_loop3A_410 = vector.bitcast %parallel_loop3A_409 : vector<16xi32> to vector<32xbf16>
          %parallel_loop3A_411 = tpu.unpack_subelements %parallel_loop3A_410, 0 {pack_format = #tpu.pack_format<interleaved>} : vector<32xbf16> -> vector<16xf32>
          %parallel_loop3A_412 = tpu.unpack_subelements %parallel_loop3A_410, 1 {pack_format = #tpu.pack_format<interleaved>} : vector<32xbf16> -> vector<16xf32>
          %parallel_loop3A_413 = arith.constant 0 : i32
          %parallel_loop3A_414 = arith.index_cast %parallel_loop3A_413 : i32 to index
          %parallel_loop3A_415 = arith.index_cast %parallel_loop3A_232 : i32 to index
          %parallel_loop3A_416 = arith.constant 160 : index
          %parallel_loop3A_417 = tpu.vector_load %arg9[%parallel_loop3A_414, %parallel_loop3A_415, %parallel_loop3A_416] {strides = array<i32>} : memref<2x64x256xf32, #tpu.memory_space<vmem>>, vector<16xf32>,
          %parallel_loop3A_418 = arith.mulf %parallel_loop3A_417, %parallel_loop3A_411 : vector<16xf32>
          %parallel_loop3A_419 = arith.constant 0 : i32
          %parallel_loop3A_420 = arith.index_cast %parallel_loop3A_419 : i32 to index
          %parallel_loop3A_421 = arith.index_cast %parallel_loop3A_232 : i32 to index
          %parallel_loop3A_422 = arith.constant 160 : index
          %parallel_loop3A_423 = tpu.vector_load %arg10[%parallel_loop3A_420, %parallel_loop3A_421, %parallel_loop3A_422] {strides = array<i32>} : memref<2x64x256xf32, #tpu.memory_space<vmem>>, vector<16xf32>,
          %parallel_loop3A_424 = arith.mulf %parallel_loop3A_418, %parallel_loop3A_423 : vector<16xf32>
          %parallel_loop3A_425 = arith.addf %parallel_loop3A_404, %parallel_loop3A_424 : vector<16xf32>
          %parallel_loop3A_426 = arith.constant 0 : i32
          %parallel_loop3A_427 = arith.index_cast %parallel_loop3A_426 : i32 to index
          %parallel_loop3A_428 = arith.index_cast %parallel_loop3A_232 : i32 to index
          %parallel_loop3A_429 = arith.constant 176 : index
          %parallel_loop3A_430 = tpu.vector_load %arg9[%parallel_loop3A_427, %parallel_loop3A_428, %parallel_loop3A_429] {strides = array<i32>} : memref<2x64x256xf32, #tpu.memory_space<vmem>>, vector<16xf32>,
          %parallel_loop3A_431 = arith.mulf %parallel_loop3A_430, %parallel_loop3A_412 : vector<16xf32>
          %parallel_loop3A_432 = arith.constant 0 : i32
          %parallel_loop3A_433 = arith.index_cast %parallel_loop3A_432 : i32 to index
          %parallel_loop3A_434 = arith.index_cast %parallel_loop3A_232 : i32 to index
          %parallel_loop3A_435 = arith.constant 176 : index
          %parallel_loop3A_436 = tpu.vector_load %arg10[%parallel_loop3A_433, %parallel_loop3A_434, %parallel_loop3A_435] {strides = array<i32>} : memref<2x64x256xf32, #tpu.memory_space<vmem>>, vector<16xf32>,
          %parallel_loop3A_437 = arith.mulf %parallel_loop3A_431, %parallel_loop3A_436 : vector<16xf32>
          %parallel_loop3A_438 = arith.addf %parallel_loop3A_425, %parallel_loop3A_437 : vector<16xf32>
          %parallel_loop3A_439 = arith.constant 0 : i32
          %parallel_loop3A_440 = arith.index_cast %parallel_loop3A_439 : i32 to index
          %parallel_loop3A_441 = arith.index_cast %parallel_loop3A_232 : i32 to index
          %parallel_loop3A_442 = arith.constant 96 : index
          %parallel_loop3A_443 = tpu.vector_load %arg8[%parallel_loop3A_440, %parallel_loop3A_441, %parallel_loop3A_442] {strides = array<i32>} : memref<2x64x128xi32, #tpu.memory_space<vmem>>, vector<16xi32>,
          %parallel_loop3A_444 = vector.bitcast %parallel_loop3A_443 : vector<16xi32> to vector<32xbf16>
          %parallel_loop3A_445 = tpu.unpack_subelements %parallel_loop3A_444, 0 {pack_format = #tpu.pack_format<interleaved>} : vector<32xbf16> -> vector<16xf32>
          %parallel_loop3A_446 = tpu.unpack_subelements %parallel_loop3A_444, 1 {pack_format = #tpu.pack_format<interleaved>} : vector<32xbf16> -> vector<16xf32>
          %parallel_loop3A_447 = arith.constant 0 : i32
          %parallel_loop3A_448 = arith.index_cast %parallel_loop3A_447 : i32 to index
          %parallel_loop3A_449 = arith.index_cast %parallel_loop3A_232 : i32 to index
          %parallel_loop3A_450 = arith.constant 192 : index
          %parallel_loop3A_451 = tpu.vector_load %arg9[%parallel_loop3A_448, %parallel_loop3A_449, %parallel_loop3A_450] {strides = array<i32>} : memref<2x64x256xf32, #tpu.memory_space<vmem>>, vector<16xf32>,
          %parallel_loop3A_452 = arith.mulf %parallel_loop3A_451, %parallel_loop3A_445 : vector<16xf32>
          %parallel_loop3A_453 = arith.constant 0 : i32
          %parallel_loop3A_454 = arith.index_cast %parallel_loop3A_453 : i32 to index
          %parallel_loop3A_455 = arith.index_cast %parallel_loop3A_232 : i32 to index
          %parallel_loop3A_456 = arith.constant 192 : index
          %parallel_loop3A_457 = tpu.vector_load %arg10[%parallel_loop3A_454, %parallel_loop3A_455, %parallel_loop3A_456] {strides = array<i32>} : memref<2x64x256xf32, #tpu.memory_space<vmem>>, vector<16xf32>,
          %parallel_loop3A_458 = arith.mulf %parallel_loop3A_452, %parallel_loop3A_457 : vector<16xf32>
          %parallel_loop3A_459 = arith.addf %parallel_loop3A_438, %parallel_loop3A_458 : vector<16xf32>
          %parallel_loop3A_460 = arith.constant 0 : i32
          %parallel_loop3A_461 = arith.index_cast %parallel_loop3A_460 : i32 to index
          %parallel_loop3A_462 = arith.index_cast %parallel_loop3A_232 : i32 to index
          %parallel_loop3A_463 = arith.constant 208 : index
          %parallel_loop3A_464 = tpu.vector_load %arg9[%parallel_loop3A_461, %parallel_loop3A_462, %parallel_loop3A_463] {strides = array<i32>} : memref<2x64x256xf32, #tpu.memory_space<vmem>>, vector<16xf32>,
          %parallel_loop3A_465 = arith.mulf %parallel_loop3A_464, %parallel_loop3A_446 : vector<16xf32>
          %parallel_loop3A_466 = arith.constant 0 : i32
          %parallel_loop3A_467 = arith.index_cast %parallel_loop3A_466 : i32 to index
          %parallel_loop3A_468 = arith.index_cast %parallel_loop3A_232 : i32 to index
          %parallel_loop3A_469 = arith.constant 208 : index
          %parallel_loop3A_470 = tpu.vector_load %arg10[%parallel_loop3A_467, %parallel_loop3A_468, %parallel_loop3A_469] {strides = array<i32>} : memref<2x64x256xf32, #tpu.memory_space<vmem>>, vector<16xf32>,
          %parallel_loop3A_471 = arith.mulf %parallel_loop3A_465, %parallel_loop3A_470 : vector<16xf32>
          %parallel_loop3A_472 = arith.addf %parallel_loop3A_459, %parallel_loop3A_471 : vector<16xf32>
          %parallel_loop3A_473 = arith.constant 0 : i32
          %parallel_loop3A_474 = arith.index_cast %parallel_loop3A_473 : i32 to index
          %parallel_loop3A_475 = arith.index_cast %parallel_loop3A_232 : i32 to index
          %parallel_loop3A_476 = arith.constant 112 : index
          %parallel_loop3A_477 = tpu.vector_load %arg8[%parallel_loop3A_474, %parallel_loop3A_475, %parallel_loop3A_476] {strides = array<i32>} : memref<2x64x128xi32, #tpu.memory_space<vmem>>, vector<16xi32>,
          %parallel_loop3A_478 = vector.bitcast %parallel_loop3A_477 : vector<16xi32> to vector<32xbf16>
          %parallel_loop3A_479 = tpu.unpack_subelements %parallel_loop3A_478, 0 {pack_format = #tpu.pack_format<interleaved>} : vector<32xbf16> -> vector<16xf32>
          %parallel_loop3A_480 = tpu.unpack_subelements %parallel_loop3A_478, 1 {pack_format = #tpu.pack_format<interleaved>} : vector<32xbf16> -> vector<16xf32>
          %parallel_loop3A_481 = arith.constant 0 : i32
          %parallel_loop3A_482 = arith.index_cast %parallel_loop3A_481 : i32 to index
          %parallel_loop3A_483 = arith.index_cast %parallel_loop3A_232 : i32 to index
          %parallel_loop3A_484 = arith.constant 224 : index
          %parallel_loop3A_485 = tpu.vector_load %arg9[%parallel_loop3A_482, %parallel_loop3A_483, %parallel_loop3A_484] {strides = array<i32>} : memref<2x64x256xf32, #tpu.memory_space<vmem>>, vector<16xf32>,
          %parallel_loop3A_486 = arith.mulf %parallel_loop3A_485, %parallel_loop3A_479 : vector<16xf32>
          %parallel_loop3A_487 = arith.constant 0 : i32
          %parallel_loop3A_488 = arith.index_cast %parallel_loop3A_487 : i32 to index
          %parallel_loop3A_489 = arith.index_cast %parallel_loop3A_232 : i32 to index
          %parallel_loop3A_490 = arith.constant 224 : index
          %parallel_loop3A_491 = tpu.vector_load %arg10[%parallel_loop3A_488, %parallel_loop3A_489, %parallel_loop3A_490] {strides = array<i32>} : memref<2x64x256xf32, #tpu.memory_space<vmem>>, vector<16xf32>,
          %parallel_loop3A_492 = arith.mulf %parallel_loop3A_486, %parallel_loop3A_491 : vector<16xf32>
          %parallel_loop3A_493 = arith.addf %parallel_loop3A_472, %parallel_loop3A_492 : vector<16xf32>
          %parallel_loop3A_494 = arith.constant 0 : i32
          %parallel_loop3A_495 = arith.index_cast %parallel_loop3A_494 : i32 to index
          %parallel_loop3A_496 = arith.index_cast %parallel_loop3A_232 : i32 to index
          %parallel_loop3A_497 = arith.constant 240 : index
          %parallel_loop3A_498 = tpu.vector_load %arg9[%parallel_loop3A_495, %parallel_loop3A_496, %parallel_loop3A_497] {strides = array<i32>} : memref<2x64x256xf32, #tpu.memory_space<vmem>>, vector<16xf32>,
          %parallel_loop3A_499 = arith.mulf %parallel_loop3A_498, %parallel_loop3A_480 : vector<16xf32>
          %parallel_loop3A_500 = arith.constant 0 : i32
          %parallel_loop3A_501 = arith.index_cast %parallel_loop3A_500 : i32 to index
          %parallel_loop3A_502 = arith.index_cast %parallel_loop3A_232 : i32 to index
          %parallel_loop3A_503 = arith.constant 240 : index
          %parallel_loop3A_504 = tpu.vector_load %arg10[%parallel_loop3A_501, %parallel_loop3A_502, %parallel_loop3A_503] {strides = array<i32>} : memref<2x64x256xf32, #tpu.memory_space<vmem>>, vector<16xf32>,
          %parallel_loop3A_505 = arith.mulf %parallel_loop3A_499, %parallel_loop3A_504 : vector<16xf32>
          %parallel_loop3A_506 = arith.addf %parallel_loop3A_493, %parallel_loop3A_505 : vector<16xf32>
          %parallel_loop3A_507 = arith.constant true
          %parallel_loop3A_508 = vector.broadcast %parallel_loop3A_507 : i1 to vector<16xi1>
          %parallel_loop3A_509 = tpu.scan <sum>, %parallel_loop3A_506 masked %parallel_loop3A_508 : vector<16xf32>, vector<16xi1> -> vector<16xf32>
          %parallel_loop3A_510 = vector.extract %parallel_loop3A_509[15] : f32 from vector<16xf32>
          %parallel_loop3A_511 = vector.broadcast %parallel_loop3A_510 : f32 to vector<16xf32>
          %parallel_loop3A_512 = vector.broadcast %parallel_loop3A_232 : i32 to vector<16xi32>
          %parallel_loop3A_513 = arith.constant 0 : i32
          %parallel_loop3A_514 = vector.broadcast %parallel_loop3A_513 : i32 to vector<16xi32>
          %parallel_loop3A_515 = arith.cmpi eq, %iota3A, %parallel_loop3A_514 : vector<16xi32>
          %parallel_loop3A_516 = arith.constant 0 : i32
          %parallel_loop3A_517 = arith.constant 0 : i32
          %parallel_loop3A_518 = tpu.memref_slice %arg11[%parallel_loop3A_516, %parallel_loop3A_517] : memref<2x64xf32, #tpu.memory_space<vmem>> -> memref<1x64xf32, #tpu.memory_space<vmem>>
          %parallel_loop3A_519 = tpu.memref_squeeze %parallel_loop3A_518 : memref<1x64xf32, #tpu.memory_space<vmem>> -> memref<64xf32, #tpu.memory_space<vmem>>
          tpu.vector_store_idx %parallel_loop3A_519[%parallel_loop3A_512], %parallel_loop3A_511 masked %parallel_loop3A_515 : memref<64xf32, #tpu.memory_space<vmem>>[vector<16xi32>], vector<16xf32>, vector<16xi1>
        } {sc.loop_unroll_factor = 2 : i64, sc.parallel_access}
        %mul3A_218 = arith.constant 32 : i32
        %mul3A_219 = arith.muli %add3A_149, %mul3A_218 : i32
        %add3A_220 = arith.addi %add3A, %mul3A_219 : i32
        %mul3A_221 = arith.constant 64 : i32
        %mul3A_222 = arith.muli %add3A_220, %mul3A_221 : i32
        %dma_start3A_223 = arith.constant 0 : i32
        %dma_start3A_224 = arith.constant 0 : i32
        %dma_start3A_225 = tpu.memref_slice %arg11[%dma_start3A_223, %dma_start3A_224] : memref<2x64xf32, #tpu.memory_space<vmem>> -> memref<1x64xf32, #tpu.memory_space<vmem>>
        %dma_start3A_226 = tpu.memref_squeeze %dma_start3A_225 : memref<1x64xf32, #tpu.memory_space<vmem>> -> memref<64xf32, #tpu.memory_space<vmem>>
        %dma_start3A_227 = tpu.memref_slice %arg6[%mul3A_222] : memref<83200xf32, #tpu.memory_space<hbm>> -> memref<64xf32, #tpu.memory_space<hbm>>
        %dma_start3A_228 = tpu.memref_slice %arg6[%mul3A_222] : memref<83200xf32, #tpu.memory_space<hbm>> -> memref<64xf32, #tpu.memory_space<hbm>>
        %dma_start3A_229 = arith.constant 0 : i32
        %dma_start3A_230 = tpu.memref_slice %arg11[%dma_start3A_223, %dma_start3A_229] : memref<2x64xf32, #tpu.memory_space<vmem>> -> memref<1x64xf32, #tpu.memory_space<vmem>>
        %dma_start3A_231 = tpu.memref_squeeze %dma_start3A_230 : memref<1x64xf32, #tpu.memory_space<vmem>> -> memref<64xf32, #tpu.memory_space<vmem>>
        tpu.enqueue_dma source(%dma_start3A_231 : memref<64xf32, #tpu.memory_space<vmem>>) target(%dma_start3A_228 : memref<64xf32, #tpu.memory_space<hbm>>) target_semaphore(%arg14 : memref<!tpu.dma_semaphore, #tpu.memory_space<semaphore_mem>>)
      } else {
      }
      %mul3A_154 = arith.constant 2 : i32
      %mul3A_155 = arith.muli %while3A_145, %mul3A_154 : i32
      %add3A_156 = arith.constant 1 : i32
      %add3A_157 = arith.addi %mul3A_155, %add3A_156 : i32
      %lt3A_158 = arith.cmpi slt, %add3A_157, %select_n3A : i32
      %convert_element_type3A_159 = arith.extui %lt3A_158 : i1 to i32
      %cond3A_160 = arith.constant 0 : i32
      %cond3A_161 = arith.cmpi ne, %convert_element_type3A_159, %cond3A_160 : i32
      scf.if %cond3A_161 {
        %add3A_162 = arith.constant 1 : i32
        %add3A_163 = arith.addi %add3A_157, %add3A_162 : i32
        %lt3A_164 = arith.cmpi slt, %add3A_163, %select_n3A : i32
        %convert_element_type3A_165 = arith.extui %lt3A_164 : i1 to i32
        %cond3A_166 = arith.constant 0 : i32
        %cond3A_167 = arith.cmpi ne, %convert_element_type3A_165, %cond3A_166 : i32
        scf.if %cond3A_167 {
          %add3A_232 = arith.constant 1 : i32
          %add3A_233 = arith.addi %add3A_157, %add3A_232 : i32
          %add3A_234 = arith.constant 1200 : i32
          %add3A_235 = arith.addi %add3A_234, %add3A : i32
          %mul3A_236 = arith.constant 32 : i32
          %mul3A_237 = arith.muli %add3A_233, %mul3A_236 : i32
          %add3A_238 = arith.addi %add3A_235, %mul3A_237 : i32
          %mul3A_239 = arith.constant 64 : i32
          %mul3A_240 = arith.muli %add3A_238, %mul3A_239 : i32
          %run_scoped3A_241 = arith.constant 0 : i32
          "tpu.region"() ({
            %run_scoped3A_287 = tpu.sem_alloc : memref<!tpu.dma_semaphore, #tpu.memory_space<semaphore_mem>>
            %dma_start3A_288 = arith.constant 0 : i32
            %dma_start3A_289 = tpu.memref_slice %arg7[%run_scoped3A_241, %dma_start3A_288] : memref<2x64xi32, #tpu.memory_space<vmem>> -> memref<1x64xi32, #tpu.memory_space<vmem>>
            %dma_start3A_290 = tpu.memref_squeeze %dma_start3A_289 : memref<1x64xi32, #tpu.memory_space<vmem>> -> memref<64xi32, #tpu.memory_space<vmem>>
            %dma_start3A_291 = tpu.memref_slice %arg4[%mul3A_240] : memref<160000xi32, #tpu.memory_space<hbm>> -> memref<64xi32, #tpu.memory_space<hbm>>
            %dma_start3A_292 = arith.constant 0 : i32
            %dma_start3A_293 = tpu.memref_slice %arg7[%run_scoped3A_241, %dma_start3A_292] : memref<2x64xi32, #tpu.memory_space<vmem>> -> memref<1x64xi32, #tpu.memory_space<vmem>>
            %dma_start3A_294 = tpu.memref_squeeze %dma_start3A_293 : memref<1x64xi32, #tpu.memory_space<vmem>> -> memref<64xi32, #tpu.memory_space<vmem>>
            %dma_start3A_295 = tpu.memref_slice %arg4[%mul3A_240] : memref<160000xi32, #tpu.memory_space<hbm>> -> memref<64xi32, #tpu.memory_space<hbm>>
            tpu.enqueue_dma source(%dma_start3A_295 : memref<64xi32, #tpu.memory_space<hbm>>) target(%dma_start3A_294 : memref<64xi32, #tpu.memory_space<vmem>>) target_semaphore(%run_scoped3A_287 : memref<!tpu.dma_semaphore, #tpu.memory_space<semaphore_mem>>)
            %dma_wait3A_296 = arith.constant 0 : i32
            %dma_wait3A_297 = tpu.memref_slice %arg7[%run_scoped3A_241, %dma_wait3A_296] : memref<2x64xi32, #tpu.memory_space<vmem>> -> memref<1x64xi32, #tpu.memory_space<vmem>>
            %dma_wait3A_298 = tpu.memref_squeeze %dma_wait3A_297 : memref<1x64xi32, #tpu.memory_space<vmem>> -> memref<64xi32, #tpu.memory_space<vmem>>
            %dma_wait3A_299 = tpu.memref_slice %arg4[%mul3A_240] : memref<160000xi32, #tpu.memory_space<hbm>> -> memref<64xi32, #tpu.memory_space<hbm>>
            %dma_wait3A_300 = arith.constant 0 : i32
            %dma_wait3A_301 = tpu.memref_slice %arg7[%run_scoped3A_241, %dma_wait3A_300] : memref<2x64xi32, #tpu.memory_space<vmem>> -> memref<1x64xi32, #tpu.memory_space<vmem>>
            %dma_wait3A_302 = tpu.memref_squeeze %dma_wait3A_301 : memref<1x64xi32, #tpu.memory_space<vmem>> -> memref<64xi32, #tpu.memory_space<vmem>>
            %dma_wait3A_303 = tpu.memref_slice %arg4[%mul3A_240] : memref<160000xi32, #tpu.memory_space<hbm>> -> memref<64xi32, #tpu.memory_space<hbm>>
            tpu.wait_dma2 semaphore(%run_scoped3A_287 : memref<!tpu.dma_semaphore, #tpu.memory_space<semaphore_mem>>) src(%dma_wait3A_303 : memref<64xi32, #tpu.memory_space<hbm>>) dst(%dma_wait3A_302 : memref<64xi32, #tpu.memory_space<vmem>>)
            tpu.yield
          }) : () -> ()
          %add3A_242 = arith.constant 1200 : i32
          %add3A_243 = arith.addi %add3A_242, %add3A : i32
          %mul3A_244 = arith.constant 32 : i32
          %mul3A_245 = arith.muli %add3A_233, %mul3A_244 : i32
          %add3A_246 = arith.addi %add3A_243, %mul3A_245 : i32
          %mul3A_247 = arith.constant 64 : i32
          %mul3A_248 = arith.muli %add3A_246, %mul3A_247 : i32
          %dma_start3A_249 = arith.constant 0 : i32
          %dma_start3A_250 = arith.constant 0 : i32
          %dma_start3A_251 = arith.constant 0 : i32
          %dma_start3A_252 = arith.constant 0 : i32
          %dma_start3A_253 = tpu.memref_slice %arg8[%dma_start3A_250, %dma_start3A_251, %dma_start3A_252] : memref<2x64x128xi32, #tpu.memory_space<vmem>> -> memref<1x64x128xi32, #tpu.memory_space<vmem>>
          %dma_start3A_254 = tpu.memref_squeeze %dma_start3A_253 : memref<1x64x128xi32, #tpu.memory_space<vmem>> -> memref<64x128xi32, #tpu.memory_space<vmem>>
          %dma_start3A_255 = arith.constant 0 : i32
          %dma_start3A_256 = tpu.memref_slice %arg7[%dma_start3A_249, %dma_start3A_255] : memref<2x64xi32, #tpu.memory_space<vmem>> -> memref<1x64xi32, #tpu.memory_space<vmem>>
          %dma_start3A_257 = tpu.memref_squeeze %dma_start3A_256 : memref<1x64xi32, #tpu.memory_space<vmem>> -> memref<64xi32, #tpu.memory_space<vmem>>
          %dma_start3A_258 = arith.constant 0 : i32
          %dma_start3A_259 = arith.constant 0 : i32
          %dma_start3A_260 = tpu.memref_slice %arg5[%dma_start3A_258, %dma_start3A_259] : memref<500x128xi32, #tpu.memory_space<hbm>> -> memref<500x128xi32, #tpu.memory_space<hbm>>
          tpu.enqueue_indirect_dma source(%dma_start3A_260 : memref<500x128xi32, #tpu.memory_space<hbm>>) target(%dma_start3A_254 : memref<64x128xi32, #tpu.memory_space<vmem>>) offsets(%dma_start3A_257 : memref<64xi32, #tpu.memory_space<vmem>>) semaphore(%arg12 : memref<!tpu.dma_semaphore, #tpu.memory_space<semaphore_mem>>)
          %dma_start3A_261 = arith.constant 0 : i32
          %dma_start3A_262 = arith.constant 0 : i32
          %dma_start3A_263 = arith.constant 0 : i32
          %dma_start3A_264 = tpu.memref_slice %arg9[%dma_start3A_261, %dma_start3A_262, %dma_start3A_263] : memref<2x64x256xf32, #tpu.memory_space<vmem>> -> memref<1x64x256xf32, #tpu.memory_space<vmem>>
          %dma_start3A_265 = tpu.memref_squeeze %dma_start3A_264 : memref<1x64x256xf32, #tpu.memory_space<vmem>> -> memref<64x256xf32, #tpu.memory_space<vmem>>
          %dma_start3A_266 = arith.constant 0 : i32
          %dma_start3A_267 = tpu.memref_slice %arg2[%mul3A_248, %dma_start3A_266] : memref<160000x256xf32, #tpu.memory_space<hbm>> -> memref<64x256xf32, #tpu.memory_space<hbm>>
          %dma_start3A_268 = arith.constant 0 : i32
          %dma_start3A_269 = arith.constant 0 : i32
          %dma_start3A_270 = tpu.memref_slice %arg9[%dma_start3A_261, %dma_start3A_268, %dma_start3A_269] : memref<2x64x256xf32, #tpu.memory_space<vmem>> -> memref<1x64x256xf32, #tpu.memory_space<vmem>>
          %dma_start3A_271 = tpu.memref_squeeze %dma_start3A_270 : memref<1x64x256xf32, #tpu.memory_space<vmem>> -> memref<64x256xf32, #tpu.memory_space<vmem>>
          %dma_start3A_272 = arith.constant 0 : i32
          %dma_start3A_273 = tpu.memref_slice %arg2[%mul3A_248, %dma_start3A_272] : memref<160000x256xf32, #tpu.memory_space<hbm>> -> memref<64x256xf32, #tpu.memory_space<hbm>>
          tpu.enqueue_dma source(%dma_start3A_273 : memref<64x256xf32, #tpu.memory_space<hbm>>) target(%dma_start3A_271 : memref<64x256xf32, #tpu.memory_space<vmem>>) target_semaphore(%arg12 : memref<!tpu.dma_semaphore, #tpu.memory_space<semaphore_mem>>)
          %dma_start3A_274 = arith.constant 0 : i32
          %dma_start3A_275 = arith.constant 0 : i32
          %dma_start3A_276 = arith.constant 0 : i32
          %dma_start3A_277 = tpu.memref_slice %arg10[%dma_start3A_274, %dma_start3A_275, %dma_start3A_276] : memref<2x64x256xf32, #tpu.memory_space<vmem>> -> memref<1x64x256xf32, #tpu.memory_space<vmem>>
          %dma_start3A_278 = tpu.memref_squeeze %dma_start3A_277 : memref<1x64x256xf32, #tpu.memory_space<vmem>> -> memref<64x256xf32, #tpu.memory_space<vmem>>
          %dma_start3A_279 = arith.constant 0 : i32
          %dma_start3A_280 = tpu.memref_slice %arg3[%mul3A_248, %dma_start3A_279] : memref<160000x256xf32, #tpu.memory_space<hbm>> -> memref<64x256xf32, #tpu.memory_space<hbm>>
          %dma_start3A_281 = arith.constant 0 : i32
          %dma_start3A_282 = arith.constant 0 : i32
          %dma_start3A_283 = tpu.memref_slice %arg10[%dma_start3A_274, %dma_start3A_281, %dma_start3A_282] : memref<2x64x256xf32, #tpu.memory_space<vmem>> -> memref<1x64x256xf32, #tpu.memory_space<vmem>>
          %dma_start3A_284 = tpu.memref_squeeze %dma_start3A_283 : memref<1x64x256xf32, #tpu.memory_space<vmem>> -> memref<64x256xf32, #tpu.memory_space<vmem>>
          %dma_start3A_285 = arith.constant 0 : i32
          %dma_start3A_286 = tpu.memref_slice %arg3[%mul3A_248, %dma_start3A_285] : memref<160000x256xf32, #tpu.memory_space<hbm>> -> memref<64x256xf32, #tpu.memory_space<hbm>>
          tpu.enqueue_dma source(%dma_start3A_286 : memref<64x256xf32, #tpu.memory_space<hbm>>) target(%dma_start3A_284 : memref<64x256xf32, #tpu.memory_space<vmem>>) target_semaphore(%arg12 : memref<!tpu.dma_semaphore, #tpu.memory_space<semaphore_mem>>)
        } else {
        }
        %add3A_168 = arith.constant 1200 : i32
        %add3A_169 = arith.addi %add3A_168, %add3A : i32
        %mul3A_170 = arith.constant 32 : i32
        %mul3A_171 = arith.muli %add3A_157, %mul3A_170 : i32
        %add3A_172 = arith.addi %add3A_169, %mul3A_171 : i32
        %mul3A_173 = arith.constant 64 : i32
        %mul3A_174 = arith.muli %add3A_172, %mul3A_173 : i32
        %dma_wait3A = arith.constant 1 : i32
        %dma_wait3A_175 = arith.constant 1 : i32
        %dma_wait3A_176 = arith.constant 0 : i32
        %dma_wait3A_177 = arith.constant 0 : i32
        %dma_wait3A_178 = tpu.memref_slice %arg8[%dma_wait3A_175, %dma_wait3A_176, %dma_wait3A_177] : memref<2x64x128xi32, #tpu.memory_space<vmem>> -> memref<1x64x128xi32, #tpu.memory_space<vmem>>
        %dma_wait3A_179 = tpu.memref_squeeze %dma_wait3A_178 : memref<1x64x128xi32, #tpu.memory_space<vmem>> -> memref<64x128xi32, #tpu.memory_space<vmem>>
        %dma_wait3A_180 = arith.constant 0 : i32
        %dma_wait3A_181 = tpu.memref_slice %arg7[%dma_wait3A, %dma_wait3A_180] : memref<2x64xi32, #tpu.memory_space<vmem>> -> memref<1x64xi32, #tpu.memory_space<vmem>>
        %dma_wait3A_182 = tpu.memref_squeeze %dma_wait3A_181 : memref<1x64xi32, #tpu.memory_space<vmem>> -> memref<64xi32, #tpu.memory_space<vmem>>
        %dma_wait3A_183 = arith.constant 0 : i32
        %dma_wait3A_184 = arith.constant 0 : i32
        %dma_wait3A_185 = tpu.memref_slice %arg5[%dma_wait3A_183, %dma_wait3A_184] : memref<500x128xi32, #tpu.memory_space<hbm>> -> memref<500x128xi32, #tpu.memory_space<hbm>>
        tpu.wait_indirect_dma semaphore(%arg13 : memref<!tpu.dma_semaphore, #tpu.memory_space<semaphore_mem>>) src(%dma_wait3A_185 : memref<500x128xi32, #tpu.memory_space<hbm>>) dst(%dma_wait3A_179 : memref<64x128xi32, #tpu.memory_space<vmem>>)
        %dma_wait3A_186 = arith.constant 1 : i32
        %dma_wait3A_187 = arith.constant 0 : i32
        %dma_wait3A_188 = arith.constant 0 : i32
        %dma_wait3A_189 = tpu.memref_slice %arg9[%dma_wait3A_186, %dma_wait3A_187, %dma_wait3A_188] : memref<2x64x256xf32, #tpu.memory_space<vmem>> -> memref<1x64x256xf32, #tpu.memory_space<vmem>>
        %dma_wait3A_190 = tpu.memref_squeeze %dma_wait3A_189 : memref<1x64x256xf32, #tpu.memory_space<vmem>> -> memref<64x256xf32, #tpu.memory_space<vmem>>
        %dma_wait3A_191 = arith.constant 0 : i32
        %dma_wait3A_192 = tpu.memref_slice %arg2[%mul3A_174, %dma_wait3A_191] : memref<160000x256xf32, #tpu.memory_space<hbm>> -> memref<64x256xf32, #tpu.memory_space<hbm>>
        %dma_wait3A_193 = arith.constant 0 : i32
        %dma_wait3A_194 = arith.constant 0 : i32
        %dma_wait3A_195 = tpu.memref_slice %arg9[%dma_wait3A_186, %dma_wait3A_193, %dma_wait3A_194] : memref<2x64x256xf32, #tpu.memory_space<vmem>> -> memref<1x64x256xf32, #tpu.memory_space<vmem>>
        %dma_wait3A_196 = tpu.memref_squeeze %dma_wait3A_195 : memref<1x64x256xf32, #tpu.memory_space<vmem>> -> memref<64x256xf32, #tpu.memory_space<vmem>>
        %dma_wait3A_197 = arith.constant 0 : i32
        %dma_wait3A_198 = tpu.memref_slice %arg2[%mul3A_174, %dma_wait3A_197] : memref<160000x256xf32, #tpu.memory_space<hbm>> -> memref<64x256xf32, #tpu.memory_space<hbm>>
        tpu.wait_dma2 semaphore(%arg13 : memref<!tpu.dma_semaphore, #tpu.memory_space<semaphore_mem>>) src(%dma_wait3A_198 : memref<64x256xf32, #tpu.memory_space<hbm>>) dst(%dma_wait3A_196 : memref<64x256xf32, #tpu.memory_space<vmem>>)
        %dma_wait3A_199 = arith.constant 1 : i32
        %dma_wait3A_200 = arith.constant 0 : i32
        %dma_wait3A_201 = arith.constant 0 : i32
        %dma_wait3A_202 = tpu.memref_slice %arg10[%dma_wait3A_199, %dma_wait3A_200, %dma_wait3A_201] : memref<2x64x256xf32, #tpu.memory_space<vmem>> -> memref<1x64x256xf32, #tpu.memory_space<vmem>>
        %dma_wait3A_203 = tpu.memref_squeeze %dma_wait3A_202 : memref<1x64x256xf32, #tpu.memory_space<vmem>> -> memref<64x256xf32, #tpu.memory_space<vmem>>
        %dma_wait3A_204 = arith.constant 0 : i32
        %dma_wait3A_205 = tpu.memref_slice %arg3[%mul3A_174, %dma_wait3A_204] : memref<160000x256xf32, #tpu.memory_space<hbm>> -> memref<64x256xf32, #tpu.memory_space<hbm>>
        %dma_wait3A_206 = arith.constant 0 : i32
        %dma_wait3A_207 = arith.constant 0 : i32
        %dma_wait3A_208 = tpu.memref_slice %arg10[%dma_wait3A_199, %dma_wait3A_206, %dma_wait3A_207] : memref<2x64x256xf32, #tpu.memory_space<vmem>> -> memref<1x64x256xf32, #tpu.memory_space<vmem>>
        %dma_wait3A_209 = tpu.memref_squeeze %dma_wait3A_208 : memref<1x64x256xf32, #tpu.memory_space<vmem>> -> memref<64x256xf32, #tpu.memory_space<vmem>>
        %dma_wait3A_210 = arith.constant 0 : i32
        %dma_wait3A_211 = tpu.memref_slice %arg3[%mul3A_174, %dma_wait3A_210] : memref<160000x256xf32, #tpu.memory_space<hbm>> -> memref<64x256xf32, #tpu.memory_space<hbm>>
        tpu.wait_dma2 semaphore(%arg13 : memref<!tpu.dma_semaphore, #tpu.memory_space<semaphore_mem>>) src(%dma_wait3A_211 : memref<64x256xf32, #tpu.memory_space<hbm>>) dst(%dma_wait3A_209 : memref<64x256xf32, #tpu.memory_space<vmem>>)
        %ge3A = arith.constant 2 : i32
        %ge3A_212 = arith.cmpi sge, %add3A_157, %ge3A : i32
        %convert_element_type3A_213 = arith.extui %ge3A_212 : i1 to i32
        %cond3A_214 = arith.constant 0 : i32
        %cond3A_215 = arith.cmpi ne, %convert_element_type3A_213, %cond3A_214 : i32
        scf.if %cond3A_215 {
          %sub3A_232 = arith.constant 2 : i32
          %sub3A_233 = arith.subi %add3A_157, %sub3A_232 : i32
          %mul3A_234 = arith.constant 32 : i32
          %mul3A_235 = arith.muli %sub3A_233, %mul3A_234 : i32
          %add3A_236 = arith.addi %add3A, %mul3A_235 : i32
          %mul3A_237 = arith.constant 64 : i32
          %mul3A_238 = arith.muli %add3A_236, %mul3A_237 : i32
          %dma_wait3A_239 = arith.constant 1 : i32
          %dma_wait3A_240 = arith.constant 0 : i32
          %dma_wait3A_241 = tpu.memref_slice %arg11[%dma_wait3A_239, %dma_wait3A_240] : memref<2x64xf32, #tpu.memory_space<vmem>> -> memref<1x64xf32, #tpu.memory_space<vmem>>
          %dma_wait3A_242 = tpu.memref_squeeze %dma_wait3A_241 : memref<1x64xf32, #tpu.memory_space<vmem>> -> memref<64xf32, #tpu.memory_space<vmem>>
          %dma_wait3A_243 = tpu.memref_slice %arg6[%mul3A_238] : memref<83200xf32, #tpu.memory_space<hbm>> -> memref<64xf32, #tpu.memory_space<hbm>>
          %dma_wait3A_244 = tpu.memref_slice %arg6[%mul3A_238] : memref<83200xf32, #tpu.memory_space<hbm>> -> memref<64xf32, #tpu.memory_space<hbm>>
          %dma_wait3A_245 = arith.constant 0 : i32
          %dma_wait3A_246 = tpu.memref_slice %arg11[%dma_wait3A_239, %dma_wait3A_245] : memref<2x64xf32, #tpu.memory_space<vmem>> -> memref<1x64xf32, #tpu.memory_space<vmem>>
          %dma_wait3A_247 = tpu.memref_squeeze %dma_wait3A_246 : memref<1x64xf32, #tpu.memory_space<vmem>> -> memref<64xf32, #tpu.memory_space<vmem>>
          tpu.wait_dma2 semaphore(%arg15 : memref<!tpu.dma_semaphore, #tpu.memory_space<semaphore_mem>>) src(%dma_wait3A_247 : memref<64xf32, #tpu.memory_space<vmem>>) dst(%dma_wait3A_244 : memref<64xf32, #tpu.memory_space<hbm>>)
        } else {
        }
        %parallel_loop3A = arith.constant 0 : i32
        %parallel_loop3A_216 = arith.constant 64 : i32
        %parallel_loop3A_217 = arith.constant 1 : i32
        scf.for %parallel_loop3A_232 = %parallel_loop3A to %parallel_loop3A_216 step %parallel_loop3A_217  : i32 {
          %parallel_loop3A_233 = arith.constant 0.000000e+00 : f32
          %parallel_loop3A_234 = vector.broadcast %parallel_loop3A_233 : f32 to vector<16xf32>
          %parallel_loop3A_235 = arith.constant 1 : i32
          %parallel_loop3A_236 = arith.index_cast %parallel_loop3A_235 : i32 to index
          %parallel_loop3A_237 = arith.index_cast %parallel_loop3A_232 : i32 to index
          %parallel_loop3A_238 = arith.constant 0 : index
          %parallel_loop3A_239 = tpu.vector_load %arg8[%parallel_loop3A_236, %parallel_loop3A_237, %parallel_loop3A_238] {strides = array<i32>} : memref<2x64x128xi32, #tpu.memory_space<vmem>>, vector<16xi32>,
          %parallel_loop3A_240 = vector.bitcast %parallel_loop3A_239 : vector<16xi32> to vector<32xbf16>
          %parallel_loop3A_241 = tpu.unpack_subelements %parallel_loop3A_240, 0 {pack_format = #tpu.pack_format<interleaved>} : vector<32xbf16> -> vector<16xf32>
          %parallel_loop3A_242 = tpu.unpack_subelements %parallel_loop3A_240, 1 {pack_format = #tpu.pack_format<interleaved>} : vector<32xbf16> -> vector<16xf32>
          %parallel_loop3A_243 = arith.constant 1 : i32
          %parallel_loop3A_244 = arith.index_cast %parallel_loop3A_243 : i32 to index
          %parallel_loop3A_245 = arith.index_cast %parallel_loop3A_232 : i32 to index
          %parallel_loop3A_246 = arith.constant 0 : index
          %parallel_loop3A_247 = tpu.vector_load %arg9[%parallel_loop3A_244, %parallel_loop3A_245, %parallel_loop3A_246] {strides = array<i32>} : memref<2x64x256xf32, #tpu.memory_space<vmem>>, vector<16xf32>,
          %parallel_loop3A_248 = arith.mulf %parallel_loop3A_247, %parallel_loop3A_241 : vector<16xf32>
          %parallel_loop3A_249 = arith.constant 1 : i32
          %parallel_loop3A_250 = arith.index_cast %parallel_loop3A_249 : i32 to index
          %parallel_loop3A_251 = arith.index_cast %parallel_loop3A_232 : i32 to index
          %parallel_loop3A_252 = arith.constant 0 : index
          %parallel_loop3A_253 = tpu.vector_load %arg10[%parallel_loop3A_250, %parallel_loop3A_251, %parallel_loop3A_252] {strides = array<i32>} : memref<2x64x256xf32, #tpu.memory_space<vmem>>, vector<16xf32>,
          %parallel_loop3A_254 = arith.mulf %parallel_loop3A_248, %parallel_loop3A_253 : vector<16xf32>
          %parallel_loop3A_255 = arith.addf %parallel_loop3A_234, %parallel_loop3A_254 : vector<16xf32>
          %parallel_loop3A_256 = arith.constant 1 : i32
          %parallel_loop3A_257 = arith.index_cast %parallel_loop3A_256 : i32 to index
          %parallel_loop3A_258 = arith.index_cast %parallel_loop3A_232 : i32 to index
          %parallel_loop3A_259 = arith.constant 16 : index
          %parallel_loop3A_260 = tpu.vector_load %arg9[%parallel_loop3A_257, %parallel_loop3A_258, %parallel_loop3A_259] {strides = array<i32>} : memref<2x64x256xf32, #tpu.memory_space<vmem>>, vector<16xf32>,
          %parallel_loop3A_261 = arith.mulf %parallel_loop3A_260, %parallel_loop3A_242 : vector<16xf32>
          %parallel_loop3A_262 = arith.constant 1 : i32
          %parallel_loop3A_263 = arith.index_cast %parallel_loop3A_262 : i32 to index
          %parallel_loop3A_264 = arith.index_cast %parallel_loop3A_232 : i32 to index
          %parallel_loop3A_265 = arith.constant 16 : index
          %parallel_loop3A_266 = tpu.vector_load %arg10[%parallel_loop3A_263, %parallel_loop3A_264, %parallel_loop3A_265] {strides = array<i32>} : memref<2x64x256xf32, #tpu.memory_space<vmem>>, vector<16xf32>,
          %parallel_loop3A_267 = arith.mulf %parallel_loop3A_261, %parallel_loop3A_266 : vector<16xf32>
          %parallel_loop3A_268 = arith.addf %parallel_loop3A_255, %parallel_loop3A_267 : vector<16xf32>
          %parallel_loop3A_269 = arith.constant 1 : i32
          %parallel_loop3A_270 = arith.index_cast %parallel_loop3A_269 : i32 to index
          %parallel_loop3A_271 = arith.index_cast %parallel_loop3A_232 : i32 to index
          %parallel_loop3A_272 = arith.constant 16 : index
          %parallel_loop3A_273 = tpu.vector_load %arg8[%parallel_loop3A_270, %parallel_loop3A_271, %parallel_loop3A_272] {strides = array<i32>} : memref<2x64x128xi32, #tpu.memory_space<vmem>>, vector<16xi32>,
          %parallel_loop3A_274 = vector.bitcast %parallel_loop3A_273 : vector<16xi32> to vector<32xbf16>
          %parallel_loop3A_275 = tpu.unpack_subelements %parallel_loop3A_274, 0 {pack_format = #tpu.pack_format<interleaved>} : vector<32xbf16> -> vector<16xf32>
          %parallel_loop3A_276 = tpu.unpack_subelements %parallel_loop3A_274, 1 {pack_format = #tpu.pack_format<interleaved>} : vector<32xbf16> -> vector<16xf32>
          %parallel_loop3A_277 = arith.constant 1 : i32
          %parallel_loop3A_278 = arith.index_cast %parallel_loop3A_277 : i32 to index
          %parallel_loop3A_279 = arith.index_cast %parallel_loop3A_232 : i32 to index
          %parallel_loop3A_280 = arith.constant 32 : index
          %parallel_loop3A_281 = tpu.vector_load %arg9[%parallel_loop3A_278, %parallel_loop3A_279, %parallel_loop3A_280] {strides = array<i32>} : memref<2x64x256xf32, #tpu.memory_space<vmem>>, vector<16xf32>,
          %parallel_loop3A_282 = arith.mulf %parallel_loop3A_281, %parallel_loop3A_275 : vector<16xf32>
          %parallel_loop3A_283 = arith.constant 1 : i32
          %parallel_loop3A_284 = arith.index_cast %parallel_loop3A_283 : i32 to index
          %parallel_loop3A_285 = arith.index_cast %parallel_loop3A_232 : i32 to index
          %parallel_loop3A_286 = arith.constant 32 : index
          %parallel_loop3A_287 = tpu.vector_load %arg10[%parallel_loop3A_284, %parallel_loop3A_285, %parallel_loop3A_286] {strides = array<i32>} : memref<2x64x256xf32, #tpu.memory_space<vmem>>, vector<16xf32>,
          %parallel_loop3A_288 = arith.mulf %parallel_loop3A_282, %parallel_loop3A_287 : vector<16xf32>
          %parallel_loop3A_289 = arith.addf %parallel_loop3A_268, %parallel_loop3A_288 : vector<16xf32>
          %parallel_loop3A_290 = arith.constant 1 : i32
          %parallel_loop3A_291 = arith.index_cast %parallel_loop3A_290 : i32 to index
          %parallel_loop3A_292 = arith.index_cast %parallel_loop3A_232 : i32 to index
          %parallel_loop3A_293 = arith.constant 48 : index
          %parallel_loop3A_294 = tpu.vector_load %arg9[%parallel_loop3A_291, %parallel_loop3A_292, %parallel_loop3A_293] {strides = array<i32>} : memref<2x64x256xf32, #tpu.memory_space<vmem>>, vector<16xf32>,
          %parallel_loop3A_295 = arith.mulf %parallel_loop3A_294, %parallel_loop3A_276 : vector<16xf32>
          %parallel_loop3A_296 = arith.constant 1 : i32
          %parallel_loop3A_297 = arith.index_cast %parallel_loop3A_296 : i32 to index
          %parallel_loop3A_298 = arith.index_cast %parallel_loop3A_232 : i32 to index
          %parallel_loop3A_299 = arith.constant 48 : index
          %parallel_loop3A_300 = tpu.vector_load %arg10[%parallel_loop3A_297, %parallel_loop3A_298, %parallel_loop3A_299] {strides = array<i32>} : memref<2x64x256xf32, #tpu.memory_space<vmem>>, vector<16xf32>,
          %parallel_loop3A_301 = arith.mulf %parallel_loop3A_295, %parallel_loop3A_300 : vector<16xf32>
          %parallel_loop3A_302 = arith.addf %parallel_loop3A_289, %parallel_loop3A_301 : vector<16xf32>
          %parallel_loop3A_303 = arith.constant 1 : i32
          %parallel_loop3A_304 = arith.index_cast %parallel_loop3A_303 : i32 to index
          %parallel_loop3A_305 = arith.index_cast %parallel_loop3A_232 : i32 to index
          %parallel_loop3A_306 = arith.constant 32 : index
          %parallel_loop3A_307 = tpu.vector_load %arg8[%parallel_loop3A_304, %parallel_loop3A_305, %parallel_loop3A_306] {strides = array<i32>} : memref<2x64x128xi32, #tpu.memory_space<vmem>>, vector<16xi32>,
          %parallel_loop3A_308 = vector.bitcast %parallel_loop3A_307 : vector<16xi32> to vector<32xbf16>
          %parallel_loop3A_309 = tpu.unpack_subelements %parallel_loop3A_308, 0 {pack_format = #tpu.pack_format<interleaved>} : vector<32xbf16> -> vector<16xf32>
          %parallel_loop3A_310 = tpu.unpack_subelements %parallel_loop3A_308, 1 {pack_format = #tpu.pack_format<interleaved>} : vector<32xbf16> -> vector<16xf32>
          %parallel_loop3A_311 = arith.constant 1 : i32
          %parallel_loop3A_312 = arith.index_cast %parallel_loop3A_311 : i32 to index
          %parallel_loop3A_313 = arith.index_cast %parallel_loop3A_232 : i32 to index
          %parallel_loop3A_314 = arith.constant 64 : index
          %parallel_loop3A_315 = tpu.vector_load %arg9[%parallel_loop3A_312, %parallel_loop3A_313, %parallel_loop3A_314] {strides = array<i32>} : memref<2x64x256xf32, #tpu.memory_space<vmem>>, vector<16xf32>,
          %parallel_loop3A_316 = arith.mulf %parallel_loop3A_315, %parallel_loop3A_309 : vector<16xf32>
          %parallel_loop3A_317 = arith.constant 1 : i32
          %parallel_loop3A_318 = arith.index_cast %parallel_loop3A_317 : i32 to index
          %parallel_loop3A_319 = arith.index_cast %parallel_loop3A_232 : i32 to index
          %parallel_loop3A_320 = arith.constant 64 : index
          %parallel_loop3A_321 = tpu.vector_load %arg10[%parallel_loop3A_318, %parallel_loop3A_319, %parallel_loop3A_320] {strides = array<i32>} : memref<2x64x256xf32, #tpu.memory_space<vmem>>, vector<16xf32>,
          %parallel_loop3A_322 = arith.mulf %parallel_loop3A_316, %parallel_loop3A_321 : vector<16xf32>
          %parallel_loop3A_323 = arith.addf %parallel_loop3A_302, %parallel_loop3A_322 : vector<16xf32>
          %parallel_loop3A_324 = arith.constant 1 : i32
          %parallel_loop3A_325 = arith.index_cast %parallel_loop3A_324 : i32 to index
          %parallel_loop3A_326 = arith.index_cast %parallel_loop3A_232 : i32 to index
          %parallel_loop3A_327 = arith.constant 80 : index
          %parallel_loop3A_328 = tpu.vector_load %arg9[%parallel_loop3A_325, %parallel_loop3A_326, %parallel_loop3A_327] {strides = array<i32>} : memref<2x64x256xf32, #tpu.memory_space<vmem>>, vector<16xf32>,
          %parallel_loop3A_329 = arith.mulf %parallel_loop3A_328, %parallel_loop3A_310 : vector<16xf32>
          %parallel_loop3A_330 = arith.constant 1 : i32
          %parallel_loop3A_331 = arith.index_cast %parallel_loop3A_330 : i32 to index
          %parallel_loop3A_332 = arith.index_cast %parallel_loop3A_232 : i32 to index
          %parallel_loop3A_333 = arith.constant 80 : index
          %parallel_loop3A_334 = tpu.vector_load %arg10[%parallel_loop3A_331, %parallel_loop3A_332, %parallel_loop3A_333] {strides = array<i32>} : memref<2x64x256xf32, #tpu.memory_space<vmem>>, vector<16xf32>,
          %parallel_loop3A_335 = arith.mulf %parallel_loop3A_329, %parallel_loop3A_334 : vector<16xf32>
          %parallel_loop3A_336 = arith.addf %parallel_loop3A_323, %parallel_loop3A_335 : vector<16xf32>
          %parallel_loop3A_337 = arith.constant 1 : i32
          %parallel_loop3A_338 = arith.index_cast %parallel_loop3A_337 : i32 to index
          %parallel_loop3A_339 = arith.index_cast %parallel_loop3A_232 : i32 to index
          %parallel_loop3A_340 = arith.constant 48 : index
          %parallel_loop3A_341 = tpu.vector_load %arg8[%parallel_loop3A_338, %parallel_loop3A_339, %parallel_loop3A_340] {strides = array<i32>} : memref<2x64x128xi32, #tpu.memory_space<vmem>>, vector<16xi32>,
          %parallel_loop3A_342 = vector.bitcast %parallel_loop3A_341 : vector<16xi32> to vector<32xbf16>
          %parallel_loop3A_343 = tpu.unpack_subelements %parallel_loop3A_342, 0 {pack_format = #tpu.pack_format<interleaved>} : vector<32xbf16> -> vector<16xf32>
          %parallel_loop3A_344 = tpu.unpack_subelements %parallel_loop3A_342, 1 {pack_format = #tpu.pack_format<interleaved>} : vector<32xbf16> -> vector<16xf32>
          %parallel_loop3A_345 = arith.constant 1 : i32
          %parallel_loop3A_346 = arith.index_cast %parallel_loop3A_345 : i32 to index
          %parallel_loop3A_347 = arith.index_cast %parallel_loop3A_232 : i32 to index
          %parallel_loop3A_348 = arith.constant 96 : index
          %parallel_loop3A_349 = tpu.vector_load %arg9[%parallel_loop3A_346, %parallel_loop3A_347, %parallel_loop3A_348] {strides = array<i32>} : memref<2x64x256xf32, #tpu.memory_space<vmem>>, vector<16xf32>,
          %parallel_loop3A_350 = arith.mulf %parallel_loop3A_349, %parallel_loop3A_343 : vector<16xf32>
          %parallel_loop3A_351 = arith.constant 1 : i32
          %parallel_loop3A_352 = arith.index_cast %parallel_loop3A_351 : i32 to index
          %parallel_loop3A_353 = arith.index_cast %parallel_loop3A_232 : i32 to index
          %parallel_loop3A_354 = arith.constant 96 : index
          %parallel_loop3A_355 = tpu.vector_load %arg10[%parallel_loop3A_352, %parallel_loop3A_353, %parallel_loop3A_354] {strides = array<i32>} : memref<2x64x256xf32, #tpu.memory_space<vmem>>, vector<16xf32>,
          %parallel_loop3A_356 = arith.mulf %parallel_loop3A_350, %parallel_loop3A_355 : vector<16xf32>
          %parallel_loop3A_357 = arith.addf %parallel_loop3A_336, %parallel_loop3A_356 : vector<16xf32>
          %parallel_loop3A_358 = arith.constant 1 : i32
          %parallel_loop3A_359 = arith.index_cast %parallel_loop3A_358 : i32 to index
          %parallel_loop3A_360 = arith.index_cast %parallel_loop3A_232 : i32 to index
          %parallel_loop3A_361 = arith.constant 112 : index
          %parallel_loop3A_362 = tpu.vector_load %arg9[%parallel_loop3A_359, %parallel_loop3A_360, %parallel_loop3A_361] {strides = array<i32>} : memref<2x64x256xf32, #tpu.memory_space<vmem>>, vector<16xf32>,
          %parallel_loop3A_363 = arith.mulf %parallel_loop3A_362, %parallel_loop3A_344 : vector<16xf32>
          %parallel_loop3A_364 = arith.constant 1 : i32
          %parallel_loop3A_365 = arith.index_cast %parallel_loop3A_364 : i32 to index
          %parallel_loop3A_366 = arith.index_cast %parallel_loop3A_232 : i32 to index
          %parallel_loop3A_367 = arith.constant 112 : index
          %parallel_loop3A_368 = tpu.vector_load %arg10[%parallel_loop3A_365, %parallel_loop3A_366, %parallel_loop3A_367] {strides = array<i32>} : memref<2x64x256xf32, #tpu.memory_space<vmem>>, vector<16xf32>,
          %parallel_loop3A_369 = arith.mulf %parallel_loop3A_363, %parallel_loop3A_368 : vector<16xf32>
          %parallel_loop3A_370 = arith.addf %parallel_loop3A_357, %parallel_loop3A_369 : vector<16xf32>
          %parallel_loop3A_371 = arith.constant 1 : i32
          %parallel_loop3A_372 = arith.index_cast %parallel_loop3A_371 : i32 to index
          %parallel_loop3A_373 = arith.index_cast %parallel_loop3A_232 : i32 to index
          %parallel_loop3A_374 = arith.constant 64 : index
          %parallel_loop3A_375 = tpu.vector_load %arg8[%parallel_loop3A_372, %parallel_loop3A_373, %parallel_loop3A_374] {strides = array<i32>} : memref<2x64x128xi32, #tpu.memory_space<vmem>>, vector<16xi32>,
          %parallel_loop3A_376 = vector.bitcast %parallel_loop3A_375 : vector<16xi32> to vector<32xbf16>
          %parallel_loop3A_377 = tpu.unpack_subelements %parallel_loop3A_376, 0 {pack_format = #tpu.pack_format<interleaved>} : vector<32xbf16> -> vector<16xf32>
          %parallel_loop3A_378 = tpu.unpack_subelements %parallel_loop3A_376, 1 {pack_format = #tpu.pack_format<interleaved>} : vector<32xbf16> -> vector<16xf32>
          %parallel_loop3A_379 = arith.constant 1 : i32
          %parallel_loop3A_380 = arith.index_cast %parallel_loop3A_379 : i32 to index
          %parallel_loop3A_381 = arith.index_cast %parallel_loop3A_232 : i32 to index
          %parallel_loop3A_382 = arith.constant 128 : index
          %parallel_loop3A_383 = tpu.vector_load %arg9[%parallel_loop3A_380, %parallel_loop3A_381, %parallel_loop3A_382] {strides = array<i32>} : memref<2x64x256xf32, #tpu.memory_space<vmem>>, vector<16xf32>,
          %parallel_loop3A_384 = arith.mulf %parallel_loop3A_383, %parallel_loop3A_377 : vector<16xf32>
          %parallel_loop3A_385 = arith.constant 1 : i32
          %parallel_loop3A_386 = arith.index_cast %parallel_loop3A_385 : i32 to index
          %parallel_loop3A_387 = arith.index_cast %parallel_loop3A_232 : i32 to index
          %parallel_loop3A_388 = arith.constant 128 : index
          %parallel_loop3A_389 = tpu.vector_load %arg10[%parallel_loop3A_386, %parallel_loop3A_387, %parallel_loop3A_388] {strides = array<i32>} : memref<2x64x256xf32, #tpu.memory_space<vmem>>, vector<16xf32>,
          %parallel_loop3A_390 = arith.mulf %parallel_loop3A_384, %parallel_loop3A_389 : vector<16xf32>
          %parallel_loop3A_391 = arith.addf %parallel_loop3A_370, %parallel_loop3A_390 : vector<16xf32>
          %parallel_loop3A_392 = arith.constant 1 : i32
          %parallel_loop3A_393 = arith.index_cast %parallel_loop3A_392 : i32 to index
          %parallel_loop3A_394 = arith.index_cast %parallel_loop3A_232 : i32 to index
          %parallel_loop3A_395 = arith.constant 144 : index
          %parallel_loop3A_396 = tpu.vector_load %arg9[%parallel_loop3A_393, %parallel_loop3A_394, %parallel_loop3A_395] {strides = array<i32>} : memref<2x64x256xf32, #tpu.memory_space<vmem>>, vector<16xf32>,
          %parallel_loop3A_397 = arith.mulf %parallel_loop3A_396, %parallel_loop3A_378 : vector<16xf32>
          %parallel_loop3A_398 = arith.constant 1 : i32
          %parallel_loop3A_399 = arith.index_cast %parallel_loop3A_398 : i32 to index
          %parallel_loop3A_400 = arith.index_cast %parallel_loop3A_232 : i32 to index
          %parallel_loop3A_401 = arith.constant 144 : index
          %parallel_loop3A_402 = tpu.vector_load %arg10[%parallel_loop3A_399, %parallel_loop3A_400, %parallel_loop3A_401] {strides = array<i32>} : memref<2x64x256xf32, #tpu.memory_space<vmem>>, vector<16xf32>,
          %parallel_loop3A_403 = arith.mulf %parallel_loop3A_397, %parallel_loop3A_402 : vector<16xf32>
          %parallel_loop3A_404 = arith.addf %parallel_loop3A_391, %parallel_loop3A_403 : vector<16xf32>
          %parallel_loop3A_405 = arith.constant 1 : i32
          %parallel_loop3A_406 = arith.index_cast %parallel_loop3A_405 : i32 to index
          %parallel_loop3A_407 = arith.index_cast %parallel_loop3A_232 : i32 to index
          %parallel_loop3A_408 = arith.constant 80 : index
          %parallel_loop3A_409 = tpu.vector_load %arg8[%parallel_loop3A_406, %parallel_loop3A_407, %parallel_loop3A_408] {strides = array<i32>} : memref<2x64x128xi32, #tpu.memory_space<vmem>>, vector<16xi32>,
          %parallel_loop3A_410 = vector.bitcast %parallel_loop3A_409 : vector<16xi32> to vector<32xbf16>
          %parallel_loop3A_411 = tpu.unpack_subelements %parallel_loop3A_410, 0 {pack_format = #tpu.pack_format<interleaved>} : vector<32xbf16> -> vector<16xf32>
          %parallel_loop3A_412 = tpu.unpack_subelements %parallel_loop3A_410, 1 {pack_format = #tpu.pack_format<interleaved>} : vector<32xbf16> -> vector<16xf32>
          %parallel_loop3A_413 = arith.constant 1 : i32
          %parallel_loop3A_414 = arith.index_cast %parallel_loop3A_413 : i32 to index
          %parallel_loop3A_415 = arith.index_cast %parallel_loop3A_232 : i32 to index
          %parallel_loop3A_416 = arith.constant 160 : index
          %parallel_loop3A_417 = tpu.vector_load %arg9[%parallel_loop3A_414, %parallel_loop3A_415, %parallel_loop3A_416] {strides = array<i32>} : memref<2x64x256xf32, #tpu.memory_space<vmem>>, vector<16xf32>,
          %parallel_loop3A_418 = arith.mulf %parallel_loop3A_417, %parallel_loop3A_411 : vector<16xf32>
          %parallel_loop3A_419 = arith.constant 1 : i32
          %parallel_loop3A_420 = arith.index_cast %parallel_loop3A_419 : i32 to index
          %parallel_loop3A_421 = arith.index_cast %parallel_loop3A_232 : i32 to index
          %parallel_loop3A_422 = arith.constant 160 : index
          %parallel_loop3A_423 = tpu.vector_load %arg10[%parallel_loop3A_420, %parallel_loop3A_421, %parallel_loop3A_422] {strides = array<i32>} : memref<2x64x256xf32, #tpu.memory_space<vmem>>, vector<16xf32>,
          %parallel_loop3A_424 = arith.mulf %parallel_loop3A_418, %parallel_loop3A_423 : vector<16xf32>
          %parallel_loop3A_425 = arith.addf %parallel_loop3A_404, %parallel_loop3A_424 : vector<16xf32>
          %parallel_loop3A_426 = arith.constant 1 : i32
          %parallel_loop3A_427 = arith.index_cast %parallel_loop3A_426 : i32 to index
          %parallel_loop3A_428 = arith.index_cast %parallel_loop3A_232 : i32 to index
          %parallel_loop3A_429 = arith.constant 176 : index
          %parallel_loop3A_430 = tpu.vector_load %arg9[%parallel_loop3A_427, %parallel_loop3A_428, %parallel_loop3A_429] {strides = array<i32>} : memref<2x64x256xf32, #tpu.memory_space<vmem>>, vector<16xf32>,
          %parallel_loop3A_431 = arith.mulf %parallel_loop3A_430, %parallel_loop3A_412 : vector<16xf32>
          %parallel_loop3A_432 = arith.constant 1 : i32
          %parallel_loop3A_433 = arith.index_cast %parallel_loop3A_432 : i32 to index
          %parallel_loop3A_434 = arith.index_cast %parallel_loop3A_232 : i32 to index
          %parallel_loop3A_435 = arith.constant 176 : index
          %parallel_loop3A_436 = tpu.vector_load %arg10[%parallel_loop3A_433, %parallel_loop3A_434, %parallel_loop3A_435] {strides = array<i32>} : memref<2x64x256xf32, #tpu.memory_space<vmem>>, vector<16xf32>,
          %parallel_loop3A_437 = arith.mulf %parallel_loop3A_431, %parallel_loop3A_436 : vector<16xf32>
          %parallel_loop3A_438 = arith.addf %parallel_loop3A_425, %parallel_loop3A_437 : vector<16xf32>
          %parallel_loop3A_439 = arith.constant 1 : i32
          %parallel_loop3A_440 = arith.index_cast %parallel_loop3A_439 : i32 to index
          %parallel_loop3A_441 = arith.index_cast %parallel_loop3A_232 : i32 to index
          %parallel_loop3A_442 = arith.constant 96 : index
          %parallel_loop3A_443 = tpu.vector_load %arg8[%parallel_loop3A_440, %parallel_loop3A_441, %parallel_loop3A_442] {strides = array<i32>} : memref<2x64x128xi32, #tpu.memory_space<vmem>>, vector<16xi32>,
          %parallel_loop3A_444 = vector.bitcast %parallel_loop3A_443 : vector<16xi32> to vector<32xbf16>
          %parallel_loop3A_445 = tpu.unpack_subelements %parallel_loop3A_444, 0 {pack_format = #tpu.pack_format<interleaved>} : vector<32xbf16> -> vector<16xf32>
          %parallel_loop3A_446 = tpu.unpack_subelements %parallel_loop3A_444, 1 {pack_format = #tpu.pack_format<interleaved>} : vector<32xbf16> -> vector<16xf32>
          %parallel_loop3A_447 = arith.constant 1 : i32
          %parallel_loop3A_448 = arith.index_cast %parallel_loop3A_447 : i32 to index
          %parallel_loop3A_449 = arith.index_cast %parallel_loop3A_232 : i32 to index
          %parallel_loop3A_450 = arith.constant 192 : index
          %parallel_loop3A_451 = tpu.vector_load %arg9[%parallel_loop3A_448, %parallel_loop3A_449, %parallel_loop3A_450] {strides = array<i32>} : memref<2x64x256xf32, #tpu.memory_space<vmem>>, vector<16xf32>,
          %parallel_loop3A_452 = arith.mulf %parallel_loop3A_451, %parallel_loop3A_445 : vector<16xf32>
          %parallel_loop3A_453 = arith.constant 1 : i32
          %parallel_loop3A_454 = arith.index_cast %parallel_loop3A_453 : i32 to index
          %parallel_loop3A_455 = arith.index_cast %parallel_loop3A_232 : i32 to index
          %parallel_loop3A_456 = arith.constant 192 : index
          %parallel_loop3A_457 = tpu.vector_load %arg10[%parallel_loop3A_454, %parallel_loop3A_455, %parallel_loop3A_456] {strides = array<i32>} : memref<2x64x256xf32, #tpu.memory_space<vmem>>, vector<16xf32>,
          %parallel_loop3A_458 = arith.mulf %parallel_loop3A_452, %parallel_loop3A_457 : vector<16xf32>
          %parallel_loop3A_459 = arith.addf %parallel_loop3A_438, %parallel_loop3A_458 : vector<16xf32>
          %parallel_loop3A_460 = arith.constant 1 : i32
          %parallel_loop3A_461 = arith.index_cast %parallel_loop3A_460 : i32 to index
          %parallel_loop3A_462 = arith.index_cast %parallel_loop3A_232 : i32 to index
          %parallel_loop3A_463 = arith.constant 208 : index
          %parallel_loop3A_464 = tpu.vector_load %arg9[%parallel_loop3A_461, %parallel_loop3A_462, %parallel_loop3A_463] {strides = array<i32>} : memref<2x64x256xf32, #tpu.memory_space<vmem>>, vector<16xf32>,
          %parallel_loop3A_465 = arith.mulf %parallel_loop3A_464, %parallel_loop3A_446 : vector<16xf32>
          %parallel_loop3A_466 = arith.constant 1 : i32
          %parallel_loop3A_467 = arith.index_cast %parallel_loop3A_466 : i32 to index
          %parallel_loop3A_468 = arith.index_cast %parallel_loop3A_232 : i32 to index
          %parallel_loop3A_469 = arith.constant 208 : index
          %parallel_loop3A_470 = tpu.vector_load %arg10[%parallel_loop3A_467, %parallel_loop3A_468, %parallel_loop3A_469] {strides = array<i32>} : memref<2x64x256xf32, #tpu.memory_space<vmem>>, vector<16xf32>,
          %parallel_loop3A_471 = arith.mulf %parallel_loop3A_465, %parallel_loop3A_470 : vector<16xf32>
          %parallel_loop3A_472 = arith.addf %parallel_loop3A_459, %parallel_loop3A_471 : vector<16xf32>
          %parallel_loop3A_473 = arith.constant 1 : i32
          %parallel_loop3A_474 = arith.index_cast %parallel_loop3A_473 : i32 to index
          %parallel_loop3A_475 = arith.index_cast %parallel_loop3A_232 : i32 to index
          %parallel_loop3A_476 = arith.constant 112 : index
          %parallel_loop3A_477 = tpu.vector_load %arg8[%parallel_loop3A_474, %parallel_loop3A_475, %parallel_loop3A_476] {strides = array<i32>} : memref<2x64x128xi32, #tpu.memory_space<vmem>>, vector<16xi32>,
          %parallel_loop3A_478 = vector.bitcast %parallel_loop3A_477 : vector<16xi32> to vector<32xbf16>
          %parallel_loop3A_479 = tpu.unpack_subelements %parallel_loop3A_478, 0 {pack_format = #tpu.pack_format<interleaved>} : vector<32xbf16> -> vector<16xf32>
          %parallel_loop3A_480 = tpu.unpack_subelements %parallel_loop3A_478, 1 {pack_format = #tpu.pack_format<interleaved>} : vector<32xbf16> -> vector<16xf32>
          %parallel_loop3A_481 = arith.constant 1 : i32
          %parallel_loop3A_482 = arith.index_cast %parallel_loop3A_481 : i32 to index
          %parallel_loop3A_483 = arith.index_cast %parallel_loop3A_232 : i32 to index
          %parallel_loop3A_484 = arith.constant 224 : index
          %parallel_loop3A_485 = tpu.vector_load %arg9[%parallel_loop3A_482, %parallel_loop3A_483, %parallel_loop3A_484] {strides = array<i32>} : memref<2x64x256xf32, #tpu.memory_space<vmem>>, vector<16xf32>,
          %parallel_loop3A_486 = arith.mulf %parallel_loop3A_485, %parallel_loop3A_479 : vector<16xf32>
          %parallel_loop3A_487 = arith.constant 1 : i32
          %parallel_loop3A_488 = arith.index_cast %parallel_loop3A_487 : i32 to index
          %parallel_loop3A_489 = arith.index_cast %parallel_loop3A_232 : i32 to index
          %parallel_loop3A_490 = arith.constant 224 : index
          %parallel_loop3A_491 = tpu.vector_load %arg10[%parallel_loop3A_488, %parallel_loop3A_489, %parallel_loop3A_490] {strides = array<i32>} : memref<2x64x256xf32, #tpu.memory_space<vmem>>, vector<16xf32>,
          %parallel_loop3A_492 = arith.mulf %parallel_loop3A_486, %parallel_loop3A_491 : vector<16xf32>
          %parallel_loop3A_493 = arith.addf %parallel_loop3A_472, %parallel_loop3A_492 : vector<16xf32>
          %parallel_loop3A_494 = arith.constant 1 : i32
          %parallel_loop3A_495 = arith.index_cast %parallel_loop3A_494 : i32 to index
          %parallel_loop3A_496 = arith.index_cast %parallel_loop3A_232 : i32 to index
          %parallel_loop3A_497 = arith.constant 240 : index
          %parallel_loop3A_498 = tpu.vector_load %arg9[%parallel_loop3A_495, %parallel_loop3A_496, %parallel_loop3A_497] {strides = array<i32>} : memref<2x64x256xf32, #tpu.memory_space<vmem>>, vector<16xf32>,
          %parallel_loop3A_499 = arith.mulf %parallel_loop3A_498, %parallel_loop3A_480 : vector<16xf32>
          %parallel_loop3A_500 = arith.constant 1 : i32
          %parallel_loop3A_501 = arith.index_cast %parallel_loop3A_500 : i32 to index
          %parallel_loop3A_502 = arith.index_cast %parallel_loop3A_232 : i32 to index
          %parallel_loop3A_503 = arith.constant 240 : index
          %parallel_loop3A_504 = tpu.vector_load %arg10[%parallel_loop3A_501, %parallel_loop3A_502, %parallel_loop3A_503] {strides = array<i32>} : memref<2x64x256xf32, #tpu.memory_space<vmem>>, vector<16xf32>,
          %parallel_loop3A_505 = arith.mulf %parallel_loop3A_499, %parallel_loop3A_504 : vector<16xf32>
          %parallel_loop3A_506 = arith.addf %parallel_loop3A_493, %parallel_loop3A_505 : vector<16xf32>
          %parallel_loop3A_507 = arith.constant true
          %parallel_loop3A_508 = vector.broadcast %parallel_loop3A_507 : i1 to vector<16xi1>
          %parallel_loop3A_509 = tpu.scan <sum>, %parallel_loop3A_506 masked %parallel_loop3A_508 : vector<16xf32>, vector<16xi1> -> vector<16xf32>
          %parallel_loop3A_510 = vector.extract %parallel_loop3A_509[15] : f32 from vector<16xf32>
          %parallel_loop3A_511 = vector.broadcast %parallel_loop3A_510 : f32 to vector<16xf32>
          %parallel_loop3A_512 = vector.broadcast %parallel_loop3A_232 : i32 to vector<16xi32>
          %parallel_loop3A_513 = arith.constant 0 : i32
          %parallel_loop3A_514 = vector.broadcast %parallel_loop3A_513 : i32 to vector<16xi32>
          %parallel_loop3A_515 = arith.cmpi eq, %iota3A, %parallel_loop3A_514 : vector<16xi32>
          %parallel_loop3A_516 = arith.constant 1 : i32
          %parallel_loop3A_517 = arith.constant 0 : i32
          %parallel_loop3A_518 = tpu.memref_slice %arg11[%parallel_loop3A_516, %parallel_loop3A_517] : memref<2x64xf32, #tpu.memory_space<vmem>> -> memref<1x64xf32, #tpu.memory_space<vmem>>
          %parallel_loop3A_519 = tpu.memref_squeeze %parallel_loop3A_518 : memref<1x64xf32, #tpu.memory_space<vmem>> -> memref<64xf32, #tpu.memory_space<vmem>>
          tpu.vector_store_idx %parallel_loop3A_519[%parallel_loop3A_512], %parallel_loop3A_511 masked %parallel_loop3A_515 : memref<64xf32, #tpu.memory_space<vmem>>[vector<16xi32>], vector<16xf32>, vector<16xi1>
        } {sc.loop_unroll_factor = 2 : i64, sc.parallel_access}
        %mul3A_218 = arith.constant 32 : i32
        %mul3A_219 = arith.muli %add3A_157, %mul3A_218 : i32
        %add3A_220 = arith.addi %add3A, %mul3A_219 : i32
        %mul3A_221 = arith.constant 64 : i32
        %mul3A_222 = arith.muli %add3A_220, %mul3A_221 : i32
        %dma_start3A_223 = arith.constant 1 : i32
        %dma_start3A_224 = arith.constant 0 : i32
        %dma_start3A_225 = tpu.memref_slice %arg11[%dma_start3A_223, %dma_start3A_224] : memref<2x64xf32, #tpu.memory_space<vmem>> -> memref<1x64xf32, #tpu.memory_space<vmem>>
        %dma_start3A_226 = tpu.memref_squeeze %dma_start3A_225 : memref<1x64xf32, #tpu.memory_space<vmem>> -> memref<64xf32, #tpu.memory_space<vmem>>
        %dma_start3A_227 = tpu.memref_slice %arg6[%mul3A_222] : memref<83200xf32, #tpu.memory_space<hbm>> -> memref<64xf32, #tpu.memory_space<hbm>>
        %dma_start3A_228 = tpu.memref_slice %arg6[%mul3A_222] : memref<83200xf32, #tpu.memory_space<hbm>> -> memref<64xf32, #tpu.memory_space<hbm>>
        %dma_start3A_229 = arith.constant 0 : i32
        %dma_start3A_230 = tpu.memref_slice %arg11[%dma_start3A_223, %dma_start3A_229] : memref<2x64xf32, #tpu.memory_space<vmem>> -> memref<1x64xf32, #tpu.memory_space<vmem>>
        %dma_start3A_231 = tpu.memref_squeeze %dma_start3A_230 : memref<1x64xf32, #tpu.memory_space<vmem>> -> memref<64xf32, #tpu.memory_space<vmem>>
        tpu.enqueue_dma source(%dma_start3A_231 : memref<64xf32, #tpu.memory_space<vmem>>) target(%dma_start3A_228 : memref<64xf32, #tpu.memory_space<hbm>>) target_semaphore(%arg15 : memref<!tpu.dma_semaphore, #tpu.memory_space<semaphore_mem>>)
      } else {
      }
    }
    %jit3A_107 = arith.constant 2 : i32
    %eq3A = arith.constant 0 : i32
    %eq3A_108 = arith.cmpi eq, %jit3A_107, %eq3A : i32
    %jit3A_109 = arith.constant 1 : i32
    %select_n3A_110 = arith.select %eq3A_108, %jit3A_109, %jit3A_107 : i32
    %rem3A_111 = arith.remsi %select_n3A, %select_n3A_110 : i32
    %ne3A_112 = arith.constant 0 : i32
    %ne3A_113 = arith.cmpi ne, %rem3A_111, %ne3A_112 : i32
    %lt3A = arith.constant 0 : i32
    %lt3A_114 = arith.cmpi slt, %rem3A_111, %lt3A : i32
    %lt3A_115 = arith.constant 0 : i32
    %lt3A_116 = arith.cmpi slt, %select_n3A_110, %lt3A_115 : i32
    %ne3A_117 = arith.xori %lt3A_114, %lt3A_116 : i1
    %and3A_118 = arith.andi %ne3A_117, %ne3A_113 : i1
    %add3A_119 = arith.addi %rem3A_111, %select_n3A_110 : i32
    %select_n3A_120 = arith.select %and3A_118, %add3A_119, %rem3A_111 : i32
    %eq3A_121 = arith.constant 0 : i32
    %eq3A_122 = arith.cmpi eq, %select_n3A_120, %eq3A_121 : i32
    %convert_element_type3A = arith.extui %eq3A_122 : i1 to i32
    %cond3A = arith.constant 0 : i32
    %cond3A_123 = arith.cmpi ne, %convert_element_type3A, %cond3A : i32
    scf.if %cond3A_123 {
      %sub3A_145 = arith.constant 2 : i32
      %sub3A_146 = arith.subi %select_n3A, %sub3A_145 : i32
      %mul3A_147 = arith.constant 32 : i32
      %mul3A_148 = arith.muli %sub3A_146, %mul3A_147 : i32
      %add3A_149 = arith.addi %add3A, %mul3A_148 : i32
      %mul3A_150 = arith.constant 64 : i32
      %mul3A_151 = arith.muli %add3A_149, %mul3A_150 : i32
      %dma_wait3A = arith.constant 0 : i32
      %dma_wait3A_152 = arith.constant 0 : i32
      %dma_wait3A_153 = tpu.memref_slice %arg11[%dma_wait3A, %dma_wait3A_152] : memref<2x64xf32, #tpu.memory_space<vmem>> -> memref<1x64xf32, #tpu.memory_space<vmem>>
      %dma_wait3A_154 = tpu.memref_squeeze %dma_wait3A_153 : memref<1x64xf32, #tpu.memory_space<vmem>> -> memref<64xf32, #tpu.memory_space<vmem>>
      %dma_wait3A_155 = tpu.memref_slice %arg6[%mul3A_151] : memref<83200xf32, #tpu.memory_space<hbm>> -> memref<64xf32, #tpu.memory_space<hbm>>
      %dma_wait3A_156 = tpu.memref_slice %arg6[%mul3A_151] : memref<83200xf32, #tpu.memory_space<hbm>> -> memref<64xf32, #tpu.memory_space<hbm>>
      %dma_wait3A_157 = arith.constant 0 : i32
      %dma_wait3A_158 = tpu.memref_slice %arg11[%dma_wait3A, %dma_wait3A_157] : memref<2x64xf32, #tpu.memory_space<vmem>> -> memref<1x64xf32, #tpu.memory_space<vmem>>
      %dma_wait3A_159 = tpu.memref_squeeze %dma_wait3A_158 : memref<1x64xf32, #tpu.memory_space<vmem>> -> memref<64xf32, #tpu.memory_space<vmem>>
      tpu.wait_dma2 semaphore(%arg14 : memref<!tpu.dma_semaphore, #tpu.memory_space<semaphore_mem>>) src(%dma_wait3A_159 : memref<64xf32, #tpu.memory_space<vmem>>) dst(%dma_wait3A_156 : memref<64xf32, #tpu.memory_space<hbm>>)
      %sub3A_160 = arith.constant 1 : i32
      %sub3A_161 = arith.subi %select_n3A, %sub3A_160 : i32
      %mul3A_162 = arith.constant 32 : i32
      %mul3A_163 = arith.muli %sub3A_161, %mul3A_162 : i32
      %add3A_164 = arith.addi %add3A, %mul3A_163 : i32
      %mul3A_165 = arith.constant 64 : i32
      %mul3A_166 = arith.muli %add3A_164, %mul3A_165 : i32
      %dma_wait3A_167 = arith.constant 1 : i32
      %dma_wait3A_168 = arith.constant 0 : i32
      %dma_wait3A_169 = tpu.memref_slice %arg11[%dma_wait3A_167, %dma_wait3A_168] : memref<2x64xf32, #tpu.memory_space<vmem>> -> memref<1x64xf32, #tpu.memory_space<vmem>>
      %dma_wait3A_170 = tpu.memref_squeeze %dma_wait3A_169 : memref<1x64xf32, #tpu.memory_space<vmem>> -> memref<64xf32, #tpu.memory_space<vmem>>
      %dma_wait3A_171 = tpu.memref_slice %arg6[%mul3A_166] : memref<83200xf32, #tpu.memory_space<hbm>> -> memref<64xf32, #tpu.memory_space<hbm>>
      %dma_wait3A_172 = tpu.memref_slice %arg6[%mul3A_166] : memref<83200xf32, #tpu.memory_space<hbm>> -> memref<64xf32, #tpu.memory_space<hbm>>
      %dma_wait3A_173 = arith.constant 0 : i32
      %dma_wait3A_174 = tpu.memref_slice %arg11[%dma_wait3A_167, %dma_wait3A_173] : memref<2x64xf32, #tpu.memory_space<vmem>> -> memref<1x64xf32, #tpu.memory_space<vmem>>
      %dma_wait3A_175 = tpu.memref_squeeze %dma_wait3A_174 : memref<1x64xf32, #tpu.memory_space<vmem>> -> memref<64xf32, #tpu.memory_space<vmem>>
      tpu.wait_dma2 semaphore(%arg15 : memref<!tpu.dma_semaphore, #tpu.memory_space<semaphore_mem>>) src(%dma_wait3A_175 : memref<64xf32, #tpu.memory_space<vmem>>) dst(%dma_wait3A_172 : memref<64xf32, #tpu.memory_space<hbm>>)
    } else {
    }
    %jit3A_124 = arith.constant 2 : i32
    %eq3A_125 = arith.constant 0 : i32
    %eq3A_126 = arith.cmpi eq, %jit3A_124, %eq3A_125 : i32
    %jit3A_127 = arith.constant 1 : i32
    %select_n3A_128 = arith.select %eq3A_126, %jit3A_127, %jit3A_124 : i32
    %rem3A_129 = arith.remsi %select_n3A, %select_n3A_128 : i32
    %ne3A_130 = arith.constant 0 : i32
    %ne3A_131 = arith.cmpi ne, %rem3A_129, %ne3A_130 : i32
    %lt3A_132 = arith.constant 0 : i32
    %lt3A_133 = arith.cmpi slt, %rem3A_129, %lt3A_132 : i32
    %lt3A_134 = arith.constant 0 : i32
    %lt3A_135 = arith.cmpi slt, %select_n3A_128, %lt3A_134 : i32
    %ne3A_136 = arith.xori %lt3A_133, %lt3A_135 : i1
    %and3A_137 = arith.andi %ne3A_136, %ne3A_131 : i1
    %add3A_138 = arith.addi %rem3A_129, %select_n3A_128 : i32
    %select_n3A_139 = arith.select %and3A_137, %add3A_138, %rem3A_129 : i32
    %eq3A_140 = arith.constant 1 : i32
    %eq3A_141 = arith.cmpi eq, %select_n3A_139, %eq3A_140 : i32
    %convert_element_type3A_142 = arith.extui %eq3A_141 : i1 to i32
    %cond3A_143 = arith.constant 0 : i32
    %cond3A_144 = arith.cmpi ne, %convert_element_type3A_142, %cond3A_143 : i32
    scf.if %cond3A_144 {
      %sub3A_145 = arith.constant 2 : i32
      %sub3A_146 = arith.subi %select_n3A, %sub3A_145 : i32
      %mul3A_147 = arith.constant 32 : i32
      %mul3A_148 = arith.muli %sub3A_146, %mul3A_147 : i32
      %add3A_149 = arith.addi %add3A, %mul3A_148 : i32
      %mul3A_150 = arith.constant 64 : i32
      %mul3A_151 = arith.muli %add3A_149, %mul3A_150 : i32
      %dma_wait3A = arith.constant 1 : i32
      %dma_wait3A_152 = arith.constant 0 : i32
      %dma_wait3A_153 = tpu.memref_slice %arg11[%dma_wait3A, %dma_wait3A_152] : memref<2x64xf32, #tpu.memory_space<vmem>> -> memref<1x64xf32, #tpu.memory_space<vmem>>
      %dma_wait3A_154 = tpu.memref_squeeze %dma_wait3A_153 : memref<1x64xf32, #tpu.memory_space<vmem>> -> memref<64xf32, #tpu.memory_space<vmem>>
      %dma_wait3A_155 = tpu.memref_slice %arg6[%mul3A_151] : memref<83200xf32, #tpu.memory_space<hbm>> -> memref<64xf32, #tpu.memory_space<hbm>>
      %dma_wait3A_156 = tpu.memref_slice %arg6[%mul3A_151] : memref<83200xf32, #tpu.memory_space<hbm>> -> memref<64xf32, #tpu.memory_space<hbm>>
      %dma_wait3A_157 = arith.constant 0 : i32
      %dma_wait3A_158 = tpu.memref_slice %arg11[%dma_wait3A, %dma_wait3A_157] : memref<2x64xf32, #tpu.memory_space<vmem>> -> memref<1x64xf32, #tpu.memory_space<vmem>>
      %dma_wait3A_159 = tpu.memref_squeeze %dma_wait3A_158 : memref<1x64xf32, #tpu.memory_space<vmem>> -> memref<64xf32, #tpu.memory_space<vmem>>
      tpu.wait_dma2 semaphore(%arg15 : memref<!tpu.dma_semaphore, #tpu.memory_space<semaphore_mem>>) src(%dma_wait3A_159 : memref<64xf32, #tpu.memory_space<vmem>>) dst(%dma_wait3A_156 : memref<64xf32, #tpu.memory_space<hbm>>)
      %sub3A_160 = arith.constant 1 : i32
      %sub3A_161 = arith.subi %select_n3A, %sub3A_160 : i32
      %mul3A_162 = arith.constant 32 : i32
      %mul3A_163 = arith.muli %sub3A_161, %mul3A_162 : i32
      %add3A_164 = arith.addi %add3A, %mul3A_163 : i32
      %mul3A_165 = arith.constant 64 : i32
      %mul3A_166 = arith.muli %add3A_164, %mul3A_165 : i32
      %dma_wait3A_167 = arith.constant 0 : i32
      %dma_wait3A_168 = arith.constant 0 : i32
      %dma_wait3A_169 = tpu.memref_slice %arg11[%dma_wait3A_167, %dma_wait3A_168] : memref<2x64xf32, #tpu.memory_space<vmem>> -> memref<1x64xf32, #tpu.memory_space<vmem>>
      %dma_wait3A_170 = tpu.memref_squeeze %dma_wait3A_169 : memref<1x64xf32, #tpu.memory_space<vmem>> -> memref<64xf32, #tpu.memory_space<vmem>>
      %dma_wait3A_171 = tpu.memref_slice %arg6[%mul3A_166] : memref<83200xf32, #tpu.memory_space<hbm>> -> memref<64xf32, #tpu.memory_space<hbm>>
      %dma_wait3A_172 = tpu.memref_slice %arg6[%mul3A_166] : memref<83200xf32, #tpu.memory_space<hbm>> -> memref<64xf32, #tpu.memory_space<hbm>>
      %dma_wait3A_173 = arith.constant 0 : i32
      %dma_wait3A_174 = tpu.memref_slice %arg11[%dma_wait3A_167, %dma_wait3A_173] : memref<2x64xf32, #tpu.memory_space<vmem>> -> memref<1x64xf32, #tpu.memory_space<vmem>>
      %dma_wait3A_175 = tpu.memref_squeeze %dma_wait3A_174 : memref<1x64xf32, #tpu.memory_space<vmem>> -> memref<64xf32, #tpu.memory_space<vmem>>
      tpu.wait_dma2 semaphore(%arg14 : memref<!tpu.dma_semaphore, #tpu.memory_space<semaphore_mem>>) src(%dma_wait3A_175 : memref<64xf32, #tpu.memory_space<vmem>>) dst(%dma_wait3A_172 : memref<64xf32, #tpu.memory_space<hbm>>)
    } else {
    }
    return
  }
}

module attributes {stable_mosaic.version = 14 : i64} {
  func.func @_tc_body(%arg0: i32, %arg1: memref<1x1x1280xi32, #tpu.memory_space<vmem>>, %arg2: memref<512x256xbf16, #tpu.memory_space<vmem>>, %arg3: memref<1280x256xf32, #tpu.memory_space<vmem>>, %arg4: memref<1280x256xf32, #tpu.memory_space<vmem>>, %arg5: memref<1280x1xf32, #tpu.memory_space<vmem>>) attributes {dimension_semantics = [#tpu.dimension_semantics<arbitrary>], iteration_bounds = array<i64: 60>, scalar_prefetch = 0 : i64, scratch_operands = 0 : i64, tpu.core_type = #tpu.core_type<tc>, window_params = [{transform_indices = @transform_0, window_bounds = array<i64: 1, 1, 1280>}, {pipeline_mode = #tpu.pipeline_mode<synchronous>, transform_indices = @transform_1, window_bounds = array<i64: 512, 256>}, {transform_indices = @transform_2, window_bounds = array<i64: 1280, 256>}, {transform_indices = @transform_3, window_bounds = array<i64: 1280, 256>}, {transform_indices = @transform_4, window_bounds = array<i64: 1280, 1>}]} {
    %get3A = arith.constant 0 : index
    %get3A_0 = arith.constant 0 : index
    %get3A_1 = arith.constant 0 : index
    %get3A_2 = vector.load %arg1[%get3A, %get3A_0, %get3A_1] : memref<1x1x1280xi32, #tpu.memory_space<vmem>>, vector<1x1x1280xi32>
    %get3A_3 = vector.shape_cast %get3A_2 : vector<1x1x1280xi32> to vector<1280xi32>
    %iota3A = tpu.iota {dimensions = array<i32: 1>} : vector<1280x512xi32>
    %broadcast_in_dim3A = vector.shape_cast %get3A_3 : vector<1280xi32> to vector<1280x1xi32>
    %eq3A = vector.broadcast %broadcast_in_dim3A : vector<1280x1xi32> to vector<1280x512xi32>
    %eq3A_4 = arith.cmpi eq, %eq3A, %iota3A : vector<1280x512xi32>
    %convert_element_type3A = arith.extui %eq3A_4 : vector<1280x512xi1> to vector<1280x512xi32>
    %convert_element_type3A_5 = arith.sitofp %convert_element_type3A : vector<1280x512xi32> to vector<1280x512xf32>
    %convert_element_type3A_6 = arith.truncf %convert_element_type3A_5 : vector<1280x512xf32> to vector<1280x512xbf16>
    %get3A_7 = arith.constant 0 : index
    %get3A_8 = arith.constant 0 : index
    %get3A_9 = vector.load %arg2[%get3A_7, %get3A_8] : memref<512x256xbf16, #tpu.memory_space<vmem>>, vector<512x256xbf16>
    %dot_general3A = arith.constant dense<0.000000e+00> : vector<1280x256xf32>
    %dot_general3A_10 = tpu.matmul %convert_element_type3A_6, %get3A_9, %dot_general3A {dimension_numbers = #tpu.dot_dimension_numbers<[1], [0], [0], [1], [0, 0, 1, 1], [], []>, transpose_lhs_hint = false} : vector<1280x512xbf16>, vector<512x256xbf16>, vector<1280x256xf32> -> vector<1280x256xf32>
    %get3A_11 = arith.constant 0 : index
    %get3A_12 = arith.constant 0 : index
    %get3A_13 = vector.load %arg3[%get3A_11, %get3A_12] : memref<1280x256xf32, #tpu.memory_space<vmem>>, vector<1280x256xf32>
    %get3A_14 = arith.constant 0 : index
    %get3A_15 = arith.constant 0 : index
    %get3A_16 = vector.load %arg4[%get3A_14, %get3A_15] : memref<1280x256xf32, #tpu.memory_space<vmem>>, vector<1280x256xf32>
    %mul3A = arith.mulf %get3A_13, %get3A_16 : vector<1280x256xf32>
    %mul3A_17 = arith.mulf %mul3A, %dot_general3A_10 : vector<1280x256xf32>
    %reduce_sum3A = arith.constant dense<0.000000e+00> : vector<1280xf32>
    %reduce_sum3A_18 = vector.multi_reduction <add>, %mul3A_17, %reduce_sum3A [1] : vector<1280x256xf32> to vector<1280xf32>
    %broadcast_in_dim3A_19 = vector.shape_cast %reduce_sum3A_18 : vector<1280xf32> to vector<1280x1xf32>
    %swap3A = arith.constant 0 : index
    %swap3A_20 = arith.constant 0 : index
    %swap3A_21 = vector.load %arg5[%swap3A, %swap3A_20] : memref<1280x1xf32, #tpu.memory_space<vmem>>, vector<1280x1xf32>
    tpu.vector_store %arg5[%swap3A, %swap3A_20], %broadcast_in_dim3A_19 {strides = array<i32>} : memref<1280x1xf32, #tpu.memory_space<vmem>>, vector<1280x1xf32>,
    return
  }
  func.func @transform_0(%arg0: i32) -> (i32, i32, i32) {
    %c0_i32 = arith.constant 0 : i32
    %c0_i32_0 = arith.constant 0 : i32
    %c0_i32_1 = arith.constant 0 : i32
    return %arg0, %c0_i32, %c0_i32_0 : i32, i32, i32
  }
  func.func @transform_1(%arg0: i32) -> (i32, i32) {
    %c0_i32 = arith.constant 0 : i32
    %c0_i32_0 = arith.constant 0 : i32
    %c0_i32_1 = arith.constant 0 : i32
    return %c0_i32, %c0_i32_0 : i32, i32
  }
  func.func @transform_2(%arg0: i32) -> (i32, i32) {
    %c0_i32 = arith.constant 0 : i32
    %c0_i32_0 = arith.constant 0 : i32
    return %arg0, %c0_i32 : i32, i32
  }
  func.func @transform_3(%arg0: i32) -> (i32, i32) {
    %c0_i32 = arith.constant 0 : i32
    %c0_i32_0 = arith.constant 0 : i32
    return %arg0, %c0_i32 : i32, i32
  }
  func.func @transform_4(%arg0: i32) -> (i32, i32) {
    %c0_i32 = arith.constant 0 : i32
    %c0_i32_0 = arith.constant 0 : i32
    return %arg0, %c0_i32 : i32, i32
  }
}

</mosaic_0001>

<sc_bundles>
// kernel: kernel.4.cloned.1.call-start
scs
__scs_entry_jumppad:
0x0: {  	(pc) =	sbr.rel $0x88, $3  }
0x1: {  	(tag) =	ssettag $0x0;
	lr =	simm.s32 $0x1  }
0x2: {  	[smem:$0x3F9D] =	sst lr;
	_ =	strace $0xD0000000  }
0x3: {  	_ = 	snop  }
0x4: {  	_ = 	snop  }
0x5: {  	_ = 	snop  }
0x6: {  	_ = 	snop  }
0x7: {  	_ = 	snop  }
__scs_overlays_trampoline_lowered:
0x8: {  	[smem:$0x3FAC] =	sst s0  }
0x9: {  	[smem:$0x3FAD] =	sst s1  }
0xa: {  	[smem:$0x3FAE] =	sst s2  }
0xb: {  	[smem:$0x3FAF] =	sst s3  }
0xc: {  	[smem:$0x3FB0] =	sst s4  }
0xd: {  	[smem:$0x3FB1] =	sst s5  }
0xe: {  	[smem:$0x3FB2] =	sst s6  }
0xf: {  	[smem:$0x3FB3] =	sst s7  }
0x10: {  	[smem:$0x3FB4] =	sst s8  }
0x11: {  	[smem:$0x3FB5] =	sst s9;
	s0 =	simm.s32 @!p0 $0x0  }
0x12: {  	s1 =	sld [smem:$0x3F9B];
	s0 =	simm.s32 @p0 $0x1  }
0x13: {  	[smem:$0x3FB6] =	sst s0;
	s0 =	simm.s32 @!p1 $0x0  }
0x14: {  	s2 =	sld [smem:$0x3F9A];
	s0 =	simm.s32 @p1 $0x1  }
0x15: {  	[smem:$0x3FB7] =	sst s0;
	s0 =	simm.s32 @!p2 $0x0  }
0x16: {  	s3 =	sld [smem:$0x3FDB];
	s0 =	simm.s32 @p2 $0x1  }
0x17: {  	s4 =	simm.s32 $0x1BF5;
	[smem:$0x3FB9] =	sst s0  }
0x18: {  	s0 =	sld [smem:$0x3F9C];
	_ =	swait.ge [sflag:s4], $0x0  }
0x19: {  	s7 =	sld [smem:$0x3F9D]  }
0x1a: {  	s8 =	sadd.s32 $0xFFFFE003, lr  }
0x1b: {  	s9 =	sadd.s32 $0xFFFFFEF7, lr;
	s5 =	simm.s32 $0xFFFFFFFF;
	p2 =	slt.u32 s8, $0xFFFFF086  }
0x1c: {  	p1 =	slt.u32 s9, $0xF7A;
	s5 =	simm.s32 @!p2 $0x0  }
0x1d: {  	s5 =	simm.s32 @p1 $0x1;
	p0 =	seq.s32 s7, s2  }
0x1e: {  	s7 =	smul.u32 @!p0 $0xF7A, s2;
	p2 =	seq.s32 @!p0 s5, $0x0  }
0x1f: {  	s9 =	smul.u32 $0xF7A, s1;
	s8 =	simm.s32 @!p0 $0x1BF5;
	p2 =	por !p2, p0  }
0x20: {  	[sflag:s8] =	ssyncset.s32 @!p0 $0xFFFFF086;
	s6 =	sadd.s32 @!p0 s3, s7;
	s7 =	simm.s32 @!p0 $0x108  }
0x21: {  	s3 =	sadd.s32 s3, s9;
	s6 =	sadd.s32 @!p0 $0x88, s6;
	s7 =	simm.s32 @p2 $0x1082  }
0x22: {  	[simem:s7], [sflag:s8] =	dma.local @!p0 [hbm:s6], $0xF7A  }
0x23: {  	s9 =	sor.u32 $0xD0000000, s2;
	s6 =	simm.s32 $0x108;
	_ =	swait.ge @!p0 [sflag:s8], $0x0  }
0x24: {  	s3 =	sadd.s32 $0x88, s3;
	s6 =	simm.s32 @!p1 $0x1082;
	[sflag:s4] =	ssyncset.s32 $0xFFFFF086  }
0x25: {  	[simem:s6], [sflag:s4] =	dma.local [hbm:s3], $0xF7A  }
0x26: {  	[smem:$0x3F9D] =	sst s1;
	(tag) =	ssettag s2;
	_ =	strace s9  }
0x27: {  	s1 =	sld [smem:$0x3FAD]  }
0x28: {  	s2 =	sld [smem:$0x3FAE]  }
0x29: {  	s4 =	sld [smem:$0x3FB0]  }
0x2a: {  	p0 =	seq.s32 s5, $0x0;
	s5 =	sld [smem:$0x3FB1]  }
0x2b: {  	s6 =	sld [smem:$0x3FB2]  }
0x2c: {  	s7 =	sld [smem:$0x3FB3]  }
0x2d: {  	s3 =	simm.s32 $0x108;
	s8 =	sld [smem:$0x3FB4]  }
0x2e: {  	s3 =	simm.s32 @!p0 $0x1082;
	s9 =	sld [smem:$0x3FB5]  }
0x2f: {  	lr =	sadd.s32 s0, s3;
	s0 =	sld [smem:$0x3FAC]  }
0x30: {  	s3 =	sld [smem:$0x3FAF]  }
0x31: {  	[smem:$0x3FB8] =	sst s10  }
0x32: {  	s10 =	sld [smem:$0x3FB6];
	_ =	sdelay $0x3  }
0x33: {  	p0 =	seq.s32 s10, $0x1;
	s10 =	sld [smem:$0x3FB8];
	_ =	sdelay $0x3  }
0x34: {  	[smem:$0x3FB8] =	sst s10  }
0x35: {  	s10 =	sld [smem:$0x3FB7];
	_ =	sdelay $0x3  }
0x36: {  	p1 =	seq.s32 s10, $0x1;
	s10 =	sld [smem:$0x3FB8];
	_ =	sdelay $0x3  }
0x37: {  	[smem:$0x3FB8] =	sst s10  }
0x38: {  	s10 =	sld [smem:$0x3FB9]  }
0x39: {  	_ = 	snop;
	(pc) =	sbr.ind lr, $3  }
0x3a: {  	_ = 	snop  }
0x3b: {  	_ = 	snop  }
0x3c: {  	p2 =	seq.s32 s10, $0x1;
	s10 =	sld [smem:$0x3FB8]  }
0x3d: {  	_ =	shalt  }
0x3e: {  	_ =	shalt  }
0x3f: {  	_ =	shalt  }
0x40: {  	_ =	shalt  }
0x41: {  	_ =	shalt  }
0x42: {  	_ =	shalt  }
0x43: {  	_ =	shalt  }
0x44: {  	_ =	shalt  }
0x45: {  	_ =	shalt  }
0x46: {  	_ =	shalt  }
0x47: {  	_ =	shalt  }
0x48: {  	_ =	shalt  }
0x49: {  	_ =	shalt  }
0x4a: {  	_ =	shalt  }
0x4b: {  	_ =	shalt  }
0x4c: {  	_ =	shalt  }
0x4d: {  	_ =	shalt  }
0x4e: {  	_ =	shalt  }
0x4f: {  	_ =	shalt  }
0x50: {  	_ =	shalt  }
0x51: {  	_ =	shalt  }
0x52: {  	_ =	shalt  }
0x53: {  	_ =	shalt  }
0x54: {  	_ =	shalt  }
0x55: {  	_ =	shalt  }
0x56: {  	_ =	shalt  }
0x57: {  	_ =	shalt  }
0x58: {  	_ =	shalt  }
0x59: {  	_ =	shalt  }
0x5a: {  	_ =	shalt  }
0x5b: {  	_ =	shalt  }
0x5c: {  	_ =	shalt  }
0x5d: {  	_ =	shalt  }
0x5e: {  	_ =	shalt  }
0x5f: {  	_ =	shalt  }
0x60: {  	_ =	shalt  }
0x61: {  	_ =	shalt  }
0x62: {  	_ =	shalt  }
0x63: {  	_ =	shalt  }
0x64: {  	_ =	shalt  }
0x65: {  	_ =	shalt  }
0x66: {  	_ =	shalt  }
0x67: {  	_ =	shalt  }
0x68: {  	_ =	shalt  }
0x69: {  	_ =	shalt  }
0x6a: {  	_ =	shalt  }
0x6b: {  	_ =	shalt  }
0x6c: {  	_ =	shalt  }
0x6d: {  	_ =	shalt  }
0x6e: {  	_ =	shalt  }
0x6f: {  	_ =	shalt  }
0x70: {  	_ =	shalt  }
0x71: {  	_ =	shalt  }
0x72: {  	_ =	shalt  }
0x73: {  	_ =	shalt  }
0x74: {  	_ =	shalt  }
0x75: {  	_ =	shalt  }
0x76: {  	_ =	shalt  }
0x77: {  	_ =	shalt  }
0x78: {  	_ =	shalt  }
0x79: {  	_ =	shalt  }
0x7a: {  	_ =	shalt  }
0x7b: {  	_ =	shalt  }
0x7c: {  	_ =	shalt  }
0x7d: {  	_ =	shalt  }
0x7e: {  	_ =	shalt  }
0x7f: {  	_ =	shalt  }
0x80: {  	_ =	shalt  }
0x81: {  	_ =	shalt  }
0x82: {  	_ =	shalt  }
0x83: {  	_ =	shalt  }
0x84: {  	_ =	shalt  }
0x85: {  	_ =	shalt  }
0x86: {  	_ =	shalt  }
0x87: {  	_ =	shalt  }
.Lfunc_end0:
.L_simem_size_0:
called_computation_lowered:
.L_overlay_start_0:
0x88: {  	s2 =	sld [smem:$0x3FD9]  }
0x89: {  	s3 =	sld [smem:$0x3FFE];
	_ =	sdelay $0x1  }
0x8a: {  	s1 =	srdreg.scid  }
0x8b: {  	s0 =	sand.u32 $0x1, s1  }
0x8c: {  	s17 =	sshll.u32 s0, $0xA;
	s2 =	sadd.s32 s3, s2  }
0x8d: {  	s2 =	sadd.s32 s2, s17  }
0x8e: {  	[smem:$0x3FC4] =	sst s2  }
0x8f: {  	_ = 	snop  }
0x90: {  	s2 =	sld [smem:$0x3FC9]  }
0x91: {  	s18 =	sld [smem:$0x3FC8]  }
0x92: {  	s4 =	sld [smem:$0x3FC7];
	(tm) =	ssettm $0x1  }
0x93: {  	s5 =	sld [smem:$0x3FFB];
	_ =	sdelay $0x3  }
0x94: {  	_ =	strace s5  }
0x95: {  	s5 =	sld [smem:$0x3FFC];
	_ =	sdelay $0x3  }
0x96: {  	_ =	strace s5  }
0x97: {  	s5 =	sld [smem:$0x3FFD];
	_ =	sdelay $0x3  }
0x98: {  	_ =	strace s5  }
0x99: {  	_ =	strace $0x8FFFFFFF  }
0x9a: {  	s19 =	sld [smem:$0x3FDB];
	_ =	sdelay $0x1  }
0x9b: {  	s6 =	simm.s32 $_scs_section_size  }
0x9c: {  	s7 =	simm.s32 $_size__tile_overlayer_lowered;
	s8 =	simm.s32 $_tile_overlayer_lowered  }
0x9d: {  	s22 =	simm.s32 $0x1BFF;
	s21 =	sshll.u32 s8, $0x1;
	s5 =	sadd.s32 s6, s19  }
0x9e: {  	s9 =	simm.s32 $0x0;
	s20 =	sshll.u32 s7, $0x1;
	s7 =	sadd.s32 s21, s5  }
0x9f: {  	[timem:s9], [sflag:s22] =	dma.local [hbm:s7], s20  }
0xa0: {  	_ =	swait.ge [sflag:s22], s20  }
0xa1: {  	s6 =	ssub.s32 $0x0, s20;
	[sflag:s22] =	ssyncset.done $0x0  }
0xa2: {  	[sflag:s22] =	ssyncadd.s32 s6;
	_ =	sdelay $0x1  }
0xa3: {  	s23 =	simm.s32 $0x1B8B  }
0xa4: {  	_ =	swait.ge [sflag:s23], $0x1  }
0xa5: {  	[sflag:s23] =	ssyncset.done $0x0  }
0xa6: {  	s25 =	simm.s32 $0x1B8E;
	s24 =	sld [smem:$0x3FFE];
	[sflag:s23] =	ssyncadd.s32 $0xFFFFFFFF  }
0xa7: {  	s26 =	simm.s32 $execute0_lowered;
	[smem:$0x3FD2] =	sst s25  }
0xa8: {  	s7 =	sshll.u32 s26, $0x1;
	_ =	strace $0x80000046;
	[dreg:$0x1] =	wrdreg $0xFFFFFFFF  }
0xa9: {  	s28 =	simm.s32 $_size_execute0_lowered;
	s5 =	sadd.s32 s5, s7;
	[dreg:$0x0] =	wrdreg $0x0  }
0xaa: {  	s7 =	sshll.u32 s28, $0x1;
	[dreg:$0x2] =	wrdreg s5  }
0xab: {  	[dreg:$0x3] =	wrdreg s7  }
0xac: {  	[dreg:$0x4] =	wrdreg $0xC0  }
0xad: {  	_ =	task [dreg:s9], $0x5FFFF  }
0xae: {  	[dreg:$0x1] =	wrdreg $0xFFFFFFFF  }
0xaf: {  	[dreg:$0x0] =	wrdreg $0x60  }
0xb0: {  	[dreg:$0x2] =	wrdreg s2  }
0xb1: {  	[dreg:$0x3] =	wrdreg s18  }
0xb2: {  	[dreg:$0x4] =	wrdreg s4  }
0xb3: {  	[dreg:$0x5] =	wrdreg s24  }
0xb4: {  	[dreg:$0x6] =	wrdreg $0x9  }
0xb5: {  	_ =	task.clear_ibuf [dreg:s9], $0x7FFFF;
	_ =	strace $0x90000046  }
0xb6: {  	s29 =	simm.s32 $0x9;
	_ =	strace $0x80000048  }
0xb7: {  	_ =	swait.ge [sflag:s29], $0x1  }
0xb8: {  	[sflag:s29] =	ssyncadd.s32 $0xFFFFFFFF  }
0xb9: {  	_ =	strace $0x90000048  }
0xba: {  	_ =	sfence  }
0xbb: {  	s30 =	sld [smem:$0x0];
	_ =	sdelay $0x2  }
0xbc: {  	s31 =	sshll.u32 s1, $0xD;
	s1 =	sshrl.u32 s1, $0x2  }
0xbd: {  	s3 =	sand.u32 $0x4000, s31;
	s1 =	sadd.s32 s1, s30  }
0xbe: {  	s0 =	sor.u32 s3, s0;
	s1 =	sshll.u32 s1, $0x11  }
0xbf: {  	s0 =	sor.u32 s1, s0  }
0xc0: {  	s0 =	sadd.s32 $0x8F2B, s0  }
0xc1: {  	[sflag:s0] =	ssyncadd.remote.s32 $0x1  }
0xc2: {  	_ =	sfence.sel $0xFFFF  }
0xc3: {  	[dreg:$0x0] =	wrdreg $0xFFFFFFFF;
	(pc) =	sbr.abs _section_cstart, $3  }
0xc4: {  	[dreg:$0x1] =	wrdreg $0xFFFFFFFF  }
0xc5: {  	_ =	task.clear_ibuf [dreg:s9], $0x2FFFF;
	_ =	strace $0x9FFFFFFF  }
0xc6: {  	(tm) =	ssettm $0x7FFFFFFF  }
0xc7: {  	_ =	shalt  }
tec
execute0_lowered:
.L_overlay_start_1:
0x0: {  	(tag) =	ssettag $0x1  }
0x1: {  	s1 =	rddreg [dreg:$0x0]  }
0x2: {  	s2 =	rddreg [dreg:$0x1]  }
0x3: {  	s3 =	rddreg [dreg:$0x2]  }
0x4: {  	s0 =	rddreg [dreg:$0x3]  }
0x5: {  	s5 =	simm.s32 $0x0;
	s4 =	srdreg.scid;
	s7 =	stileid.u32  }
0x6: {  	s16 =	simm.s32 $0x4;
	s17 =	simm.s32 $0x3;
	s18 =	simm.s32 $0x5  }
0x7: {  	s23 =	simm.s32 $0x1;
	s28 =	simm.s32 $0x0;
	[smem:$0x7FF] =	sst s5  }
0x8: {  	s4 =	sand.u32 $0x1, s4;
	s6 =	sadd.s32 $0x400, s0;
	s9 =	sshll.u32 s7, $0x1  }
0x9: {  	s7 =	sadd.s32 $0x2400, s0;
	s8 =	ssub.s32 $0x2, s4;
	s4 =	sor.u32 s4, s9  }
0xa: {  	_ =	strace $0x80000047;
	s24 =	sshrl.u32 s8, $0x1;
	s25 =	ssub.s32 $0x533, s4  }
0xb: {  	s9 =	sadd.s32 $0x4B0, s4;
	s13 =	sshll.u32 s4, $0x6;
	s0 =	ssub.s32 s8, s24  }
0xc: {  	s8 =	sshrl.u32 s25, $0x5;
	s10 =	sshll.u32 s9, $0x3;
	s11 =	sshll.u32 s9, $0xB  }
0xd: {  	s12 =	sshll.u32 s9, $0x6;
	s24 =	simm.s32 $0x14100;
	s25 =	simm.s32 $0x2  }
.Ltmp0:
0xe: {  	s10 =	sadd.s32 s3, s10;
	s26 =	sadd.s32 s1, s11;
	(pc) =	sbr.rel .LBB2_1-.Ltmp0, $4  }
0xf: {  	s29 =	sadd.s32 s2, s11;
	s30 =	sand.u32 $0x1, s8;
	[dreg:$0x5] =	wrdreg s10  }
0x10: {  	s31 =	sadd.s32 $0x1, s8;
	s15 =	smax.u32 s0, $0x1;
	[dreg:$0x6] =	wrdreg s26  }
0x11: {  	[dreg:$0x7] =	wrdreg s29;
	p0 =	seq.s32 s30, $0x1;
	s14 =	sshrl.u32 s31, $0x1  }
0x12: {  	s26 =	simm.s32 $0x14180;
	s16 =	simm.s32 @!p0 $0x3;
	s17 =	simm.s32 @!p0 $0x4  }
.LBB2_11:
0x13: {  	s28 =	sadd.s32 $0x1, s28  }
0x14: {  	_ =	swait.ge [sflag:s16], $0x40;
	p0 =	sne.s32 s28, s15  }
.Ltmp1:
0x15: {  	[sflag:s16] =	ssyncset.done $0x0;
	(pc) =	sbr.rel @!p0 .LBB2_12-.Ltmp1, $4  }
0x16: {  	[sflag:s16] =	ssyncadd.s32 $0xFFFFFFC0  }
0x17: {  	_ =	swait.ge [sflag:s17], $0x40  }
0x18: {  	[sflag:s17] =	ssyncset.done $0x0  }
0x19: {  	[sflag:s17] =	ssyncadd.s32 $0xFFFFFFC0  }
.LBB2_1:
0x1a: {  	s0 =	rddreg [dreg:$0x5]  }
0x1b: {  	[tilespmem:s5], [sflag:$0x5] =	stream.linear.gather [hbm4b:s0+s5], $0x40, $0x38;
	[tilespmem:$0x14200] =	vst v63  }
0x1c: {  	_ =	swait.ge [sflag:s18], $0x40  }
0x1d: {  	[sflag:s18] =	ssyncset.done $0x0  }
0x1e: {  	s20 =	simm.s32 $0x40;
	s4 =	simm.s32 $0x100;
	[sflag:s18] =	ssyncadd.s32 $0xFFFFFFC0  }
0x1f: {  	[tilespmem:s4], [sflag:$0x1] =	stream.indirect.gather [hbm4b:s6+s20], $0x80, s5, s20, $0xb8;
	[tilespmem:$0x14200] =	vst v63  }
.Ltmp2:
0x20: {  	_ = 	snop;
	(pc) =	sbr.rel .LBB2_2-.Ltmp2, $4  }
0x21: {  	s22 =	simm.s32 $0x4100;
	s21 =	rddreg [dreg:$0x6]  }
0x22: {  	[tilespmem:s22], [sflag:$0x1] =	stream.linear.gather [hbm4b:s21+s5], $0x4000, $0x38;
	[tilespmem:$0x14200] =	vst v63  }
0x23: {  	s31 =	simm.s32 $0xC100;
	s29 =	simm.s32 $0x0;
	s30 =	rddreg [dreg:$0x7]  }
0x24: {  	[tilespmem:s31], [sflag:$0x1] =	stream.linear.gather [hbm4b:s30+s5], $0x4000, $0x38;
	[tilespmem:$0x14200] =	vst v63  }
.LBB2_10:
0x25: {  	s29 =	sadd.s32 $0x1, s29  }
0x26: {  	p0 =	sne.s32 s29, s14  }
.Ltmp3:
0x27: {  	_ = 	snop;
	(pc) =	sbr.rel @!p0 .LBB2_11-.Ltmp3, $1  }
0x28: {  	_ =	sdelay $0x3  }
.LBB2_2:
0x29: {  	s31 =	sshll.u32 s29, $0x1  }
0x2a: {  	p1 =	sge.u32 s31, s8  }
.Ltmp4:
0x2b: {  	_ = 	snop;
	(pc) =	sbr.rel @p1 .LBB2_6-.Ltmp4, $3  }
0x2c: {  	_ =	sdelay $0x1  }
0x2d: {  	s30 =	sshllo.u32 s29, $0x1  }
0x2e: {  	p0 =	sge.u32 s30, s8  }
0x2f: {  	s0 =	sshll.u32 @!p0 s30, $0xB  }
0x30: {  	s0 =	sadd.s32 @!p0 s12, s0  }
0x31: {  	s4 =	sshrl.u32 @!p0 s0, $0x3  }
0x32: {  	s9 =	simm.s32 @!p0 $0x0;
	s10 =	simm.s32 @!p0 $0x80;
	s4 =	sadd.s32 @!p0 s3, s4  }
0x33: {  	[tilespmem:s10], [sflag:$0x5] =	stream.linear.gather @!p0 [hbm4b:s4+s9], $0x40, $0x38;
	[tilespmem:$0x14200] =	vst v63  }
0x34: {  	s4 =	simm.s32 @!p0 $0x5  }
0x35: {  	_ =	swait.ge @!p0 [sflag:s4], $0x40  }
0x36: {  	s19 =	simm.s32 @!p0 $0x2100;
	[sflag:s4] =	ssyncset.done @!p0 $0x0  }
0x37: {  	s0 =	sshll.u32 @!p0 s0, $0x5;
	[sflag:s4] =	ssyncadd.s32 @!p0 $0xFFFFFFC0;
	s4 =	simm.s32 @!p0 $0x40  }
0x38: {  	[tilespmem:s19], [sflag:$0x2] =	stream.indirect.gather @!p0 [hbm4b:s6+s4], $0x80, s10, s4, $0xb8;
	[tilespmem:$0x14200] =	vst v63  }
0x39: {  	s4 =	sadd.s32 @!p0 s1, s0;
	s10 =	simm.s32 @!p0 $0x8100  }
0x3a: {  	[tilespmem:s10], [sflag:$0x2] =	stream.linear.gather @!p0 [hbm4b:s4+s9], $0x4000, $0x38;
	[tilespmem:$0x14200] =	vst v63  }
0x3b: {  	s0 =	sadd.s32 @!p0 s2, s0;
	s4 =	simm.s32 @!p0 $0x10100  }
0x3c: {  	[tilespmem:s4], [sflag:$0x2] =	stream.linear.gather @!p0 [hbm4b:s0+s9], $0x4000, $0x38;
	[tilespmem:$0x14200] =	vst v63  }
0x3d: {  	_ =	swait.ge [sflag:s23], $0x2000  }
0x3e: {  	[sflag:s23] =	ssyncset.done $0x0  }
0x3f: {  	[sflag:s23] =	ssyncadd.s32 $0xFFFFE000  }
0x40: {  	_ =	swait.ge [sflag:s23], $0x4000  }
0x41: {  	[sflag:s23] =	ssyncset.done $0x0  }
0x42: {  	[sflag:s23] =	ssyncadd.s32 $0xFFFFC000  }
0x43: {  	_ =	swait.ge [sflag:s23], $0x4000  }
0x44: {  	p1 =	seq.s32 s29, $0x0;
	[sflag:s23] =	ssyncset.done $0x0  }
0x45: {  	s0 =	simm.s32 @!p1 $0x3;
	[sflag:s23] =	ssyncadd.s32 $0xFFFFC000  }
0x46: {  	_ =	swait.ge @!p1 [sflag:s0], $0x40  }
0x47: {  	[sflag:s0] =	ssyncset.done @!p1 $0x0  }
0x48: {  	s11 =	simm.s32 $0x180;
	[sflag:s0] =	ssyncadd.s32 @!p1 $0xFFFFFFC0  }
0x49: {  	v0 =	vld [tilespmem:s11+$0xFFFFFFF0]  }
0x4a: {  	v1 =	vld [tilespmem:s11+$0xFFFFFFE0]  }
0x4b: {  	v2 =	vld [tilespmem:s11+$0xFFFFFFD0]  }
0x4c: {  	v3 =	vld [tilespmem:s11+$0xFFFFFFC0]  }
0x4d: {  	v4 =	vld [tilespmem:s11+$0xFFFFFFB0]  }
0x4e: {  	v5 =	vld [tilespmem:s11+$0xFFFFFFA0]  }
0x4f: {  	v6 =	vld [tilespmem:s11+$0xFFFFFF90]  }
0x50: {  	v7 =	vld [tilespmem:s11+$0xFFFFFF80]  }
0x51: {  	v41 =	vld [tilespmem:s11+$0x0]  }
0x52: {  	v46 =	vld [tilespmem:s11+$0x10]  }
0x53: {  	v51 =	vld [tilespmem:s11+$0x20]  }
0x54: {  	s19 =	simm.s32 $0x0;
	s0 =	simm.s32 $0x0;
	v58 =	vld [tilespmem:s11+$0x40]  }
0x55: {  	s9 =	sand.u32 $0x300, s19;
	s20 =	sand.u32 $0x3800, s0;
	v61 =	vld [tilespmem:s11+$0x50]  }
0x56: {  	v62 =	vld [tilespmem:s11+$0x70];
	s21 =	sor.u32 s9, s20  }
0x57: {  	v8 =	vld [tilespmem:s21+$0x4100]  }
0x58: {  	v9 =	vld [tilespmem:s21+$0xC100]  }
0x59: {  	v10 =	vld [tilespmem:s21+$0x4110]  }
0x5a: {  	v11 =	vld [tilespmem:s21+$0xC110]  }
0x5b: {  	v12 =	vld [tilespmem:s21+$0x4120]  }
0x5c: {  	v13 =	vld [tilespmem:s21+$0xC120]  }
0x5d: {  	v14 =	vld [tilespmem:s21+$0x4130]  }
0x5e: {  	v15 =	vld [tilespmem:s21+$0xC130]  }
0x5f: {  	v16 =	vld [tilespmem:s21+$0x4140]  }
0x60: {  	v17 =	vld [tilespmem:s21+$0xC140]  }
0x61: {  	v18 =	vld [tilespmem:s21+$0x4150]  }
0x62: {  	v19 =	vld [tilespmem:s21+$0xC150]  }
0x63: {  	v20 =	vld [tilespmem:s21+$0x4160]  }
0x64: {  	v21 =	vld [tilespmem:s21+$0xC160]  }
0x65: {  	v22 =	vld [tilespmem:s21+$0x4170];
	v27 =	vunpack.i.l.bf16.f32 v7  }
0x66: {  	v23 =	vld [tilespmem:s21+$0xC170];
	v8 =	vmul.f32 v8, v27  }
0x67: {  	v24 =	vld [tilespmem:s21+$0x4500];
	v7 =	vunpack.i.u.bf16.f32 v7  }
0x68: {  	v25 =	vld [tilespmem:s21+$0xC500];
	v7 =	vmul.f32 v10, v7;
	v8 =	vmul.f32 v9, v8  }
0x69: {  	v26 =	vld [tilespmem:s21+$0x4510];
	v10 =	vunpack.i.l.bf16.f32 v6  }
0x6a: {  	v28 =	vld [tilespmem:s21+$0xC510];
	v10 =	vmul.f32 v12, v10;
	v7 =	vmul.f32 v11, v7;
	v8 =	vadd.f32 $0.0e+00, v8  }
0x6b: {  	v34 =	vld [tilespmem:s21+$0x4520];
	v6 =	vunpack.i.u.bf16.f32 v6  }
0x6c: {  	v29 =	vld [tilespmem:s21+$0xC520];
	v6 =	vmul.f32 v14, v6;
	v7 =	vadd.f32 v7, v8;
	v8 =	vmul.f32 v13, v10  }
0x6d: {  	v30 =	vld [tilespmem:s21+$0xC530];
	v36 =	vunpack.i.l.bf16.f32 v5  }
0x6e: {  	v35 =	vld [tilespmem:s21+$0xC540];
	v6 =	vmul.f32 v15, v6;
	v7 =	vadd.f32 v8, v7;
	v8 =	vmul.f32 v16, v36  }
0x6f: {  	v37 =	vld [tilespmem:s21+$0xC550];
	v5 =	vunpack.i.u.bf16.f32 v5  }
0x70: {  	s22 =	simm.s32 $0x80;
	v38 =	vld [tilespmem:s21+$0x4560];
	v5 =	vmul.f32 v18, v5;
	v6 =	vadd.f32 v6, v7;
	v7 =	vmul.f32 v17, v8  }
0x71: {  	s9 =	sand.u32 $0x380, s22;
	v39 =	vld [tilespmem:s21+$0xC560];
	v40 =	vunpack.i.l.bf16.f32 v4  }
0x72: {  	s9 =	sor.u32 s20, s9;
	v42 =	vld [tilespmem:s21+$0xC570];
	v5 =	vmul.f32 v19, v5;
	v6 =	vadd.f32 v7, v6;
	v7 =	vmul.f32 v20, v40  }
0x73: {  	v43 =	vld [tilespmem:s9+$0x4100];
	v4 =	vunpack.i.u.bf16.f32 v4  }
0x74: {  	v45 =	vld [tilespmem:s9+$0x4110];
	v4 =	vmul.f32 v22, v4;
	v5 =	vadd.f32 v5, v6;
	v6 =	vmul.f32 v21, v7  }
0x75: {  	v47 =	vld [tilespmem:s9+$0xC110];
	v44 =	vunpack.i.l.bf16.f32 v3  }
0x76: {  	v9 =	vld [tilespmem:s21+$0x4530];
	v4 =	vmul.f32 v23, v4;
	v5 =	vadd.f32 v6, v5;
	v6 =	vmul.f32 v24, v44  }
0x77: {  	v49 =	vld [tilespmem:s9+$0xC120];
	v3 =	vunpack.i.u.bf16.f32 v3  }
0x78: {  	v50 =	vld [tilespmem:s9+$0x4130];
	v3 =	vmul.f32 v26, v3;
	v4 =	vadd.f32 v4, v5;
	v5 =	vmul.f32 v25, v6  }
0x79: {  	v52 =	vld [tilespmem:s9+$0x4140];
	v48 =	vunpack.i.l.bf16.f32 v2;
	v2 =	vunpack.i.u.bf16.f32 v2  }
0x7a: {  	v3 =	vmul.f32 v28, v3;
	v7 =	vld [tilespmem:s9+$0xC100];
	v4 =	vadd.f32 v5, v4;
	v5 =	vmul.f32 v34, v48  }
0x7b: {  	v11 =	vld [tilespmem:s21+$0x4540];
	v2 =	vmul.f32 v9, v2  }
0x7c: {  	v9 =	vunpack.i.l.bf16.f32 v41;
	v6 =	vld [tilespmem:s9+$0x4120];
	v3 =	vadd.f32 v3, v4;
	v4 =	vmul.f32 v29, v5  }
0x7d: {  	v54 =	vunpack.i.l.bf16.f32 v1;
	v10 =	vld [tilespmem:s21+$0x4550];
	v9 =	vmul.f32 v43, v9  }
0x7e: {  	v53 =	vld [tilespmem:s9+$0xC140];
	v2 =	vmul.f32 v30, v2;
	v3 =	vadd.f32 v4, v3;
	v4 =	vunpack.i.u.bf16.f32 v41  }
0x7f: {  	v55 =	vld [tilespmem:s9+$0x4150];
	v1 =	vunpack.i.u.bf16.f32 v1;
	v7 =	vmul.f32 v7, v9;
	v4 =	vmul.f32 v45, v4  }
0x80: {  	v56 =	vld [tilespmem:s9+$0xC150];
	v11 =	vmul.f32 v11, v54;
	v2 =	vadd.f32 v2, v3;
	v3 =	vunpack.i.l.bf16.f32 v46  }
0x81: {  	v7 =	vadd.f32 $0.0e+00, v7;
	v5 =	vld [tilespmem:s9+$0xC130];
	v4 =	vmul.f32 v47, v4;
	v3 =	vmul.f32 v6, v3  }
0x82: {  	v57 =	vld [tilespmem:s9+$0xC160];
	v11 =	vmul.f32 v35, v11;
	v1 =	vmul.f32 v10, v1  }
0x83: {  	v8 =	vld [tilespmem:s21+$0x4570];
	v10 =	vunpack.i.u.bf16.f32 v46;
	v4 =	vadd.f32 v4, v7;
	v3 =	vmul.f32 v49, v3  }
0x84: {  	v1 =	vmul.f32 v37, v1;
	v9 =	vld [tilespmem:s11+$0x30];
	v2 =	vadd.f32 v11, v2;
	v7 =	vmul.f32 v50, v10  }
0x85: {  	v6 =	vld [tilespmem:s9+$0x4160];
	v11 =	vunpack.i.l.bf16.f32 v0;
	v3 =	vadd.f32 v3, v4;
	v4 =	vunpack.i.l.bf16.f32 v51  }
0x86: {  	v59 =	vld [tilespmem:s9+$0x4500];
	v0 =	vunpack.i.u.bf16.f32 v0;
	v5 =	vmul.f32 v5, v7;
	v4 =	vmul.f32 v52, v4  }
0x87: {  	v10 =	vld [tilespmem:s9+$0x4170];
	v11 =	vmul.f32 v38, v11;
	v1 =	vadd.f32 v1, v2;
	v2 =	vunpack.i.u.bf16.f32 v51  }
0x88: {  	v60 =	vld [tilespmem:s9+$0x4510];
	v2 =	vmul.f32 v55, v2;
	v3 =	vadd.f32 v5, v3;
	v4 =	vmul.f32 v53, v4  }
0x89: {  	v0 =	vmul.f32 v8, v0;
	v8 =	vunpack.i.l.bf16.f32 v9;
	v7 =	vld [tilespmem:s9+$0xC170];
	v11 =	vmul.f32 v39, v11  }
0x8a: {  	v5 =	vld [tilespmem:s9+$0xC500];
	v2 =	vmul.f32 v56, v2;
	v3 =	vadd.f32 v4, v3;
	v4 =	vmul.f32 v6, v8  }
0x8b: {  	v0 =	vmul.f32 v42, v0;
	v1 =	vadd.f32 v11, v1;
	v11 =	vld [tilespmem:s9+$0xC530];
	v8 =	vunpack.i.u.bf16.f32 v9  }
0x8c: {  	v6 =	vld [tilespmem:s9+$0xC510];
	v2 =	vadd.f32 v2, v3;
	v3 =	vmul.f32 v57, v4;
	v4 =	vmul.f32 v10, v8  }
0x8d: {  	v0 =	vadd.f32 v0, v1;
	v1 =	vunpack.i.l.bf16.f32 v58;
	v9 =	vld [tilespmem:s9+$0x4520]  }
0x8e: {  	v1 =	vmul.f32 v59, v1;
	v8 =	vld [tilespmem:s9+$0xC520];
	v2 =	vadd.f32 v3, v2;
	v3 =	vmul.f32 v7, v4  }
0x8f: {  	v10 =	vld [tilespmem:s9+$0x4530];
	v7 =	vunpack.i.u.bf16.f32 v58  }
0x90: {  	(xrf2) =	vadd.scan.msk.f32 $0xffff, v0;
	v1 =	vmul.f32 v5, v1;
	v4 =	vld [tilespmem:s11+$0x60];
	v0 =	vadd.f32 v3, v2;
	v2 =	vmul.f32 v60, v7  }
0x91: {  	v5 =	vunpack.i.l.bf16.f32 v61;
	v3 =	vld [tilespmem:s9+$0x4540]  }
0x92: {  	v7 =	vld [tilespmem:s9+$0xC540];
	v0 =	vadd.f32 v1, v0;
	v1 =	vmul.f32 v6, v2;
	v2 =	vmul.f32 v9, v5  }
0x93: {  	v5 =	vld [tilespmem:s9+$0x4550];
	v6 =	vmov s0;
	v9 =	vunpack.i.u.bf16.f32 v61  }
0x94: {  	v0 =	vadd.f32 v1, v0;
	v1 =	vmul.f32 v8, v2;
	v2 =	vmul.f32 v10, v9;
	v8 =	vld [tilespmem:s9+$0xC550]  }
0x95: {  	v6 =	vand.u32 $0xFFFFFFFE, v6;
	v9 =	vunpack.i.l.bf16.f32 v4;
	v10 =	vld [tilespmem:s9+$0x4560]  }
0x96: {  	v0 =	vadd.f32 v1, v0;
	v1 =	vmul.f32 v11, v2;
	v2 =	vmul.f32 v3, v9;
	v9 =	vld [tilespmem:s9+$0xC560]  }
0x97: {  	v11 =	vbroadcast v6, $0x0;
	v3 =	vunpack.i.u.bf16.f32 v4;
	v4 =	vld [tilespmem:s9+$0x4570]  }
0x98: {  	s19 =	simm.s32 $0x280;
	v3 =	vmul.f32 v5, v3;
	v5 =	vld [tilespmem:s9+$0xC570];
	v1 =	vadd.f32 v1, v0;
	v2 =	vmul.f32 v7, v2  }
0x99: {  	v6 =	vunpack.i.l.bf16.f32 v62;
	v0 =	vld [tilespmem:s19+$0xFFFFFFF0]  }
0x9a: {  	v7, _, _ =	vpop (xrf2);
	v3 =	vmul.f32 v8, v3;
	v6 =	vmul.f32 v10, v6;
	v63 =	vadd.f32 v2, v1;
	v1 =	vld [tilespmem:s19+$0xFFFFFFE0]  }
0x9b: {  	v7 =	vbroadcast v7, $0xF;
	v8 =	vunpack.i.u.bf16.f32 v62;
	v2 =	vld [tilespmem:s19+$0xFFFFFFD0]  }
0x9c: {  	v9 =	vmul.f32 v9, v6;
	v8 =	vmul.f32 v4, v8;
	v6 =	vld [tilespmem:s19+$0xFFFFFFB0];
	v10 =	vadd.f32 v3, v63  }
0x9d: {  	s4 =	simm.s32 $0x2;
	s22 =	simm.s32 $0x200;
	v3 =	vld [tilespmem:s19+$0xFFFFFFC0]  }
0x9e: {  	s20 =	simm.s32 $0x180;
	s21 =	simm.s32 $0x4;
	s9 =	simm.s32 $0x100;
	[tilespmem:v11+s24+$0x0] =	vst.idx.msk $0x1, v7;
	v11 =	vld [tilespmem:s19+$0xFFFFFFA0];
	v5 =	vmul.f32 v5, v8;
	v4 =	vadd.f32 v9, v10  }
.LBB2_4:
0x9f: {  	p1 =	slt.u32 s21, $0x3E;
	s11 =	sand.u32 $0x3800, s22;
	s9 =	sand.u32 $0x300, s9;
	v7 =	vld [tilespmem:s19+$0xFFFFFF90]  }
0xa0: {  	v8 =	vld [tilespmem:s19+$0xFFFFFF80];
	s10 =	sor.u32 s9, s11;
	s9 =	sand.u32 $0x380, s20;
	v4 =	vadd.f32 v5, v4  }
0xa1: {  	v5 =	vld [tilespmem:s10+$0x4100];
	s9 =	sor.u32 s11, s9  }
0xa2: {  	v9 =	vld [tilespmem:s10+$0xC100];
	(xrf2) =	vadd.scan.msk.f32 $0xffff, v4  }
0xa3: {  	v4 =	vld [tilespmem:s10+$0x4110]  }
0xa4: {  	v10 =	vld [tilespmem:s10+$0xC110]  }
0xa5: {  	v12 =	vunpack.i.l.bf16.f32 v8;
	v13 =	vld [tilespmem:s10+$0x4120]  }
0xa6: {  	v5 =	vmul.f32 v5, v12;
	v12 =	vld [tilespmem:s10+$0xC120]  }
0xa7: {  	v8 =	vunpack.i.u.bf16.f32 v8;
	v14 =	vld [tilespmem:s10+$0x4130]  }
0xa8: {  	s11 =	sadd.s32 $0x1, s0;
	s0 =	smov.u32 s4;
	s4 =	smov.u32 s21;
	v5 =	vmul.f32 v9, v5;
	v4 =	vmul.f32 v4, v8;
	v8 =	vld [tilespmem:s10+$0xC130]  }
0xa9: {  	v16 =	vmov s11;
	v9 =	vunpack.i.l.bf16.f32 v7;
	v15 =	vld [tilespmem:s10+$0x4140]  }
0xaa: {  	v5 =	vadd.f32 $0.0e+00, v5;
	v4 =	vmul.f32 v10, v4;
	v9 =	vmul.f32 v13, v9;
	v10 =	vld [tilespmem:s10+$0xC140]  }
0xab: {  	v7 =	vunpack.i.u.bf16.f32 v7;
	v13 =	vld [tilespmem:s10+$0x4150]  }
0xac: {  	v4 =	vadd.f32 v4, v5;
	v5 =	vmul.f32 v12, v9;
	v7 =	vmul.f32 v14, v7;
	v9 =	vld [tilespmem:s10+$0xC150];
	v12, _, _ =	vpop (xrf2)  }
0xad: {  	v14 =	vunpack.i.l.bf16.f32 v11;
	v17 =	vld [tilespmem:s10+$0x4160];
	v12 =	vbroadcast v12, $0xF  }
0xae: {  	v4 =	vadd.f32 v5, v4;
	v5 =	vmul.f32 v8, v7;
	v7 =	vmul.f32 v15, v14;
	v8 =	vld [tilespmem:s10+$0xC160]  }
0xaf: {  	v11 =	vunpack.i.u.bf16.f32 v11;
	v14 =	vld [tilespmem:s10+$0x4170];
	[tilespmem:v16+s24+$0x0] =	vst.idx.msk $0x1, v12  }
0xb0: {  	v4 =	vadd.f32 v5, v4;
	v5 =	vmul.f32 v10, v7;
	v7 =	vmul.f32 v13, v11;
	v10 =	vld [tilespmem:s10+$0xC170]  }
0xb1: {  	v11 =	vunpack.i.l.bf16.f32 v6;
	v12 =	vld [tilespmem:s10+$0x4500]  }
0xb2: {  	v4 =	vadd.f32 v5, v4;
	v5 =	vmul.f32 v9, v7;
	v7 =	vmul.f32 v17, v11;
	v9 =	vld [tilespmem:s10+$0xC500]  }
0xb3: {  	v6 =	vunpack.i.u.bf16.f32 v6;
	v11 =	vld [tilespmem:s10+$0x4510]  }
0xb4: {  	v4 =	vadd.f32 v5, v4;
	v5 =	vmul.f32 v8, v7;
	v6 =	vmul.f32 v14, v6;
	v7 =	vld [tilespmem:s10+$0xC510]  }
0xb5: {  	v8 =	vunpack.i.l.bf16.f32 v3;
	v13 =	vld [tilespmem:s10+$0x4520]  }
0xb6: {  	v4 =	vadd.f32 v5, v4;
	v5 =	vmul.f32 v10, v6;
	v6 =	vmul.f32 v12, v8;
	v8 =	vld [tilespmem:s10+$0xC520]  }
0xb7: {  	v3 =	vunpack.i.u.bf16.f32 v3;
	v10 =	vld [tilespmem:s10+$0x4530]  }
0xb8: {  	v4 =	vadd.f32 v5, v4;
	v5 =	vmul.f32 v9, v6;
	v3 =	vmul.f32 v11, v3;
	v6 =	vld [tilespmem:s10+$0xC530]  }
0xb9: {  	v9 =	vunpack.i.l.bf16.f32 v2;
	v11 =	vld [tilespmem:s10+$0x4540]  }
0xba: {  	v4 =	vadd.f32 v5, v4;
	v3 =	vmul.f32 v7, v3;
	v5 =	vmul.f32 v13, v9;
	v7 =	vld [tilespmem:s10+$0xC540]  }
0xbb: {  	v2 =	vunpack.i.u.bf16.f32 v2;
	v9 =	vld [tilespmem:s10+$0x4550]  }
0xbc: {  	v3 =	vadd.f32 v3, v4;
	v4 =	vmul.f32 v8, v5;
	v2 =	vmul.f32 v10, v2;
	v5 =	vld [tilespmem:s10+$0xC550]  }
0xbd: {  	v8 =	vunpack.i.l.bf16.f32 v1;
	v10 =	vld [tilespmem:s10+$0x4560]  }
0xbe: {  	v3 =	vadd.f32 v4, v3;
	v2 =	vmul.f32 v6, v2;
	v4 =	vmul.f32 v11, v8;
	v6 =	vld [tilespmem:s10+$0xC560]  }
0xbf: {  	v1 =	vunpack.i.u.bf16.f32 v1;
	v8 =	vld [tilespmem:s10+$0x4570]  }
0xc0: {  	v2 =	vadd.f32 v2, v3;
	v3 =	vmul.f32 v7, v4;
	v1 =	vmul.f32 v9, v1;
	v4 =	vld [tilespmem:s19+$0x0]  }
0xc1: {  	v7 =	vunpack.i.l.bf16.f32 v0;
	v9 =	vld [tilespmem:s10+$0xC570]  }
0xc2: {  	v2 =	vadd.f32 v3, v2;
	v1 =	vmul.f32 v5, v1;
	v3 =	vmul.f32 v10, v7;
	v5 =	vld [tilespmem:s9+$0x4100]  }
0xc3: {  	v0 =	vunpack.i.u.bf16.f32 v0;
	v7 =	vld [tilespmem:s9+$0xC100]  }
0xc4: {  	v1 =	vadd.f32 v1, v2;
	v2 =	vmul.f32 v6, v3;
	v0 =	vmul.f32 v8, v0;
	v3 =	vld [tilespmem:s9+$0x4110]  }
0xc5: {  	v6 =	vunpack.i.u.bf16.f32 v4;
	v4 =	vunpack.i.l.bf16.f32 v4;
	v8 =	vld [tilespmem:s19+$0x10]  }
0xc6: {  	v1 =	vadd.f32 v2, v1;
	v0 =	vmul.f32 v9, v0;
	v2 =	vld [tilespmem:s9+$0xC110]  }
0xc7: {  	v4 =	vmul.f32 v5, v4;
	v5 =	vld [tilespmem:s9+$0x4120]  }
0xc8: {  	v0 =	vadd.f32 v0, v1;
	v1 =	vld [tilespmem:s9+$0xC120]  }
0xc9: {  	v4 =	vmul.f32 v7, v4;
	v3 =	vmul.f32 v3, v6;
	v6 =	vld [tilespmem:s9+$0x4130]  }
0xca: {  	v7 =	vunpack.i.u.bf16.f32 v8;
	v8 =	vunpack.i.l.bf16.f32 v8;
	v9 =	vld [tilespmem:s19+$0x20];
	(xrf2) =	vadd.scan.msk.f32 $0xffff, v0  }
0xcb: {  	v0 =	vadd.f32 $0.0e+00, v4;
	v2 =	vmul.f32 v2, v3;
	v3 =	vld [tilespmem:s9+$0xC130]  }
0xcc: {  	v4 =	vmul.f32 v5, v8;
	v5 =	vld [tilespmem:s9+$0x4140]  }
0xcd: {  	v0 =	vadd.f32 v2, v0;
	v2 =	vld [tilespmem:s9+$0xC140]  }
0xce: {  	v1 =	vmul.f32 v1, v4;
	v4 =	vmul.f32 v6, v7;
	v6 =	vld [tilespmem:s9+$0x4150]  }
0xcf: {  	v7 =	vmov s0;
	v8 =	vunpack.i.u.bf16.f32 v9;
	v9 =	vunpack.i.l.bf16.f32 v9;
	v10 =	vld [tilespmem:s19+$0x30]  }
0xd0: {  	v7 =	vand.u32 $0xFFFFFFFE, v7;
	v0 =	vadd.f32 v1, v0;
	v1 =	vmul.f32 v3, v4;
	v3 =	vld [tilespmem:s9+$0xC150]  }
0xd1: {  	v4 =	vbroadcast v7, $0x0;
	v5 =	vmul.f32 v5, v9;
	v7 =	vld [tilespmem:s9+$0x4160]  }
0xd2: {  	v0 =	vadd.f32 v1, v0;
	v1 =	vld [tilespmem:s9+$0xC160]  }
0xd3: {  	v2 =	vmul.f32 v2, v5;
	v5 =	vmul.f32 v6, v8;
	v6 =	vld [tilespmem:s9+$0x4170]  }
0xd4: {  	v8 =	vunpack.i.u.bf16.f32 v10;
	v9 =	vunpack.i.l.bf16.f32 v10;
	v10 =	vld [tilespmem:s19+$0x40];
	v11, _, _ =	vpop (xrf2)  }
0xd5: {  	v11 =	vbroadcast v11, $0xF;
	v0 =	vadd.f32 v2, v0;
	v2 =	vmul.f32 v3, v5;
	v3 =	vld [tilespmem:s9+$0xC170]  }
0xd6: {  	v5 =	vmul.f32 v7, v9;
	v7 =	vld [tilespmem:s9+$0x4500]  }
0xd7: {  	[tilespmem:v4+s24+$0x0] =	vst.idx.msk $0x1, v11;
	v0 =	vadd.f32 v2, v0;
	v2 =	vld [tilespmem:s9+$0xC500]  }
0xd8: {  	v1 =	vmul.f32 v1, v5;
	v4 =	vmul.f32 v6, v8;
	v5 =	vld [tilespmem:s9+$0x4510]  }
0xd9: {  	v6 =	vunpack.i.u.bf16.f32 v10;
	v8 =	vunpack.i.l.bf16.f32 v10;
	v9 =	vld [tilespmem:s19+$0x50]  }
0xda: {  	v0 =	vadd.f32 v1, v0;
	v1 =	vmul.f32 v3, v4;
	v3 =	vld [tilespmem:s9+$0xC510]  }
0xdb: {  	v4 =	vmul.f32 v7, v8;
	v7 =	vld [tilespmem:s9+$0x4520]  }
0xdc: {  	v0 =	vadd.f32 v1, v0;
	v1 =	vld [tilespmem:s9+$0xC520]  }
0xdd: {  	v2 =	vmul.f32 v2, v4;
	v4 =	vmul.f32 v5, v6;
	v5 =	vld [tilespmem:s9+$0x4530]  }
0xde: {  	v6 =	vunpack.i.u.bf16.f32 v9;
	v8 =	vunpack.i.l.bf16.f32 v9;
	v9 =	vld [tilespmem:s19+$0x60]  }
0xdf: {  	v0 =	vadd.f32 v2, v0;
	v2 =	vmul.f32 v3, v4;
	v3 =	vld [tilespmem:s9+$0xC530]  }
0xe0: {  	v4 =	vmul.f32 v7, v8;
	v7 =	vld [tilespmem:s9+$0x4540]  }
0xe1: {  	v0 =	vadd.f32 v2, v0;
	v2 =	vld [tilespmem:s9+$0xC540]  }
0xe2: {  	v1 =	vmul.f32 v1, v4;
	v4 =	vmul.f32 v5, v6;
	v5 =	vld [tilespmem:s9+$0x4550]  }
0xe3: {  	v6 =	vunpack.i.u.bf16.f32 v9;
	v8 =	vunpack.i.l.bf16.f32 v9;
	v9 =	vld [tilespmem:s19+$0x70]  }
0xe4: {  	v0 =	vadd.f32 v1, v0;
	v1 =	vmul.f32 v3, v4;
	v3 =	vld [tilespmem:s9+$0xC550]  }
0xe5: {  	v4 =	vmul.f32 v7, v8;
	v7 =	vld [tilespmem:s9+$0x4560]  }
0xe6: {  	v1 =	vadd.f32 v1, v0;
	v8 =	vld [tilespmem:s9+$0xC560]  }
0xe7: {  	v2 =	vmul.f32 v2, v4;
	v4 =	vmul.f32 v5, v6;
	v5 =	vld [tilespmem:s9+$0x4570]  }
0xe8: {  	s19 =	sadd.s32 $0x100, s19;
	v6 =	vunpack.i.u.bf16.f32 v9;
	v9 =	vunpack.i.l.bf16.f32 v9;
	v10 =	vld [tilespmem:s9+$0xC570]  }
0xe9: {  	v0 =	vld [tilespmem:s19+$0xFFFFFFF0];
	v11 =	vadd.f32 v2, v1;
	v3 =	vmul.f32 v3, v4  }
.Ltmp5:
0xea: {  	v1 =	vld [tilespmem:s19+$0xFFFFFFE0];
	v4 =	vmul.f32 v7, v9;
	(pc) =	sbr.rel @p1 .LBB2_4-.Ltmp5, $4  }
0xeb: {  	v2 =	vld [tilespmem:s19+$0xFFFFFFD0];
	v7 =	vadd.f32 v3, v11  }
0xec: {  	v3 =	vld [tilespmem:s19+$0xFFFFFFC0];
	v4 =	vmul.f32 v8, v4;
	v5 =	vmul.f32 v5, v6  }
0xed: {  	s20 =	sadd.s32 $0x100, s20;
	v6 =	vld [tilespmem:s19+$0xFFFFFFB0]  }
0xee: {  	s22 =	sadd.s32 $0x200, s22;
	s21 =	sadd.s32 $0x2, s21;
	s9 =	sadd.s32 $0xFFFFFF80, s20;
	v11 =	vld [tilespmem:s19+$0xFFFFFFA0];
	v4 =	vadd.f32 v4, v7;
	v5 =	vmul.f32 v10, v5  }
0xef: {  	v14 =	vld [tilespmem:s19+$0xFFFFFF90]  }
0xf0: {  	v7 =	vld [tilespmem:s19+$0xFFFFFF80]  }
0xf1: {  	v40 =	vld [tilespmem:s19+$0x0]  }
0xf2: {  	s10 =	sand.u32 $0x3800, s22;
	s9 =	sand.u32 $0x300, s9;
	v48 =	vld [tilespmem:s19+$0x10]  }
0xf3: {  	v59 =	vld [tilespmem:s19+$0x20];
	s9 =	sor.u32 s9, s10  }
0xf4: {  	v8 =	vld [tilespmem:s9+$0x4100]  }
0xf5: {  	v15 =	vld [tilespmem:s9+$0xC100]  }
0xf6: {  	v16 =	vld [tilespmem:s9+$0x4110]  }
0xf7: {  	v17 =	vld [tilespmem:s9+$0xC110]  }
0xf8: {  	v18 =	vld [tilespmem:s9+$0x4120]  }
0xf9: {  	v19 =	vld [tilespmem:s9+$0xC120]  }
0xfa: {  	v20 =	vld [tilespmem:s9+$0x4130]  }
0xfb: {  	v21 =	vld [tilespmem:s9+$0xC130]  }
0xfc: {  	v22 =	vld [tilespmem:s9+$0x4140]  }
0xfd: {  	v23 =	vld [tilespmem:s9+$0xC140]  }
0xfe: {  	v24 =	vld [tilespmem:s9+$0x4150]  }
0xff: {  	v25 =	vld [tilespmem:s9+$0xC150]  }
0x100: {  	v26 =	vld [tilespmem:s9+$0x4160]  }
0x101: {  	v27 =	vld [tilespmem:s9+$0xC160]  }
0x102: {  	v28 =	vld [tilespmem:s9+$0x4170]  }
0x103: {  	v29 =	vld [tilespmem:s9+$0xC170]  }
0x104: {  	v30 =	vld [tilespmem:s9+$0x4500]  }
0x105: {  	v31 =	vld [tilespmem:s9+$0xC500]  }
0x106: {  	v32 =	vld [tilespmem:s9+$0x4510]  }
0x107: {  	v33 =	vld [tilespmem:s9+$0xC510]  }
0x108: {  	v34 =	vld [tilespmem:s9+$0x4520]  }
0x109: {  	v35 =	vld [tilespmem:s9+$0xC520]  }
0x10a: {  	v36 =	vld [tilespmem:s9+$0x4530]  }
0x10b: {  	v37 =	vld [tilespmem:s9+$0xC530]  }
0x10c: {  	v38 =	vld [tilespmem:s9+$0x4540]  }
0x10d: {  	v13 =	vld [tilespmem:s9+$0xC540]  }
0x10e: {  	s11 =	sand.u32 $0x380, s20;
	v12 =	vld [tilespmem:s9+$0x4550]  }
0x10f: {  	s20 =	sor.u32 s10, s11;
	v9 =	vld [tilespmem:s9+$0xC550]  }
0x110: {  	v44 =	vld [tilespmem:s20+$0x4100]  }
0x111: {  	v45 =	vld [tilespmem:s20+$0xC100]  }
0x112: {  	v47 =	vld [tilespmem:s20+$0x4110]  }
0x113: {  	v50 =	vld [tilespmem:s20+$0xC110];
	v58 =	vunpack.i.l.bf16.f32 v6;
	v42 =	vunpack.i.u.bf16.f32 v6;
	v49 =	vunpack.i.l.bf16.f32 v11  }
0x114: {  	v52 =	vld [tilespmem:s20+$0x4120];
	v10 =	vunpack.i.l.bf16.f32 v7;
	v39 =	vunpack.i.u.bf16.f32 v7;
	v63 =	vunpack.i.l.bf16.f32 v14  }
0x115: {  	v55 =	vld [tilespmem:s20+$0xC120];
	v14 =	vunpack.i.u.bf16.f32 v14;
	v8 =	vmul.f32 v8, v10;
	v16 =	vmul.f32 v16, v39  }
0x116: {  	v57 =	vld [tilespmem:s20+$0x4130];
	v53 =	vunpack.i.u.bf16.f32 v11;
	v43 =	vmul.f32 v18, v63;
	v14 =	vmul.f32 v20, v14  }
0x117: {  	v61 =	vld [tilespmem:s20+$0xC130];
	v51 =	vunpack.i.l.bf16.f32 v40;
	v20 =	vmul.f32 v22, v49;
	v15 =	vmul.f32 v15, v8  }
0x118: {  	v41 =	vld [tilespmem:s20+$0x4150];
	v62 =	vunpack.i.l.bf16.f32 v48;
	v54 =	vmul.f32 v44, v51;
	v11 =	vmul.f32 v24, v53  }
0x119: {  	v7 =	vld [tilespmem:s9+$0xC560];
	v60 =	vmul.f32 v26, v58;
	v16 =	vmul.f32 v17, v16;
	v15 =	vadd.f32 $0.0e+00, v15  }
0x11a: {  	v56 =	vunpack.i.u.bf16.f32 v40;
	v40 =	vld [tilespmem:s20+$0xC140];
	v39 =	vmul.f32 v52, v62;
	v6 =	vmul.f32 v28, v42  }
0x11b: {  	v10 =	vld [tilespmem:s9+$0x4560];
	v46 =	vmul.f32 v19, v43;
	v14 =	vmul.f32 v21, v14;
	v15 =	vadd.f32 v16, v15  }
0x11c: {  	v63 =	vld [tilespmem:s20+$0x4140];
	v51 =	vunpack.i.u.bf16.f32 v3;
	v20 =	vmul.f32 v23, v20;
	v17 =	vmul.f32 v47, v56  }
0x11d: {  	v44 =	vld [tilespmem:s19+$0x30];
	v11 =	vmul.f32 v25, v11;
	v19 =	vunpack.i.u.bf16.f32 v48;
	v15 =	vadd.f32 v46, v15  }
0x11e: {  	v49 =	vld [tilespmem:s20+$0xC160];
	v28 =	vunpack.i.l.bf16.f32 v1;
	v6 =	vmul.f32 v29, v6;
	v43 =	vmul.f32 v57, v19  }
0x11f: {  	v52 =	vld [tilespmem:s19+$0x40];
	v48 =	vunpack.i.l.bf16.f32 v3;
	v14 =	vadd.f32 v14, v15;
	v15 =	vmul.f32 v45, v54  }
0x120: {  	v58 =	vld [tilespmem:s20+$0xC500];
	v21 =	vunpack.i.u.bf16.f32 v59;
	v3 =	vmul.f32 v32, v51;
	v18 =	vmul.f32 v61, v43  }
0x121: {  	v61 =	vld [tilespmem:s19+$0x50];
	v16 =	vmul.f32 v50, v17;
	v14 =	vadd.f32 v20, v14;
	v15 =	vadd.f32 $0.0e+00, v15  }
0x122: {  	v62 =	vld [tilespmem:s20+$0xC510];
	v25 =	vunpack.i.u.bf16.f32 v2;
	v24 =	vmul.f32 v30, v48;
	v3 =	vmul.f32 v33, v3  }
0x123: {  	v47 =	vld [tilespmem:s20+$0x4160];
	v11 =	vadd.f32 v11, v14;
	v15 =	vadd.f32 v16, v15;
	v14 =	vmul.f32 v55, v39  }
0x124: {  	v53 =	vmul.f32 v31, v24;
	v19 =	vunpack.i.u.bf16.f32 v44;
	v46 =	vunpack.i.l.bf16.f32 v59;
	v45 =	vld [tilespmem:s20+$0xC150]  }
0x125: {  	v26 =	vld [tilespmem:s20+$0xC520];
	v43 =	vunpack.i.l.bf16.f32 v0;
	v14 =	vadd.f32 v14, v15;
	v15 =	vmul.f32 v63, v46  }
0x126: {  	v50 =	vld [tilespmem:s20+$0x4170];
	v31 =	vunpack.i.l.bf16.f32 v61;
	v20 =	vmul.f32 v27, v60;
	v60 =	vunpack.i.l.bf16.f32 v2  }
0x127: {  	v56 =	vld [tilespmem:s20+$0x4500];
	v16 =	vmul.f32 v41, v21;
	v14 =	vadd.f32 v18, v14;
	v15 =	vmul.f32 v40, v15  }
0x128: {  	v54 =	vld [tilespmem:s20+$0xC170];
	v2 =	vmul.f32 v36, v25;
	v55 =	vunpack.i.l.bf16.f32 v44;
	v11 =	vadd.f32 v20, v11  }
0x129: {  	v42 =	vld [tilespmem:s20+$0x4560];
	v57 =	vmul.f32 v47, v55;
	v16 =	vmul.f32 v45, v16;
	v14 =	vadd.f32 v15, v14  }
0x12a: {  	v59 =	vld [tilespmem:s20+$0x4510];
	v36 =	vunpack.i.u.bf16.f32 v1;
	v17 =	vmul.f32 v34, v60;
	v6 =	vadd.f32 v6, v11  }
0x12b: {  	v29 =	vld [tilespmem:s19+$0x60];
	v11 =	vmul.f32 v49, v57;
	v18 =	vmul.f32 v50, v19;
	v14 =	vadd.f32 v16, v14  }
0x12c: {  	v24 =	vld [tilespmem:s20+$0x4520];
	v1 =	vmul.f32 v12, v36;
	v21 =	vunpack.i.u.bf16.f32 v52;
	v63 =	vunpack.i.l.bf16.f32 v52  }
0x12d: {  	v27 =	vld [tilespmem:s20+$0x4530];
	v18 =	vmul.f32 v54, v18;
	v11 =	vadd.f32 v11, v14;
	v14 =	vmul.f32 v56, v63  }
0x12e: {  	v32 =	vld [tilespmem:s20+$0x4540];
	v2 =	vmul.f32 v37, v2;
	v37 =	vunpack.i.u.bf16.f32 v61;
	v6 =	vadd.f32 v53, v6  }
0x12f: {  	v30 =	vld [tilespmem:s20+$0xC530];
	v16 =	vmul.f32 v59, v21;
	v11 =	vadd.f32 v18, v11;
	v14 =	vmul.f32 v58, v14  }
0x130: {  	v33 =	vld [tilespmem:s20+$0xC540];
	v17 =	vmul.f32 v35, v17;
	v1 =	vmul.f32 v9, v1;
	v3 =	vadd.f32 v3, v6  }
0x131: {  	v35 =	vld [tilespmem:s20+$0x4550];
	v6 =	vmul.f32 v62, v16;
	v11 =	vadd.f32 v14, v11;
	v14 =	vmul.f32 v24, v31  }
0x132: {  	v41 =	vunpack.i.l.bf16.f32 v29;
	v39 =	vmul.f32 v27, v37;
	v40 =	vld [tilespmem:s20+$0xC550];
	v15 =	vmul.f32 v38, v28  }
0x133: {  	v38 =	vld [tilespmem:s19+$0x70];
	v3 =	vadd.f32 v17, v3;
	v6 =	vadd.f32 v6, v11;
	v14 =	vmul.f32 v26, v14  }
0x134: {  	v8 =	vld [tilespmem:s9+$0x4570];
	v46 =	vunpack.i.u.bf16.f32 v29;
	v12 =	vmul.f32 v30, v39;
	v34 =	vmul.f32 v13, v15  }
0x135: {  	v44 =	vld [tilespmem:s20+$0xC560];
	v2 =	vadd.f32 v2, v3;
	v3 =	vmul.f32 v32, v41;
	v6 =	vadd.f32 v14, v6  }
0x136: {  	v47 =	vld [tilespmem:s20+$0x4570];
	v45 =	vmul.f32 v10, v43;
	v10 =	vmul.f32 v35, v46  }
0x137: {  	v48 =	vld [tilespmem:s9+$0xC570];
	v2 =	vadd.f32 v34, v2;
	v3 =	vmul.f32 v33, v3;
	v6 =	vadd.f32 v12, v6  }
0x138: {  	v51 =	vld [tilespmem:s20+$0xC570];
	v49 =	vunpack.i.u.bf16.f32 v0;
	v52 =	vmul.f32 v40, v10;
	v50 =	vunpack.i.l.bf16.f32 v38  }
0x139: {  	v1 =	vadd.f32 v1, v2;
	v2 =	vmul.f32 v42, v50;
	v3 =	vadd.f32 v3, v6  }
0x13a: {  	v7 =	vmul.f32 v7, v45;
	v0 =	vmul.f32 v8, v49;
	v53 =	vunpack.i.u.bf16.f32 v38  }
0x13b: {  	v54 =	vmul.f32 v47, v53;
	v2 =	vmul.f32 v44, v2;
	v3 =	vadd.f32 v52, v3  }
0x13c: {  	v0 =	vmul.f32 v48, v0;
	v1 =	vadd.f32 v7, v1  }
0x13d: {  	v4 =	vadd.f32 v5, v4;
	v55 =	vmul.f32 v51, v54;
	v2 =	vadd.f32 v2, v3  }
0x13e: {  	v0 =	vadd.f32 v0, v1  }
0x13f: {  	(xrf2) =	vadd.scan.msk.f32 $0xffff, v4;
	v56 =	vadd.f32 v55, v2  }
0x140: {  	(xrf2) =	vadd.scan.msk.f32 $0xffff, v0  }
0x141: {  	(xrf2) =	vadd.scan.msk.f32 $0xffff, v56;
	_ =	sdelay $0x3  }
0x142: {  	v57 =	vmov s4  }
0x143: {  	s0 =	sadd.s32 $0x1, s0;
	v0 =	vand.u32 $0xFFFFFFFE, v57  }
0x144: {  	v58 =	vmov s0;
	v0 =	vbroadcast v0, $0x0  }
0x145: {  	s21 =	sadd.s32 $0x1, s4  }
0x146: {  	v60 =	vmov s21;
	v59, _, _ =	vpop (xrf2)  }
0x147: {  	v2 =	vbroadcast v59, $0xF;
	v61, _, _ =	vpop (xrf2)  }
0x148: {  	s22 =	sshll.u32 s29, $0xC;
	v4 =	vbroadcast v61, $0xF;
	v62, _, _ =	vpop (xrf2)  }
0x149: {  	s0 =	sor.u32 s13, s22;
	[tilespmem:v58+s24+$0x0] =	vst.idx.msk $0x1, v2;
	v63 =	vbroadcast v62, $0xF  }
0x14a: {  	s0 =	sshrl.u32 s0, $0x3;
	[tilespmem:v0+s24+$0x0] =	vst.idx.msk $0x1, v4  }
0x14b: {  	s0 =	sadd.s32 s7, s0;
	[tilespmem:v60+s24+$0x0] =	vst.idx.msk $0x1, v63  }
0x14c: {  	[hbm4b:s0+s5] =	stream.linear.scatter [tilespmem:s24], [sflag:$0x3], $0x40, $0x38;
	[tilespmem:$0x14200] =	vst v63  }
.LBB2_6:
.Ltmp6:
0x14d: {  	(pc) =	sbr.rel @p0 .LBB2_10-.Ltmp6, $1  }
0x14e: {  	_ =	sdelay $0x3  }
0x14f: {  	s0 =	sadd.s32 $0x2, s31  }
0x150: {  	p0 =	sge.u32 s0, s8  }
0x151: {  	s0 =	sshll.u32 @!p0 s0, $0xB  }
0x152: {  	s0 =	sadd.s32 @!p0 s12, s0  }
0x153: {  	s4 =	sshrl.u32 @!p0 s0, $0x3  }
0x154: {  	s9 =	simm.s32 @!p0 $0x0;
	s4 =	sadd.s32 @!p0 s3, s4  }
0x155: {  	[tilespmem:s9], [sflag:$0x5] =	stream.linear.gather @!p0 [hbm4b:s4+s9], $0x40, $0x38;
	[tilespmem:$0x14200] =	vst v63  }
0x156: {  	s4 =	simm.s32 @!p0 $0x5  }
0x157: {  	_ =	swait.ge @!p0 [sflag:s4], $0x40  }
0x158: {  	s10 =	simm.s32 @!p0 $0x100;
	[sflag:s4] =	ssyncset.done @!p0 $0x0  }
0x159: {  	s0 =	sshll.u32 @!p0 s0, $0x5;
	[sflag:s4] =	ssyncadd.s32 @!p0 $0xFFFFFFC0;
	s4 =	simm.s32 @!p0 $0x40  }
0x15a: {  	[tilespmem:s10], [sflag:$0x1] =	stream.indirect.gather @!p0 [hbm4b:s6+s4], $0x80, s9, s4, $0xb8;
	[tilespmem:$0x14200] =	vst v63  }
0x15b: {  	s4 =	sadd.s32 @!p0 s1, s0;
	s10 =	simm.s32 @!p0 $0x4100  }
0x15c: {  	[tilespmem:s10], [sflag:$0x1] =	stream.linear.gather @!p0 [hbm4b:s4+s9], $0x4000, $0x38;
	[tilespmem:$0x14200] =	vst v63  }
0x15d: {  	s0 =	sadd.s32 @!p0 s2, s0;
	s4 =	simm.s32 @!p0 $0xC100  }
0x15e: {  	[tilespmem:s4], [sflag:$0x1] =	stream.linear.gather @!p0 [hbm4b:s0+s9], $0x4000, $0x38;
	[tilespmem:$0x14200] =	vst v63  }
0x15f: {  	_ =	swait.ge [sflag:s25], $0x2000  }
0x160: {  	[sflag:s25] =	ssyncset.done $0x0  }
0x161: {  	[sflag:s25] =	ssyncadd.s32 $0xFFFFE000  }
0x162: {  	_ =	swait.ge [sflag:s25], $0x4000  }
0x163: {  	[sflag:s25] =	ssyncset.done $0x0  }
0x164: {  	[sflag:s25] =	ssyncadd.s32 $0xFFFFC000  }
0x165: {  	_ =	swait.ge [sflag:s25], $0x4000  }
0x166: {  	p0 =	seq.s32 s29, $0x0;
	[sflag:s25] =	ssyncset.done $0x0  }
0x167: {  	s0 =	simm.s32 @!p0 $0x4;
	[sflag:s25] =	ssyncadd.s32 $0xFFFFC000  }
0x168: {  	_ =	swait.ge @!p0 [sflag:s0], $0x40  }
0x169: {  	[sflag:s0] =	ssyncset.done @!p0 $0x0  }
0x16a: {  	s20 =	simm.s32 $0x21F0;
	[sflag:s0] =	ssyncadd.s32 @!p0 $0xFFFFFFC0  }
0x16b: {  	v0 =	vld [tilespmem:s20+$0xFFFFFF80]  }
0x16c: {  	v1 =	vld [tilespmem:s20+$0xFFFFFF70]  }
0x16d: {  	v2 =	vld [tilespmem:s20+$0xFFFFFF60]  }
0x16e: {  	v3 =	vld [tilespmem:s20+$0xFFFFFF50]  }
0x16f: {  	v4 =	vld [tilespmem:s20+$0xFFFFFF40]  }
0x170: {  	v5 =	vld [tilespmem:s20+$0xFFFFFF30]  }
0x171: {  	v6 =	vld [tilespmem:s20+$0xFFFFFF20]  }
0x172: {  	v7 =	vld [tilespmem:s20+$0xFFFFFF10]  }
0x173: {  	v41 =	vld [tilespmem:s20+$0xFFFFFF90]  }
0x174: {  	v46 =	vld [tilespmem:s20+$0xFFFFFFA0]  }
0x175: {  	v51 =	vld [tilespmem:s20+$0xFFFFFFB0]  }
0x176: {  	s21 =	simm.s32 $0x0;
	s0 =	simm.s32 $0x0;
	v58 =	vld [tilespmem:s20+$0xFFFFFFD0]  }
0x177: {  	s9 =	sand.u32 $0x300, s21;
	s22 =	sand.u32 $0x3800, s0;
	v61 =	vld [tilespmem:s20+$0xFFFFFFE0]  }
0x178: {  	v62 =	vld [tilespmem:s20+$0x0];
	s11 =	sor.u32 s9, s22  }
0x179: {  	v8 =	vld [tilespmem:s11+$0x8100]  }
0x17a: {  	v9 =	vld [tilespmem:s11+$0x10100]  }
0x17b: {  	v10 =	vld [tilespmem:s11+$0x8110]  }
0x17c: {  	v11 =	vld [tilespmem:s11+$0x10110]  }
0x17d: {  	v12 =	vld [tilespmem:s11+$0x8120]  }
0x17e: {  	v13 =	vld [tilespmem:s11+$0x10120]  }
0x17f: {  	v14 =	vld [tilespmem:s11+$0x8130]  }
0x180: {  	v15 =	vld [tilespmem:s11+$0x10130]  }
0x181: {  	v16 =	vld [tilespmem:s11+$0x8140]  }
0x182: {  	v17 =	vld [tilespmem:s11+$0x10140]  }
0x183: {  	v18 =	vld [tilespmem:s11+$0x8150]  }
0x184: {  	v19 =	vld [tilespmem:s11+$0x10150]  }
0x185: {  	v20 =	vld [tilespmem:s11+$0x8160]  }
0x186: {  	v21 =	vld [tilespmem:s11+$0x10160]  }
0x187: {  	v22 =	vld [tilespmem:s11+$0x8170];
	v27 =	vunpack.i.l.bf16.f32 v7  }
0x188: {  	v23 =	vld [tilespmem:s11+$0x10170];
	v8 =	vmul.f32 v8, v27  }
0x189: {  	v24 =	vld [tilespmem:s11+$0x8500];
	v7 =	vunpack.i.u.bf16.f32 v7  }
0x18a: {  	v25 =	vld [tilespmem:s11+$0x10500];
	v7 =	vmul.f32 v10, v7;
	v8 =	vmul.f32 v9, v8  }
0x18b: {  	v26 =	vld [tilespmem:s11+$0x8510];
	v10 =	vunpack.i.l.bf16.f32 v6  }
0x18c: {  	v28 =	vld [tilespmem:s11+$0x10510];
	v10 =	vmul.f32 v12, v10;
	v7 =	vmul.f32 v11, v7;
	v8 =	vadd.f32 $0.0e+00, v8  }
0x18d: {  	v34 =	vld [tilespmem:s11+$0x8520];
	v6 =	vunpack.i.u.bf16.f32 v6  }
0x18e: {  	v29 =	vld [tilespmem:s11+$0x10520];
	v6 =	vmul.f32 v14, v6;
	v7 =	vadd.f32 v7, v8;
	v8 =	vmul.f32 v13, v10  }
0x18f: {  	v30 =	vld [tilespmem:s11+$0x10530];
	v36 =	vunpack.i.l.bf16.f32 v5  }
0x190: {  	v35 =	vld [tilespmem:s11+$0x10540];
	v6 =	vmul.f32 v15, v6;
	v7 =	vadd.f32 v8, v7;
	v8 =	vmul.f32 v16, v36  }
0x191: {  	v37 =	vld [tilespmem:s11+$0x10550];
	v5 =	vunpack.i.u.bf16.f32 v5  }
0x192: {  	s31 =	simm.s32 $0x80;
	v38 =	vld [tilespmem:s11+$0x8560];
	v5 =	vmul.f32 v18, v5;
	v6 =	vadd.f32 v6, v7;
	v7 =	vmul.f32 v17, v8  }
0x193: {  	s9 =	sand.u32 $0x380, s31;
	v39 =	vld [tilespmem:s11+$0x10560];
	v40 =	vunpack.i.l.bf16.f32 v4  }
0x194: {  	s9 =	sor.u32 s22, s9;
	v42 =	vld [tilespmem:s11+$0x10570];
	v5 =	vmul.f32 v19, v5;
	v6 =	vadd.f32 v7, v6;
	v7 =	vmul.f32 v20, v40  }
0x195: {  	v43 =	vld [tilespmem:s9+$0x8100];
	v4 =	vunpack.i.u.bf16.f32 v4  }
0x196: {  	v45 =	vld [tilespmem:s9+$0x8110];
	v4 =	vmul.f32 v22, v4;
	v5 =	vadd.f32 v5, v6;
	v6 =	vmul.f32 v21, v7  }
0x197: {  	v47 =	vld [tilespmem:s9+$0x10110];
	v44 =	vunpack.i.l.bf16.f32 v3  }
0x198: {  	v9 =	vld [tilespmem:s11+$0x8530];
	v4 =	vmul.f32 v23, v4;
	v5 =	vadd.f32 v6, v5;
	v6 =	vmul.f32 v24, v44  }
0x199: {  	v49 =	vld [tilespmem:s9+$0x10120];
	v3 =	vunpack.i.u.bf16.f32 v3  }
0x19a: {  	v50 =	vld [tilespmem:s9+$0x8130];
	v3 =	vmul.f32 v26, v3;
	v4 =	vadd.f32 v4, v5;
	v5 =	vmul.f32 v25, v6  }
0x19b: {  	v52 =	vld [tilespmem:s9+$0x8140];
	v48 =	vunpack.i.l.bf16.f32 v2;
	v2 =	vunpack.i.u.bf16.f32 v2  }
0x19c: {  	v3 =	vmul.f32 v28, v3;
	v7 =	vld [tilespmem:s9+$0x10100];
	v4 =	vadd.f32 v5, v4;
	v5 =	vmul.f32 v34, v48  }
0x19d: {  	v11 =	vld [tilespmem:s11+$0x8540];
	v2 =	vmul.f32 v9, v2  }
0x19e: {  	v9 =	vunpack.i.l.bf16.f32 v41;
	v6 =	vld [tilespmem:s9+$0x8120];
	v3 =	vadd.f32 v3, v4;
	v4 =	vmul.f32 v29, v5  }
0x19f: {  	v54 =	vunpack.i.l.bf16.f32 v1;
	v10 =	vld [tilespmem:s11+$0x8550];
	v9 =	vmul.f32 v43, v9  }
0x1a0: {  	v53 =	vld [tilespmem:s9+$0x10140];
	v2 =	vmul.f32 v30, v2;
	v3 =	vadd.f32 v4, v3;
	v4 =	vunpack.i.u.bf16.f32 v41  }
0x1a1: {  	v55 =	vld [tilespmem:s9+$0x8150];
	v1 =	vunpack.i.u.bf16.f32 v1;
	v7 =	vmul.f32 v7, v9;
	v4 =	vmul.f32 v45, v4  }
0x1a2: {  	v56 =	vld [tilespmem:s9+$0x10150];
	v11 =	vmul.f32 v11, v54;
	v2 =	vadd.f32 v2, v3;
	v3 =	vunpack.i.l.bf16.f32 v46  }
0x1a3: {  	v7 =	vadd.f32 $0.0e+00, v7;
	v5 =	vld [tilespmem:s9+$0x10130];
	v4 =	vmul.f32 v47, v4;
	v3 =	vmul.f32 v6, v3  }
0x1a4: {  	v57 =	vld [tilespmem:s9+$0x10160];
	v11 =	vmul.f32 v35, v11;
	v1 =	vmul.f32 v10, v1  }
0x1a5: {  	v8 =	vld [tilespmem:s11+$0x8570];
	v10 =	vunpack.i.u.bf16.f32 v46;
	v4 =	vadd.f32 v4, v7;
	v3 =	vmul.f32 v49, v3  }
0x1a6: {  	v1 =	vmul.f32 v37, v1;
	v9 =	vld [tilespmem:s20+$0xFFFFFFC0];
	v2 =	vadd.f32 v11, v2;
	v7 =	vmul.f32 v50, v10  }
0x1a7: {  	v6 =	vld [tilespmem:s9+$0x8160];
	v11 =	vunpack.i.l.bf16.f32 v0;
	v3 =	vadd.f32 v3, v4;
	v4 =	vunpack.i.l.bf16.f32 v51  }
0x1a8: {  	v59 =	vld [tilespmem:s9+$0x8500];
	v0 =	vunpack.i.u.bf16.f32 v0;
	v5 =	vmul.f32 v5, v7;
	v4 =	vmul.f32 v52, v4  }
0x1a9: {  	v10 =	vld [tilespmem:s9+$0x8170];
	v11 =	vmul.f32 v38, v11;
	v1 =	vadd.f32 v1, v2;
	v2 =	vunpack.i.u.bf16.f32 v51  }
0x1aa: {  	v60 =	vld [tilespmem:s9+$0x8510];
	v2 =	vmul.f32 v55, v2;
	v3 =	vadd.f32 v5, v3;
	v4 =	vmul.f32 v53, v4  }
0x1ab: {  	v0 =	vmul.f32 v8, v0;
	v8 =	vunpack.i.l.bf16.f32 v9;
	v7 =	vld [tilespmem:s9+$0x10170];
	v11 =	vmul.f32 v39, v11  }
0x1ac: {  	v5 =	vld [tilespmem:s9+$0x10500];
	v2 =	vmul.f32 v56, v2;
	v3 =	vadd.f32 v4, v3;
	v4 =	vmul.f32 v6, v8  }
0x1ad: {  	v0 =	vmul.f32 v42, v0;
	v1 =	vadd.f32 v11, v1;
	v11 =	vld [tilespmem:s9+$0x10530];
	v8 =	vunpack.i.u.bf16.f32 v9  }
0x1ae: {  	v6 =	vld [tilespmem:s9+$0x10510];
	v2 =	vadd.f32 v2, v3;
	v3 =	vmul.f32 v57, v4;
	v4 =	vmul.f32 v10, v8  }
0x1af: {  	v0 =	vadd.f32 v0, v1;
	v1 =	vunpack.i.l.bf16.f32 v58;
	v9 =	vld [tilespmem:s9+$0x8520]  }
0x1b0: {  	v1 =	vmul.f32 v59, v1;
	v8 =	vld [tilespmem:s9+$0x10520];
	v2 =	vadd.f32 v3, v2;
	v3 =	vmul.f32 v7, v4  }
0x1b1: {  	v10 =	vld [tilespmem:s9+$0x8530];
	v7 =	vunpack.i.u.bf16.f32 v58  }
0x1b2: {  	(xrf2) =	vadd.scan.msk.f32 $0xffff, v0;
	v1 =	vmul.f32 v5, v1;
	v4 =	vld [tilespmem:s20+$0xFFFFFFF0];
	v0 =	vadd.f32 v3, v2;
	v2 =	vmul.f32 v60, v7  }
0x1b3: {  	v5 =	vunpack.i.l.bf16.f32 v61;
	v3 =	vld [tilespmem:s9+$0x8540]  }
0x1b4: {  	v7 =	vld [tilespmem:s9+$0x10540];
	v0 =	vadd.f32 v1, v0;
	v1 =	vmul.f32 v6, v2;
	v2 =	vmul.f32 v9, v5  }
0x1b5: {  	v5 =	vld [tilespmem:s9+$0x8550];
	v6 =	vmov s0;
	v9 =	vunpack.i.u.bf16.f32 v61  }
0x1b6: {  	v0 =	vadd.f32 v1, v0;
	v1 =	vmul.f32 v8, v2;
	v2 =	vmul.f32 v10, v9;
	v8 =	vld [tilespmem:s9+$0x10550]  }
0x1b7: {  	v6 =	vand.u32 $0xFFFFFFFE, v6;
	v9 =	vunpack.i.l.bf16.f32 v4;
	v10 =	vld [tilespmem:s9+$0x8560]  }
0x1b8: {  	v0 =	vadd.f32 v1, v0;
	v1 =	vmul.f32 v11, v2;
	v2 =	vmul.f32 v3, v9;
	v9 =	vld [tilespmem:s9+$0x10560]  }
0x1b9: {  	v11 =	vbroadcast v6, $0x0;
	v3 =	vunpack.i.u.bf16.f32 v4;
	v4 =	vld [tilespmem:s9+$0x8570]  }
0x1ba: {  	s19 =	simm.s32 $0x22F0;
	v3 =	vmul.f32 v5, v3;
	v5 =	vld [tilespmem:s9+$0x10570];
	v1 =	vadd.f32 v1, v0;
	v2 =	vmul.f32 v7, v2  }
0x1bb: {  	v6 =	vunpack.i.l.bf16.f32 v62;
	v0 =	vld [tilespmem:s19+$0xFFFFFF80]  }
0x1bc: {  	v7, _, _ =	vpop (xrf2);
	v3 =	vmul.f32 v8, v3;
	v6 =	vmul.f32 v10, v6;
	v63 =	vadd.f32 v2, v1;
	v1 =	vld [tilespmem:s19+$0xFFFFFF70]  }
0x1bd: {  	v7 =	vbroadcast v7, $0xF;
	v8 =	vunpack.i.u.bf16.f32 v62;
	v2 =	vld [tilespmem:s19+$0xFFFFFF60]  }
0x1be: {  	v9 =	vmul.f32 v9, v6;
	v8 =	vmul.f32 v4, v8;
	v6 =	vld [tilespmem:s19+$0xFFFFFF40];
	v10 =	vadd.f32 v3, v63  }
0x1bf: {  	s4 =	simm.s32 $0x2;
	s21 =	simm.s32 $0x4;
	v3 =	vld [tilespmem:s19+$0xFFFFFF50]  }
0x1c0: {  	s22 =	simm.s32 $0x200;
	s20 =	simm.s32 $0x180;
	s9 =	simm.s32 $0x100;
	[tilespmem:v11+s26+$0x0] =	vst.idx.msk $0x1, v7;
	v11 =	vld [tilespmem:s19+$0xFFFFFF30];
	v5 =	vmul.f32 v5, v8;
	v4 =	vadd.f32 v9, v10  }
.LBB2_8:
0x1c1: {  	p0 =	slt.u32 s21, $0x3E;
	s11 =	sand.u32 $0x3800, s22;
	s9 =	sand.u32 $0x300, s9;
	v7 =	vld [tilespmem:s19+$0xFFFFFF20]  }
0x1c2: {  	v8 =	vld [tilespmem:s19+$0xFFFFFF10];
	s10 =	sor.u32 s9, s11;
	s9 =	sand.u32 $0x380, s20;
	v4 =	vadd.f32 v5, v4  }
0x1c3: {  	v5 =	vld [tilespmem:s10+$0x8100];
	s9 =	sor.u32 s11, s9  }
0x1c4: {  	v9 =	vld [tilespmem:s10+$0x10100];
	(xrf2) =	vadd.scan.msk.f32 $0xffff, v4  }
0x1c5: {  	v4 =	vld [tilespmem:s10+$0x8110]  }
0x1c6: {  	v10 =	vld [tilespmem:s10+$0x10110]  }
0x1c7: {  	v12 =	vunpack.i.l.bf16.f32 v8;
	v13 =	vld [tilespmem:s10+$0x8120]  }
0x1c8: {  	v5 =	vmul.f32 v5, v12;
	v12 =	vld [tilespmem:s10+$0x10120]  }
0x1c9: {  	v8 =	vunpack.i.u.bf16.f32 v8;
	v14 =	vld [tilespmem:s10+$0x8130]  }
0x1ca: {  	s11 =	sadd.s32 $0x1, s0;
	s0 =	smov.u32 s4;
	s4 =	smov.u32 s21;
	v5 =	vmul.f32 v9, v5;
	v4 =	vmul.f32 v4, v8;
	v8 =	vld [tilespmem:s10+$0x10130]  }
0x1cb: {  	v16 =	vmov s11;
	v9 =	vunpack.i.l.bf16.f32 v7;
	v15 =	vld [tilespmem:s10+$0x8140]  }
0x1cc: {  	v5 =	vadd.f32 $0.0e+00, v5;
	v4 =	vmul.f32 v10, v4;
	v9 =	vmul.f32 v13, v9;
	v10 =	vld [tilespmem:s10+$0x10140]  }
0x1cd: {  	v7 =	vunpack.i.u.bf16.f32 v7;
	v13 =	vld [tilespmem:s10+$0x8150]  }
0x1ce: {  	v4 =	vadd.f32 v4, v5;
	v5 =	vmul.f32 v12, v9;
	v7 =	vmul.f32 v14, v7;
	v9 =	vld [tilespmem:s10+$0x10150];
	v12, _, _ =	vpop (xrf2)  }
0x1cf: {  	v14 =	vunpack.i.l.bf16.f32 v11;
	v17 =	vld [tilespmem:s10+$0x8160];
	v12 =	vbroadcast v12, $0xF  }
0x1d0: {  	v4 =	vadd.f32 v5, v4;
	v5 =	vmul.f32 v8, v7;
	v7 =	vmul.f32 v15, v14;
	v8 =	vld [tilespmem:s10+$0x10160]  }
0x1d1: {  	v11 =	vunpack.i.u.bf16.f32 v11;
	v14 =	vld [tilespmem:s10+$0x8170];
	[tilespmem:v16+s26+$0x0] =	vst.idx.msk $0x1, v12  }
0x1d2: {  	v4 =	vadd.f32 v5, v4;
	v5 =	vmul.f32 v10, v7;
	v7 =	vmul.f32 v13, v11;
	v10 =	vld [tilespmem:s10+$0x10170]  }
0x1d3: {  	v11 =	vunpack.i.l.bf16.f32 v6;
	v12 =	vld [tilespmem:s10+$0x8500]  }
0x1d4: {  	v4 =	vadd.f32 v5, v4;
	v5 =	vmul.f32 v9, v7;
	v7 =	vmul.f32 v17, v11;
	v9 =	vld [tilespmem:s10+$0x10500]  }
0x1d5: {  	v6 =	vunpack.i.u.bf16.f32 v6;
	v11 =	vld [tilespmem:s10+$0x8510]  }
0x1d6: {  	v4 =	vadd.f32 v5, v4;
	v5 =	vmul.f32 v8, v7;
	v6 =	vmul.f32 v14, v6;
	v7 =	vld [tilespmem:s10+$0x10510]  }
0x1d7: {  	v8 =	vunpack.i.l.bf16.f32 v3;
	v13 =	vld [tilespmem:s10+$0x8520]  }
0x1d8: {  	v4 =	vadd.f32 v5, v4;
	v5 =	vmul.f32 v10, v6;
	v6 =	vmul.f32 v12, v8;
	v8 =	vld [tilespmem:s10+$0x10520]  }
0x1d9: {  	v3 =	vunpack.i.u.bf16.f32 v3;
	v10 =	vld [tilespmem:s10+$0x8530]  }
0x1da: {  	v4 =	vadd.f32 v5, v4;
	v5 =	vmul.f32 v9, v6;
	v3 =	vmul.f32 v11, v3;
	v6 =	vld [tilespmem:s10+$0x10530]  }
0x1db: {  	v9 =	vunpack.i.l.bf16.f32 v2;
	v11 =	vld [tilespmem:s10+$0x8540]  }
0x1dc: {  	v4 =	vadd.f32 v5, v4;
	v3 =	vmul.f32 v7, v3;
	v5 =	vmul.f32 v13, v9;
	v7 =	vld [tilespmem:s10+$0x10540]  }
0x1dd: {  	v2 =	vunpack.i.u.bf16.f32 v2;
	v9 =	vld [tilespmem:s10+$0x8550]  }
0x1de: {  	v3 =	vadd.f32 v3, v4;
	v4 =	vmul.f32 v8, v5;
	v2 =	vmul.f32 v10, v2;
	v5 =	vld [tilespmem:s10+$0x10550]  }
0x1df: {  	v8 =	vunpack.i.l.bf16.f32 v1;
	v10 =	vld [tilespmem:s10+$0x8560]  }
0x1e0: {  	v3 =	vadd.f32 v4, v3;
	v2 =	vmul.f32 v6, v2;
	v4 =	vmul.f32 v11, v8;
	v6 =	vld [tilespmem:s10+$0x10560]  }
0x1e1: {  	v1 =	vunpack.i.u.bf16.f32 v1;
	v8 =	vld [tilespmem:s10+$0x8570]  }
0x1e2: {  	v2 =	vadd.f32 v2, v3;
	v3 =	vmul.f32 v7, v4;
	v1 =	vmul.f32 v9, v1;
	v4 =	vld [tilespmem:s19+$0xFFFFFF90]  }
0x1e3: {  	v7 =	vunpack.i.l.bf16.f32 v0;
	v9 =	vld [tilespmem:s10+$0x10570]  }
0x1e4: {  	v2 =	vadd.f32 v3, v2;
	v1 =	vmul.f32 v5, v1;
	v3 =	vmul.f32 v10, v7;
	v5 =	vld [tilespmem:s9+$0x8100]  }
0x1e5: {  	v0 =	vunpack.i.u.bf16.f32 v0;
	v7 =	vld [tilespmem:s9+$0x10100]  }
0x1e6: {  	v1 =	vadd.f32 v1, v2;
	v2 =	vmul.f32 v6, v3;
	v0 =	vmul.f32 v8, v0;
	v3 =	vld [tilespmem:s9+$0x8110]  }
0x1e7: {  	v6 =	vunpack.i.u.bf16.f32 v4;
	v4 =	vunpack.i.l.bf16.f32 v4;
	v8 =	vld [tilespmem:s19+$0xFFFFFFA0]  }
0x1e8: {  	v1 =	vadd.f32 v2, v1;
	v0 =	vmul.f32 v9, v0;
	v2 =	vld [tilespmem:s9+$0x10110]  }
0x1e9: {  	v4 =	vmul.f32 v5, v4;
	v5 =	vld [tilespmem:s9+$0x8120]  }
0x1ea: {  	v0 =	vadd.f32 v0, v1;
	v1 =	vld [tilespmem:s9+$0x10120]  }
0x1eb: {  	v4 =	vmul.f32 v7, v4;
	v3 =	vmul.f32 v3, v6;
	v6 =	vld [tilespmem:s9+$0x8130]  }
0x1ec: {  	v7 =	vunpack.i.u.bf16.f32 v8;
	v8 =	vunpack.i.l.bf16.f32 v8;
	v9 =	vld [tilespmem:s19+$0xFFFFFFB0];
	(xrf2) =	vadd.scan.msk.f32 $0xffff, v0  }
0x1ed: {  	v0 =	vadd.f32 $0.0e+00, v4;
	v2 =	vmul.f32 v2, v3;
	v3 =	vld [tilespmem:s9+$0x10130]  }
0x1ee: {  	v4 =	vmul.f32 v5, v8;
	v5 =	vld [tilespmem:s9+$0x8140]  }
0x1ef: {  	v0 =	vadd.f32 v2, v0;
	v2 =	vld [tilespmem:s9+$0x10140]  }
0x1f0: {  	v1 =	vmul.f32 v1, v4;
	v4 =	vmul.f32 v6, v7;
	v6 =	vld [tilespmem:s9+$0x8150]  }
0x1f1: {  	v7 =	vmov s0;
	v8 =	vunpack.i.u.bf16.f32 v9;
	v9 =	vunpack.i.l.bf16.f32 v9;
	v10 =	vld [tilespmem:s19+$0xFFFFFFC0]  }
0x1f2: {  	v7 =	vand.u32 $0xFFFFFFFE, v7;
	v0 =	vadd.f32 v1, v0;
	v1 =	vmul.f32 v3, v4;
	v3 =	vld [tilespmem:s9+$0x10150]  }
0x1f3: {  	v4 =	vbroadcast v7, $0x0;
	v5 =	vmul.f32 v5, v9;
	v7 =	vld [tilespmem:s9+$0x8160]  }
0x1f4: {  	v0 =	vadd.f32 v1, v0;
	v1 =	vld [tilespmem:s9+$0x10160]  }
0x1f5: {  	v2 =	vmul.f32 v2, v5;
	v5 =	vmul.f32 v6, v8;
	v6 =	vld [tilespmem:s9+$0x8170]  }
0x1f6: {  	v8 =	vunpack.i.u.bf16.f32 v10;
	v9 =	vunpack.i.l.bf16.f32 v10;
	v10 =	vld [tilespmem:s19+$0xFFFFFFD0];
	v11, _, _ =	vpop (xrf2)  }
0x1f7: {  	v11 =	vbroadcast v11, $0xF;
	v0 =	vadd.f32 v2, v0;
	v2 =	vmul.f32 v3, v5;
	v3 =	vld [tilespmem:s9+$0x10170]  }
0x1f8: {  	v5 =	vmul.f32 v7, v9;
	v7 =	vld [tilespmem:s9+$0x8500]  }
0x1f9: {  	[tilespmem:v4+s26+$0x0] =	vst.idx.msk $0x1, v11;
	v0 =	vadd.f32 v2, v0;
	v2 =	vld [tilespmem:s9+$0x10500]  }
0x1fa: {  	v1 =	vmul.f32 v1, v5;
	v4 =	vmul.f32 v6, v8;
	v5 =	vld [tilespmem:s9+$0x8510]  }
0x1fb: {  	v6 =	vunpack.i.u.bf16.f32 v10;
	v8 =	vunpack.i.l.bf16.f32 v10;
	v9 =	vld [tilespmem:s19+$0xFFFFFFE0]  }
0x1fc: {  	v0 =	vadd.f32 v1, v0;
	v1 =	vmul.f32 v3, v4;
	v3 =	vld [tilespmem:s9+$0x10510]  }
0x1fd: {  	v4 =	vmul.f32 v7, v8;
	v7 =	vld [tilespmem:s9+$0x8520]  }
0x1fe: {  	v0 =	vadd.f32 v1, v0;
	v1 =	vld [tilespmem:s9+$0x10520]  }
0x1ff: {  	v2 =	vmul.f32 v2, v4;
	v4 =	vmul.f32 v5, v6;
	v5 =	vld [tilespmem:s9+$0x8530]  }
0x200: {  	v6 =	vunpack.i.u.bf16.f32 v9;
	v8 =	vunpack.i.l.bf16.f32 v9;
	v9 =	vld [tilespmem:s19+$0xFFFFFFF0]  }
0x201: {  	v0 =	vadd.f32 v2, v0;
	v2 =	vmul.f32 v3, v4;
	v3 =	vld [tilespmem:s9+$0x10530]  }
0x202: {  	v4 =	vmul.f32 v7, v8;
	v7 =	vld [tilespmem:s9+$0x8540]  }
0x203: {  	v0 =	vadd.f32 v2, v0;
	v2 =	vld [tilespmem:s9+$0x10540]  }
0x204: {  	v1 =	vmul.f32 v1, v4;
	v4 =	vmul.f32 v5, v6;
	v5 =	vld [tilespmem:s9+$0x8550]  }
0x205: {  	v6 =	vunpack.i.u.bf16.f32 v9;
	v8 =	vunpack.i.l.bf16.f32 v9;
	v9 =	vld [tilespmem:s19+$0x0]  }
0x206: {  	v0 =	vadd.f32 v1, v0;
	v1 =	vmul.f32 v3, v4;
	v3 =	vld [tilespmem:s9+$0x10550]  }
0x207: {  	v4 =	vmul.f32 v7, v8;
	v7 =	vld [tilespmem:s9+$0x8560]  }
0x208: {  	v1 =	vadd.f32 v1, v0;
	v8 =	vld [tilespmem:s9+$0x10560]  }
0x209: {  	v2 =	vmul.f32 v2, v4;
	v4 =	vmul.f32 v5, v6;
	v5 =	vld [tilespmem:s9+$0x8570]  }
0x20a: {  	s19 =	sadd.s32 $0x100, s19;
	v6 =	vunpack.i.u.bf16.f32 v9;
	v9 =	vunpack.i.l.bf16.f32 v9;
	v10 =	vld [tilespmem:s9+$0x10570]  }
0x20b: {  	v0 =	vld [tilespmem:s19+$0xFFFFFF80];
	v11 =	vadd.f32 v2, v1;
	v3 =	vmul.f32 v3, v4  }
.Ltmp7:
0x20c: {  	v1 =	vld [tilespmem:s19+$0xFFFFFF70];
	v4 =	vmul.f32 v7, v9;
	(pc) =	sbr.rel @p0 .LBB2_8-.Ltmp7, $4  }
0x20d: {  	v2 =	vld [tilespmem:s19+$0xFFFFFF60];
	v7 =	vadd.f32 v3, v11  }
0x20e: {  	v3 =	vld [tilespmem:s19+$0xFFFFFF50];
	v4 =	vmul.f32 v8, v4;
	v5 =	vmul.f32 v5, v6  }
0x20f: {  	s20 =	sadd.s32 $0x100, s20;
	v6 =	vld [tilespmem:s19+$0xFFFFFF40]  }
0x210: {  	s22 =	sadd.s32 $0x200, s22;
	s21 =	sadd.s32 $0x2, s21;
	s9 =	sadd.s32 $0xFFFFFF80, s20;
	v11 =	vld [tilespmem:s19+$0xFFFFFF30];
	v4 =	vadd.f32 v4, v7;
	v5 =	vmul.f32 v10, v5  }
0x211: {  	v14 =	vld [tilespmem:s19+$0xFFFFFF20]  }
0x212: {  	v7 =	vld [tilespmem:s19+$0xFFFFFF10]  }
0x213: {  	v40 =	vld [tilespmem:s19+$0xFFFFFF90]  }
0x214: {  	s10 =	sand.u32 $0x3800, s22;
	s9 =	sand.u32 $0x300, s9;
	v48 =	vld [tilespmem:s19+$0xFFFFFFA0]  }
0x215: {  	v59 =	vld [tilespmem:s19+$0xFFFFFFB0];
	s9 =	sor.u32 s9, s10  }
0x216: {  	v8 =	vld [tilespmem:s9+$0x8100]  }
0x217: {  	v15 =	vld [tilespmem:s9+$0x10100]  }
0x218: {  	v16 =	vld [tilespmem:s9+$0x8110]  }
0x219: {  	v17 =	vld [tilespmem:s9+$0x10110]  }
0x21a: {  	v18 =	vld [tilespmem:s9+$0x8120]  }
0x21b: {  	v19 =	vld [tilespmem:s9+$0x10120]  }
0x21c: {  	v20 =	vld [tilespmem:s9+$0x8130]  }
0x21d: {  	v21 =	vld [tilespmem:s9+$0x10130]  }
0x21e: {  	v22 =	vld [tilespmem:s9+$0x8140]  }
0x21f: {  	v23 =	vld [tilespmem:s9+$0x10140]  }
0x220: {  	v24 =	vld [tilespmem:s9+$0x8150]  }
0x221: {  	v25 =	vld [tilespmem:s9+$0x10150]  }
0x222: {  	v26 =	vld [tilespmem:s9+$0x8160]  }
0x223: {  	v27 =	vld [tilespmem:s9+$0x10160]  }
0x224: {  	v28 =	vld [tilespmem:s9+$0x8170]  }
0x225: {  	v29 =	vld [tilespmem:s9+$0x10170]  }
0x226: {  	v30 =	vld [tilespmem:s9+$0x8500]  }
0x227: {  	v31 =	vld [tilespmem:s9+$0x10500]  }
0x228: {  	v32 =	vld [tilespmem:s9+$0x8510]  }
0x229: {  	v33 =	vld [tilespmem:s9+$0x10510]  }
0x22a: {  	v34 =	vld [tilespmem:s9+$0x8520]  }
0x22b: {  	v35 =	vld [tilespmem:s9+$0x10520]  }
0x22c: {  	v36 =	vld [tilespmem:s9+$0x8530]  }
0x22d: {  	v37 =	vld [tilespmem:s9+$0x10530]  }
0x22e: {  	v38 =	vld [tilespmem:s9+$0x8540]  }
0x22f: {  	v13 =	vld [tilespmem:s9+$0x10540]  }
0x230: {  	s11 =	sand.u32 $0x380, s20;
	v12 =	vld [tilespmem:s9+$0x8550]  }
0x231: {  	s20 =	sor.u32 s10, s11;
	v9 =	vld [tilespmem:s9+$0x10550]  }
0x232: {  	v44 =	vld [tilespmem:s20+$0x8100]  }
0x233: {  	v45 =	vld [tilespmem:s20+$0x10100]  }
0x234: {  	v47 =	vld [tilespmem:s20+$0x8110]  }
0x235: {  	v50 =	vld [tilespmem:s20+$0x10110];
	v58 =	vunpack.i.l.bf16.f32 v6;
	v42 =	vunpack.i.u.bf16.f32 v6;
	v49 =	vunpack.i.l.bf16.f32 v11  }
0x236: {  	v52 =	vld [tilespmem:s20+$0x8120];
	v10 =	vunpack.i.l.bf16.f32 v7;
	v39 =	vunpack.i.u.bf16.f32 v7;
	v63 =	vunpack.i.l.bf16.f32 v14  }
0x237: {  	v55 =	vld [tilespmem:s20+$0x10120];
	v14 =	vunpack.i.u.bf16.f32 v14;
	v8 =	vmul.f32 v8, v10;
	v16 =	vmul.f32 v16, v39  }
0x238: {  	v57 =	vld [tilespmem:s20+$0x8130];
	v53 =	vunpack.i.u.bf16.f32 v11;
	v43 =	vmul.f32 v18, v63;
	v14 =	vmul.f32 v20, v14  }
0x239: {  	v61 =	vld [tilespmem:s20+$0x10130];
	v51 =	vunpack.i.l.bf16.f32 v40;
	v20 =	vmul.f32 v22, v49;
	v15 =	vmul.f32 v15, v8  }
0x23a: {  	v41 =	vld [tilespmem:s20+$0x8150];
	v62 =	vunpack.i.l.bf16.f32 v48;
	v54 =	vmul.f32 v44, v51;
	v11 =	vmul.f32 v24, v53  }
0x23b: {  	v7 =	vld [tilespmem:s9+$0x10560];
	v60 =	vmul.f32 v26, v58;
	v16 =	vmul.f32 v17, v16;
	v15 =	vadd.f32 $0.0e+00, v15  }
0x23c: {  	v56 =	vunpack.i.u.bf16.f32 v40;
	v40 =	vld [tilespmem:s20+$0x10140];
	v39 =	vmul.f32 v52, v62;
	v6 =	vmul.f32 v28, v42  }
0x23d: {  	v10 =	vld [tilespmem:s9+$0x8560];
	v46 =	vmul.f32 v19, v43;
	v14 =	vmul.f32 v21, v14;
	v15 =	vadd.f32 v16, v15  }
0x23e: {  	v63 =	vld [tilespmem:s20+$0x8140];
	v51 =	vunpack.i.u.bf16.f32 v3;
	v20 =	vmul.f32 v23, v20;
	v17 =	vmul.f32 v47, v56  }
0x23f: {  	v44 =	vld [tilespmem:s19+$0xFFFFFFC0];
	v11 =	vmul.f32 v25, v11;
	v19 =	vunpack.i.u.bf16.f32 v48;
	v15 =	vadd.f32 v46, v15  }
0x240: {  	v49 =	vld [tilespmem:s20+$0x10160];
	v28 =	vunpack.i.l.bf16.f32 v1;
	v6 =	vmul.f32 v29, v6;
	v43 =	vmul.f32 v57, v19  }
0x241: {  	v52 =	vld [tilespmem:s19+$0xFFFFFFD0];
	v48 =	vunpack.i.l.bf16.f32 v3;
	v14 =	vadd.f32 v14, v15;
	v15 =	vmul.f32 v45, v54  }
0x242: {  	v58 =	vld [tilespmem:s20+$0x10500];
	v21 =	vunpack.i.u.bf16.f32 v59;
	v3 =	vmul.f32 v32, v51;
	v18 =	vmul.f32 v61, v43  }
0x243: {  	v61 =	vld [tilespmem:s19+$0xFFFFFFE0];
	v16 =	vmul.f32 v50, v17;
	v14 =	vadd.f32 v20, v14;
	v15 =	vadd.f32 $0.0e+00, v15  }
0x244: {  	v62 =	vld [tilespmem:s20+$0x10510];
	v25 =	vunpack.i.u.bf16.f32 v2;
	v24 =	vmul.f32 v30, v48;
	v3 =	vmul.f32 v33, v3  }
0x245: {  	v47 =	vld [tilespmem:s20+$0x8160];
	v11 =	vadd.f32 v11, v14;
	v15 =	vadd.f32 v16, v15;
	v14 =	vmul.f32 v55, v39  }
0x246: {  	v53 =	vmul.f32 v31, v24;
	v19 =	vunpack.i.u.bf16.f32 v44;
	v46 =	vunpack.i.l.bf16.f32 v59;
	v45 =	vld [tilespmem:s20+$0x10150]  }
0x247: {  	v26 =	vld [tilespmem:s20+$0x10520];
	v43 =	vunpack.i.l.bf16.f32 v0;
	v14 =	vadd.f32 v14, v15;
	v15 =	vmul.f32 v63, v46  }
0x248: {  	v50 =	vld [tilespmem:s20+$0x8170];
	v31 =	vunpack.i.l.bf16.f32 v61;
	v20 =	vmul.f32 v27, v60;
	v60 =	vunpack.i.l.bf16.f32 v2  }
0x249: {  	v56 =	vld [tilespmem:s20+$0x8500];
	v16 =	vmul.f32 v41, v21;
	v14 =	vadd.f32 v18, v14;
	v15 =	vmul.f32 v40, v15  }
0x24a: {  	v54 =	vld [tilespmem:s20+$0x10170];
	v2 =	vmul.f32 v36, v25;
	v55 =	vunpack.i.l.bf16.f32 v44;
	v11 =	vadd.f32 v20, v11  }
0x24b: {  	v42 =	vld [tilespmem:s20+$0x8560];
	v57 =	vmul.f32 v47, v55;
	v16 =	vmul.f32 v45, v16;
	v14 =	vadd.f32 v15, v14  }
0x24c: {  	v59 =	vld [tilespmem:s20+$0x8510];
	v36 =	vunpack.i.u.bf16.f32 v1;
	v17 =	vmul.f32 v34, v60;
	v6 =	vadd.f32 v6, v11  }
0x24d: {  	v29 =	vld [tilespmem:s19+$0xFFFFFFF0];
	v11 =	vmul.f32 v49, v57;
	v18 =	vmul.f32 v50, v19;
	v14 =	vadd.f32 v16, v14  }
0x24e: {  	v24 =	vld [tilespmem:s20+$0x8520];
	v1 =	vmul.f32 v12, v36;
	v21 =	vunpack.i.u.bf16.f32 v52;
	v63 =	vunpack.i.l.bf16.f32 v52  }
0x24f: {  	v27 =	vld [tilespmem:s20+$0x8530];
	v18 =	vmul.f32 v54, v18;
	v11 =	vadd.f32 v11, v14;
	v14 =	vmul.f32 v56, v63  }
0x250: {  	v32 =	vld [tilespmem:s20+$0x8540];
	v2 =	vmul.f32 v37, v2;
	v37 =	vunpack.i.u.bf16.f32 v61;
	v6 =	vadd.f32 v53, v6  }
0x251: {  	v30 =	vld [tilespmem:s20+$0x10530];
	v16 =	vmul.f32 v59, v21;
	v11 =	vadd.f32 v18, v11;
	v14 =	vmul.f32 v58, v14  }
0x252: {  	v33 =	vld [tilespmem:s20+$0x10540];
	v17 =	vmul.f32 v35, v17;
	v1 =	vmul.f32 v9, v1;
	v3 =	vadd.f32 v3, v6  }
0x253: {  	v35 =	vld [tilespmem:s20+$0x8550];
	v6 =	vmul.f32 v62, v16;
	v11 =	vadd.f32 v14, v11;
	v14 =	vmul.f32 v24, v31  }
0x254: {  	v41 =	vunpack.i.l.bf16.f32 v29;
	v39 =	vmul.f32 v27, v37;
	v40 =	vld [tilespmem:s20+$0x10550];
	v15 =	vmul.f32 v38, v28  }
0x255: {  	v38 =	vld [tilespmem:s19+$0x0];
	v3 =	vadd.f32 v17, v3;
	v6 =	vadd.f32 v6, v11;
	v14 =	vmul.f32 v26, v14  }
0x256: {  	v8 =	vld [tilespmem:s9+$0x8570];
	v46 =	vunpack.i.u.bf16.f32 v29;
	v12 =	vmul.f32 v30, v39;
	v34 =	vmul.f32 v13, v15  }
0x257: {  	v44 =	vld [tilespmem:s20+$0x10560];
	v2 =	vadd.f32 v2, v3;
	v3 =	vmul.f32 v32, v41;
	v6 =	vadd.f32 v14, v6  }
0x258: {  	v47 =	vld [tilespmem:s20+$0x8570];
	v45 =	vmul.f32 v10, v43;
	v10 =	vmul.f32 v35, v46  }
0x259: {  	v48 =	vld [tilespmem:s9+$0x10570];
	v2 =	vadd.f32 v34, v2;
	v3 =	vmul.f32 v33, v3;
	v6 =	vadd.f32 v12, v6  }
0x25a: {  	v51 =	vld [tilespmem:s20+$0x10570];
	v49 =	vunpack.i.u.bf16.f32 v0;
	v52 =	vmul.f32 v40, v10;
	v50 =	vunpack.i.l.bf16.f32 v38  }
0x25b: {  	v1 =	vadd.f32 v1, v2;
	v2 =	vmul.f32 v42, v50;
	v3 =	vadd.f32 v3, v6  }
0x25c: {  	v7 =	vmul.f32 v7, v45;
	v0 =	vmul.f32 v8, v49;
	v53 =	vunpack.i.u.bf16.f32 v38  }
0x25d: {  	v54 =	vmul.f32 v47, v53;
	v2 =	vmul.f32 v44, v2;
	v3 =	vadd.f32 v52, v3  }
0x25e: {  	v0 =	vmul.f32 v48, v0;
	v1 =	vadd.f32 v7, v1  }
0x25f: {  	v4 =	vadd.f32 v5, v4;
	v55 =	vmul.f32 v51, v54;
	v2 =	vadd.f32 v2, v3  }
0x260: {  	v0 =	vadd.f32 v0, v1  }
0x261: {  	(xrf2) =	vadd.scan.msk.f32 $0xffff, v4;
	v56 =	vadd.f32 v55, v2  }
0x262: {  	(xrf2) =	vadd.scan.msk.f32 $0xffff, v0  }
0x263: {  	(xrf2) =	vadd.scan.msk.f32 $0xffff, v56;
	_ =	sdelay $0x3  }
0x264: {  	v57 =	vmov s4  }
0x265: {  	s0 =	sadd.s32 $0x1, s0;
	v0 =	vand.u32 $0xFFFFFFFE, v57  }
0x266: {  	v58 =	vmov s0;
	v0 =	vbroadcast v0, $0x0  }
0x267: {  	s22 =	sadd.s32 $0x1, s4  }
0x268: {  	v60 =	vmov s22;
	v59, _, _ =	vpop (xrf2)  }
0x269: {  	v2 =	vbroadcast v59, $0xF;
	v61, _, _ =	vpop (xrf2)  }
.Ltmp8:
0x26a: {  	s31 =	sshll.u32 s30, $0xB;
	v4 =	vbroadcast v61, $0xF;
	v62, _, _ =	vpop (xrf2);
	(pc) =	sbr.rel .LBB2_10-.Ltmp8, $4  }
0x26b: {  	s0 =	sor.u32 s13, s31;
	[tilespmem:v58+s26+$0x0] =	vst.idx.msk $0x1, v2;
	v63 =	vbroadcast v62, $0xF  }
0x26c: {  	s0 =	sshrl.u32 s0, $0x3;
	[tilespmem:v0+s26+$0x0] =	vst.idx.msk $0x1, v4  }
0x26d: {  	s0 =	sadd.s32 s7, s0;
	[tilespmem:v60+s26+$0x0] =	vst.idx.msk $0x1, v63  }
0x26e: {  	[hbm4b:s0+s5] =	stream.linear.scatter [tilespmem:s26], [sflag:$0x4], $0x40, $0x38;
	[tilespmem:$0x14200] =	vst v63  }
.LBB2_12:
0x26f: {  	_ =	sfence.sel $0x180000  }
0x270: {  	[bflag:$0x0] =	sbarrier.arrive $0xFFFF  }
0x271: {  	_ =	strace $0x90000047  }
0x272: {  	s0 =	stileid.u32;
	[bflag:$0x2] =	sbarrier.arrive $0xFFFF  }
0x273: {  	p0 =	sne.s32 s0, $0x0;
	s0 =	rddreg [dreg:$0x4]  }
0x274: {  	s0 =	sadd.s32 @!p0 $0x100000, s0  }
0x275: {  	[sflag:s0] =	ssyncadd.tile.s32 @!p0 $0x1;
	_ =	shalt  }
.Lfunc_end2:
_tile_overlayer_lowered:
.L_overlay_start_2:
0x276: {  	(tag) =	ssettag $0x2  }
0x277: {  	s0 =	rddreg [dreg:$0x0];
	s2 =	stileid.u32  }
0x278: {  	s1 =	rddreg [dreg:$0x1];
	p0 =	sne.s32 s2, $0x0  }
0x279: {  	s3 =	rddreg [dreg:$0x2];
	[bflag:$0x3] =	sbarrier.arrive $0xFFFF;
	s2 =	simm.s32 @!p0 $0x1C05  }
0x27a: {  	[timem:s3], [sflag:s2] =	dma.local @!p0 [hbm:s0], s1  }
0x27b: {  	s0 =	simm.s32 @!p0 $0x5  }
0x27c: {  	_ =	swait.ge @!p0 [sflag:s0], s1  }
0x27d: {  	s1 =	ssub.s32 @!p0 $0x0, s1;
	[sflag:s0] =	ssyncset.done @!p0 $0x0  }
0x27e: {  	[sflag:s0] =	ssyncadd.s32 @!p0 s1  }
0x27f: {  	[bflag:$0x3] =	sbarrier.arrive $0xFFFF  }
0x280: {  	_ =	shalt  }

</sc_bundles>
